<compile_context>
chip_gen: v7x
topology: tpu7x:2x2x1
jax: 0.10.2.dev20260603
libtpu: 0.0.44.dev20260713+nightly
codegen_flags: <defaults>
</compile_context>

<pallas_src>
import functools

import jax
import jax.numpy as jnp
from jax import lax
from jax.experimental import pallas as pl
from jax.experimental.pallas import tpu as pltpu
from jax.experimental.pallas import tpu_sc as plsc

N, E, D1, DH, D2 = 10000, 320000, 128, 512, 40
NPAD = 10240
D2P = 48
NW = 32
CH = 128
NCH = 80
EPAD = NW * NCH * CH
NBUF = 5
RPS = NPAD // 16
RB = 1024


def _sc_mesh():
    return plsc.VectorSubcoreMesh(core_axis_name="c", subcore_axis_name="s")


def _make_deg_kernel():
    @functools.partial(
        pl.kernel,
        out_type=jax.ShapeDtypeStruct((2, NPAD, 16), jnp.float32),
        mesh=_sc_mesh(),
        compiler_params=pltpu.CompilerParams(use_tc_tiling_on_sc=False),
        scratch_types=[
            pltpu.VMEM((NCH, CH), jnp.int32),
            pltpu.VMEM((CH, 16), jnp.float32),
            pltpu.VMEM_SHARED((NPAD, 16), jnp.float32),
            pltpu.SemaphoreType.DMA,
        ],
    )
    def deg_kernel(dst_hbm, ones_hbm, zeros_hbm, out_hbm, dst_v, ones_v, acc,
                   sem):
        c = lax.axis_index("c")
        s = lax.axis_index("s")
        wid = c * 16 + s
        pltpu.sync_copy(dst_hbm.at[wid], dst_v)
        pltpu.sync_copy(ones_hbm, ones_v)
        pltpu.sync_copy(zeros_hbm, acc.at[pl.ds(s * RPS, RPS)])
        plsc.subcore_barrier()

        def fire(j, carry):
            pltpu.async_copy(ones_v, acc.at[dst_v.at[j]], sem, add=True)
            return carry

        lax.fori_loop(0, NCH, fire, 0)

        def drain(j, carry):
            pltpu.make_async_copy(ones_v, acc.at[dst_v.at[j]], sem).wait()
            return carry

        lax.fori_loop(0, NCH, drain, 0)
        plsc.subcore_barrier()
        pltpu.sync_copy(acc.at[pl.ds(s * RPS, RPS)],
                        out_hbm.at[c].at[pl.ds(s * RPS, RPS)])

    return deg_kernel


def _make_agg_split_kernel():
    DS = D1 // 2
    T = 2 * NCH

    @functools.partial(
        pl.kernel,
        out_type=jax.ShapeDtypeStruct((2, NPAD, DS), jnp.float32),
        mesh=_sc_mesh(),
        compiler_params=pltpu.CompilerParams(use_tc_tiling_on_sc=False),
        scratch_types=[
            pltpu.VMEM((T + NBUF, CH), jnp.int32),
            pltpu.VMEM((T, CH), jnp.int32),
            pltpu.VMEM((NBUF, CH, DS), jnp.float32),
            pltpu.VMEM_SHARED((NPAD, DS), jnp.float32),
        ] + [pltpu.SemaphoreType.DMA] * (2 * NBUF),
    )
    def agg_kernel(src_hbm, dst_hbm, y_hbm, zeros_hbm, pad_hbm, out_hbm,
                   src_v, dst_v, buf, acc, *sems):
        c = lax.axis_index("c")
        s = lax.axis_index("s")
        gsem = sems[:NBUF]
        ssem = sems[NBUF:]
        pltpu.sync_copy(src_hbm.at[2 * s], src_v.at[pl.ds(0, NCH)])
        pltpu.sync_copy(src_hbm.at[2 * s + 1], src_v.at[pl.ds(NCH, NCH)])
        pltpu.sync_copy(pad_hbm, src_v.at[pl.ds(T, NBUF)])
        pltpu.sync_copy(dst_hbm.at[2 * s], dst_v.at[pl.ds(0, NCH)])
        pltpu.sync_copy(dst_hbm.at[2 * s + 1], dst_v.at[pl.ds(NCH, NCH)])
        pltpu.sync_copy(zeros_hbm, acc.at[pl.ds(s * RPS, RPS)])
        plsc.subcore_barrier()

        for b in range(NBUF):
            pltpu.async_copy(y_hbm.at[c].at[src_v.at[b]], buf.at[b], gsem[b])

        def body(i, carry):
            j = i * NBUF
            for b in range(NBUF):
                pltpu.make_async_copy(
                    y_hbm.at[c].at[src_v.at[j + b]], buf.at[b],
                    gsem[b]).wait()
            scps = []
            for b in range(NBUF):
                scps.append(pltpu.async_copy(
                    buf.at[b], acc.at[dst_v.at[j + b]], ssem[b], add=True))
            for b in range(NBUF):
                scps[b].wait()
                pltpu.async_copy(y_hbm.at[c].at[src_v.at[j + NBUF + b]],
                                 buf.at[b], gsem[b])
            return carry

        lax.fori_loop(0, T // NBUF, body, 0)
        for b in range(NBUF):
            pltpu.make_async_copy(
                y_hbm.at[c].at[src_v.at[T + b]], buf.at[b], gsem[b]).wait()
        plsc.subcore_barrier()
        pltpu.sync_copy(acc.at[pl.ds(s * RPS, RPS)],
                        out_hbm.at[c].at[pl.ds(s * RPS, RPS)])

    return agg_kernel


def _make_agg_kernel(D):

    @functools.partial(
        pl.kernel,
        out_type=jax.ShapeDtypeStruct((2, NPAD, D), jnp.float32),
        mesh=_sc_mesh(),
        compiler_params=pltpu.CompilerParams(use_tc_tiling_on_sc=False),
        scratch_types=[
            pltpu.VMEM((NCH + NBUF, CH), jnp.int32),
            pltpu.VMEM((NCH, CH), jnp.int32),
            pltpu.VMEM((NBUF, CH, D), jnp.float32),
            pltpu.VMEM_SHARED((NPAD, D), jnp.float32),
        ] + [pltpu.SemaphoreType.DMA] * (2 * NBUF),
    )
    def agg_kernel(src_hbm, dst_hbm, y_hbm, zeros_hbm, pad_hbm, out_hbm,
                   src_v, dst_v, buf, acc, *sems):
        c = lax.axis_index("c")
        s = lax.axis_index("s")
        wid = c * 16 + s
        gsem = sems[:NBUF]
        ssem = sems[NBUF:]
        pltpu.sync_copy(src_hbm.at[wid], src_v.at[pl.ds(0, NCH)])
        pltpu.sync_copy(pad_hbm, src_v.at[pl.ds(NCH, NBUF)])
        pltpu.sync_copy(dst_hbm.at[wid], dst_v)
        pltpu.sync_copy(zeros_hbm, acc.at[pl.ds(s * RPS, RPS)])
        plsc.subcore_barrier()

        for b in range(NBUF):
            pltpu.async_copy(y_hbm.at[src_v.at[b]], buf.at[b], gsem[b])

        def body(i, carry):
            j = i * NBUF
            for b in range(NBUF):
                pltpu.make_async_copy(
                    y_hbm.at[src_v.at[j + b]], buf.at[b], gsem[b]).wait()
            scps = []
            for b in range(NBUF):
                scps.append(pltpu.async_copy(
                    buf.at[b], acc.at[dst_v.at[j + b]], ssem[b], add=True))
            for b in range(NBUF):
                scps[b].wait()
                pltpu.async_copy(y_hbm.at[src_v.at[j + NBUF + b]],
                                 buf.at[b], gsem[b])
            return carry

        lax.fori_loop(0, NCH // NBUF, body, 0)
        for b in range(NBUF):
            pltpu.make_async_copy(
                y_hbm.at[src_v.at[NCH + b]], buf.at[b], gsem[b]).wait()
        plsc.subcore_barrier()
        pltpu.sync_copy(acc.at[pl.ds(s * RPS, RPS)],
                        out_hbm.at[c].at[pl.ds(s * RPS, RPS)])

    return agg_kernel


def _tc_prep(degp, xp):
    def body(degp_ref, x_ref, y_ref, dinv_ref):
        d = degp_ref[0, :, 0:1] + degp_ref[1, :, 0:1] + 1.0
        dinv = lax.rsqrt(d)
        dinv_ref[...] = dinv
        y = x_ref[...] * dinv
        y_ref[0] = y[:, :D1 // 2]
        y_ref[1] = y[:, D1 // 2:]

    return pl.pallas_call(
        body,
        grid=(NPAD // RB,),
        in_specs=[
            pl.BlockSpec((2, RB, 16), lambda i: (0, i, 0)),
            pl.BlockSpec((RB, D1), lambda i: (i, 0)),
        ],
        out_specs=[
            pl.BlockSpec((2, RB, D1 // 2), lambda i: (0, i, 0)),
            pl.BlockSpec((RB, 1), lambda i: (i, 0)),
        ],
        out_shape=[
            jax.ShapeDtypeStruct((2, NPAD, D1 // 2), jnp.float32),
            jax.ShapeDtypeStruct((NPAD, 1), jnp.float32),
        ],
    )(degp, xp)


def _tc_mm(y, p, dinv, W1, b1r, W2p):
    def body(y_ref, p_ref, dinv_ref, w1_ref, b1_ref, w2_ref, y2_ref):
        dinv = dinv_ref[...]
        a = jnp.concatenate(
            [p_ref[0] + y_ref[0], p_ref[1] + y_ref[1]], axis=1) * dinv
        h = lax.dot_general(a, w1_ref[...], (((1,), (1,)), ((), ())),
                            preferred_element_type=jnp.float32)
        h = jnp.maximum(h + b1_ref[...], 0.0)
        m = lax.dot_general(h, w2_ref[...], (((1,), (1,)), ((), ())),
                            preferred_element_type=jnp.float32)
        y2_ref[...] = m * dinv

    return pl.pallas_call(
        body,
        grid=(NPAD // RB,),
        in_specs=[
            pl.BlockSpec((2, RB, D1 // 2), lambda i: (0, i, 0)),
            pl.BlockSpec((2, RB, D1 // 2), lambda i: (0, i, 0)),
            pl.BlockSpec((RB, 1), lambda i: (i, 0)),
            pl.BlockSpec((DH, D1), lambda i: (0, 0)),
            pl.BlockSpec((1, DH), lambda i: (0, 0)),
            pl.BlockSpec((D2P, DH), lambda i: (0, 0)),
        ],
        out_specs=pl.BlockSpec((RB, D2P), lambda i: (i, 0)),
        out_shape=jax.ShapeDtypeStruct((NPAD, D2P), jnp.float32),
    )(y, p, dinv, W1, b1r, W2p)


def _tc_out(q, y2, dinv, b2p):
    def body(q_ref, y2_ref, dinv_ref, b2_ref, o_ref):
        z = (q_ref[0] + q_ref[1] + y2_ref[...]) * dinv_ref[...] + b2_ref[...]
        col = lax.broadcasted_iota(jnp.int32, (RB, D2P), 1)
        zm = jnp.where(col < D2, z, -jnp.inf)
        mx = jnp.max(zm, axis=1, keepdims=True)
        lse = mx + jnp.log(jnp.sum(jnp.exp(zm - mx), axis=1, keepdims=True))
        o_ref[...] = (z - lse)[:, :D2]

    return pl.pallas_call(
        body,
        grid=(NPAD // RB,),
        in_specs=[
            pl.BlockSpec((2, RB, D2P), lambda i: (0, i, 0)),
            pl.BlockSpec((RB, D2P), lambda i: (i, 0)),
            pl.BlockSpec((RB, 1), lambda i: (i, 0)),
            pl.BlockSpec((1, D2P), lambda i: (0, 0)),
        ],
        out_specs=pl.BlockSpec((RB, D2), lambda i: (i, 0)),
        out_shape=jax.ShapeDtypeStruct((N, D2), jnp.float32),
    )(q, y2, dinv, b2p)


_deg_kernel = _make_deg_kernel()
_agg_d1 = _make_agg_split_kernel()
_agg_d2 = _make_agg_kernel(D2P)


def kernel(x, edge_index, W1, b1, W2, b2):
    f32 = jnp.float32
    npad_zone = NPAD - N
    pad_e = EPAD - E
    pad_idx = (N + (jnp.arange(pad_e, dtype=jnp.int32) % npad_zone))
    srcp = jnp.concatenate([edge_index[0], pad_idx]).reshape(NW, NCH, CH)
    dstp = jnp.concatenate([edge_index[1], pad_idx]).reshape(NW, NCH, CH)

    xp = jnp.concatenate([x, jnp.zeros((NPAD - N, D1), f32)], axis=0)
    ones_c = jnp.ones((CH, 16), f32)
    z1 = jnp.zeros((RPS, 16), f32)
    zd1 = jnp.zeros((RPS, D1 // 2), f32)
    zd2 = jnp.zeros((RPS, D2P), f32)
    W2p = jnp.concatenate([W2, jnp.zeros((D2P - D2, DH), f32)], axis=0)
    b1r = b1.reshape(1, DH)
    b2p = jnp.concatenate([b2, jnp.zeros((D2P - D2,), f32)]).reshape(1, D2P)

    padc = (N + (jnp.arange(NBUF * CH, dtype=jnp.int32)
                 % npad_zone)).reshape(NBUF, CH)

    degp = _deg_kernel(dstp, ones_c, z1)
    y, dinv = _tc_prep(degp, xp)
    p = _agg_d1(srcp, dstp, y, zd1, padc)
    y2 = _tc_mm(y, p, dinv, W1, b1r, W2p)
    q = _agg_d2(srcp, dstp, y2, zd2, padc)
    return _tc_out(q, y2, dinv, b2p)

# --- scband reference (transcript-rebuilt; emitter-appended) ---
"""Pipeline reference for scband-gnn-28389733826682 (READ-ONLY COPY).

The authoritative reference and input builder live on the scoring server;
editing this copy changes nothing except your own understanding.
"""

import jax, jax.numpy as jnp
import numpy as np

N, E, D_IN, D_HID, D_OUT = 10000, 320000, 128, 512, 40


def gcn_conv(x, edge_index, W, b):
    n = x.shape[0]
    loop = jnp.arange(n, dtype=edge_index.dtype)
    src = jnp.concatenate([edge_index[0], loop])
    dst = jnp.concatenate([edge_index[1], loop])
    deg = jnp.zeros((n,), dtype=x.dtype).at[dst].add(1.0)
    dinv = jnp.where(deg > 0, jax.lax.rsqrt(jnp.maximum(deg, 1e-12)), 0.0)
    norm = dinv[src] * dinv[dst]
    h = x @ W.T
    msg = jnp.take(h, src, axis=0) * norm[:, None]
    out = jnp.zeros((n, h.shape[1]), dtype=x.dtype).at[dst].add(msg)
    return out + b


def setup_inputs(seed: int = 0):
    key = jax.random.key(seed)
    k1, k2, k3, k4, k5, k6 = jax.random.split(key, 6)
    x = jax.random.normal(k1, (N, D_IN), dtype=jnp.float32)
    edge_index = jax.random.randint(k2, (2, E), 0, N, dtype=jnp.int32)
    W1 = jax.random.normal(k3, (D_HID, D_IN), dtype=jnp.float32) * (1.0 / np.sqrt(D_IN))
    b1 = jnp.zeros((D_HID,), dtype=jnp.float32)
    W2 = jax.random.normal(k4, (D_OUT, D_HID), dtype=jnp.float32) * (1.0 / np.sqrt(D_HID))
    b2 = jnp.zeros((D_OUT,), dtype=jnp.float32)
    return {"x": x, "edge_index": edge_index, "W1": W1, "b1": b1, "W2": W2, "b2": b2}


def reference(x, edge_index, W1, b1, W2, b2):
    h = gcn_conv(x, edge_index, W1, b1)
    h = jax.nn.relu(h)
    # dropout is identity in eval mode (training=False)
    h = gcn_conv(h, edge_index, W2, b2)
    return jax.nn.log_softmax(h, axis=1)

if __name__ == "__main__":
    import jax
    _d = setup_inputs()
    print(jax.jit(kernel)(*tuple(_d.values())))

</pallas_src>

<mosaic_0001>
#map = affine_map<(d0, d1) -> (0, 0, 0)>
#map1 = affine_map<(d0, d1) -> (0, 0)>
module attributes {stable_mosaic.version = 14 : i64} {
  func.func @deg_kernel(%arg0: i32, %arg1: i32, %arg2: memref<32x80x128xi32, #tpu.memory_space<hbm>>, %arg3: memref<128x16xf32, #tpu.memory_space<hbm>>, %arg4: memref<640x16xf32, #tpu.memory_space<hbm>>, %arg5: memref<2x10240x16xf32, #tpu.memory_space<hbm>>, %arg6: memref<80x128xi32, #tpu.memory_space<vmem>>, %arg7: memref<128x16xf32, #tpu.memory_space<vmem>>, %arg8: memref<10240x16xf32, #tpu.memory_space<vmem_shared>>, %arg9: memref<!tpu.dma_semaphore, #tpu.memory_space<semaphore_mem>>) attributes {dimension_semantics = [#tpu.dimension_semantics<core_parallel>, #tpu.dimension_semantics<subcore_parallel>], iteration_bounds = array<i64: 2, 16>, scalar_prefetch = 0 : i64, scratch_operands = 4 : i64, tpu.core_type = #tpu.core_type<sc_vector_subcore>, window_params = [{transform_indices = #map}, {transform_indices = #map1}, {transform_indices = #map1}, {transform_indices = #map}]} {
    %mul3A = arith.constant 16 : i32
    %mul3A_0 = arith.muli %arg0, %mul3A : i32
    %add3A = arith.addi %mul3A_0, %arg1 : i32
    "tpu.region"() ({
      %run_scoped3A = tpu.sem_alloc : memref<!tpu.dma_semaphore, #tpu.memory_space<semaphore_mem>>
      %dma_start3A = arith.constant 0 : i32
      %dma_start3A_19 = arith.constant 0 : i32
      %dma_start3A_20 = tpu.memref_slice %arg2[%add3A, %dma_start3A, %dma_start3A_19] : memref<32x80x128xi32, #tpu.memory_space<hbm>> -> memref<1x80x128xi32, #tpu.memory_space<hbm>>
      %dma_start3A_21 = tpu.memref_squeeze %dma_start3A_20 : memref<1x80x128xi32, #tpu.memory_space<hbm>> -> memref<80x128xi32, #tpu.memory_space<hbm>>
      %dma_start3A_22 = arith.constant 0 : i32
      %dma_start3A_23 = arith.constant 0 : i32
      %dma_start3A_24 = tpu.memref_slice %arg2[%add3A, %dma_start3A_22, %dma_start3A_23] : memref<32x80x128xi32, #tpu.memory_space<hbm>> -> memref<1x80x128xi32, #tpu.memory_space<hbm>>
      %dma_start3A_25 = tpu.memref_squeeze %dma_start3A_24 : memref<1x80x128xi32, #tpu.memory_space<hbm>> -> memref<80x128xi32, #tpu.memory_space<hbm>>
      tpu.enqueue_dma source(%dma_start3A_25 : memref<80x128xi32, #tpu.memory_space<hbm>>) target(%arg6 : memref<80x128xi32, #tpu.memory_space<vmem>>) target_semaphore(%run_scoped3A : memref<!tpu.dma_semaphore, #tpu.memory_space<semaphore_mem>>)
      %dma_wait3A = arith.constant 0 : i32
      %dma_wait3A_26 = arith.constant 0 : i32
      %dma_wait3A_27 = tpu.memref_slice %arg2[%add3A, %dma_wait3A, %dma_wait3A_26] : memref<32x80x128xi32, #tpu.memory_space<hbm>> -> memref<1x80x128xi32, #tpu.memory_space<hbm>>
      %dma_wait3A_28 = tpu.memref_squeeze %dma_wait3A_27 : memref<1x80x128xi32, #tpu.memory_space<hbm>> -> memref<80x128xi32, #tpu.memory_space<hbm>>
      %dma_wait3A_29 = arith.constant 0 : i32
      %dma_wait3A_30 = arith.constant 0 : i32
      %dma_wait3A_31 = tpu.memref_slice %arg2[%add3A, %dma_wait3A_29, %dma_wait3A_30] : memref<32x80x128xi32, #tpu.memory_space<hbm>> -> memref<1x80x128xi32, #tpu.memory_space<hbm>>
      %dma_wait3A_32 = tpu.memref_squeeze %dma_wait3A_31 : memref<1x80x128xi32, #tpu.memory_space<hbm>> -> memref<80x128xi32, #tpu.memory_space<hbm>>
      tpu.wait_dma2 semaphore(%run_scoped3A : memref<!tpu.dma_semaphore, #tpu.memory_space<semaphore_mem>>) src(%dma_wait3A_32 : memref<80x128xi32, #tpu.memory_space<hbm>>) dst(%arg6 : memref<80x128xi32, #tpu.memory_space<vmem>>)
      tpu.yield
    }) : () -> ()
    "tpu.region"() ({
      %run_scoped3A = tpu.sem_alloc : memref<!tpu.dma_semaphore, #tpu.memory_space<semaphore_mem>>
      tpu.enqueue_dma source(%arg3 : memref<128x16xf32, #tpu.memory_space<hbm>>) target(%arg7 : memref<128x16xf32, #tpu.memory_space<vmem>>) target_semaphore(%run_scoped3A : memref<!tpu.dma_semaphore, #tpu.memory_space<semaphore_mem>>)
      tpu.wait_dma2 semaphore(%run_scoped3A : memref<!tpu.dma_semaphore, #tpu.memory_space<semaphore_mem>>) src(%arg3 : memref<128x16xf32, #tpu.memory_space<hbm>>) dst(%arg7 : memref<128x16xf32, #tpu.memory_space<vmem>>)
      tpu.yield
    }) : () -> ()
    %mul3A_1 = arith.constant 640 : i32
    %mul3A_2 = arith.muli %arg1, %mul3A_1 : i32
    "tpu.region"() ({
      %run_scoped3A = tpu.sem_alloc : memref<!tpu.dma_semaphore, #tpu.memory_space<semaphore_mem>>
      %dma_start3A = arith.constant 0 : i32
      %dma_start3A_19 = tpu.memref_slice %arg8[%mul3A_2, %dma_start3A] : memref<10240x16xf32, #tpu.memory_space<vmem_shared>> -> memref<640x16xf32, #tpu.memory_space<vmem_shared>>
      tpu.enqueue_dma source(%arg4 : memref<640x16xf32, #tpu.memory_space<hbm>>) target(%dma_start3A_19 : memref<640x16xf32, #tpu.memory_space<vmem_shared>>) target_semaphore(%run_scoped3A : memref<!tpu.dma_semaphore, #tpu.memory_space<semaphore_mem>>)
      %dma_wait3A = arith.constant 0 : i32
      %dma_wait3A_20 = tpu.memref_slice %arg8[%mul3A_2, %dma_wait3A] : memref<10240x16xf32, #tpu.memory_space<vmem_shared>> -> memref<640x16xf32, #tpu.memory_space<vmem_shared>>
      tpu.wait_dma2 semaphore(%run_scoped3A : memref<!tpu.dma_semaphore, #tpu.memory_space<semaphore_mem>>) src(%arg4 : memref<640x16xf32, #tpu.memory_space<hbm>>) dst(%dma_wait3A_20 : memref<640x16xf32, #tpu.memory_space<vmem_shared>>)
      tpu.yield
    }) : () -> ()
    %barrier3A = arith.constant 0 : index
    tpu.barrier barrier_id(%barrier3A)
    %scan3A = arith.constant 0 : i32
    %scan3A_3 = arith.constant 0 : i32
    %scan3A_4 = arith.constant 80 : i32
    %scan3A_5 = arith.addi %scan3A_3, %scan3A_4 : i32
    %scan3A_6 = arith.constant 1 : i32
    scf.for %scan3A_19 = %scan3A_3 to %scan3A_5 step %scan3A_6  : i32 {
      %dma_start3A = arith.constant 0 : i32
      %dma_start3A_20 = tpu.memref_slice %arg6[%scan3A_19, %dma_start3A] : memref<80x128xi32, #tpu.memory_space<vmem>> -> memref<1x128xi32, #tpu.memory_space<vmem>>
      %dma_start3A_21 = tpu.memref_squeeze %dma_start3A_20 : memref<1x128xi32, #tpu.memory_space<vmem>> -> memref<128xi32, #tpu.memory_space<vmem>>
      %dma_start3A_22 = arith.constant 0 : i32
      %dma_start3A_23 = arith.constant 0 : i32
      %dma_start3A_24 = tpu.memref_slice %arg8[%dma_start3A_22, %dma_start3A_23] : memref<10240x16xf32, #tpu.memory_space<vmem_shared>> -> memref<10240x16xf32, #tpu.memory_space<vmem_shared>>
      tpu.enqueue_indirect_dma source(%arg7 : memref<128x16xf32, #tpu.memory_space<vmem>>) target(%dma_start3A_24 : memref<10240x16xf32, #tpu.memory_space<vmem_shared>>) offsets(%dma_start3A_21 : memref<128xi32, #tpu.memory_space<vmem>>) semaphore(%arg9 : memref<!tpu.dma_semaphore, #tpu.memory_space<semaphore_mem>>) {add = true}
    }
    %scan3A_7 = arith.constant 80 : i32
    %scan3A_8 = arith.constant 0 : i32
    %scan3A_9 = arith.constant 0 : i32
    %scan3A_10 = arith.constant 80 : i32
    %scan3A_11 = arith.addi %scan3A_9, %scan3A_10 : i32
    %scan3A_12 = arith.constant 1 : i32
    scf.for %scan3A_19 = %scan3A_9 to %scan3A_11 step %scan3A_12  : i32 {
      %dma_wait3A = arith.constant 0 : i32
      %dma_wait3A_20 = tpu.memref_slice %arg6[%scan3A_19, %dma_wait3A] : memref<80x128xi32, #tpu.memory_space<vmem>> -> memref<1x128xi32, #tpu.memory_space<vmem>>
      %dma_wait3A_21 = tpu.memref_squeeze %dma_wait3A_20 : memref<1x128xi32, #tpu.memory_space<vmem>> -> memref<128xi32, #tpu.memory_space<vmem>>
      %dma_wait3A_22 = arith.constant 0 : i32
      %dma_wait3A_23 = arith.constant 0 : i32
      %dma_wait3A_24 = tpu.memref_slice %arg8[%dma_wait3A_22, %dma_wait3A_23] : memref<10240x16xf32, #tpu.memory_space<vmem_shared>> -> memref<10240x16xf32, #tpu.memory_space<vmem_shared>>
      tpu.wait_indirect_dma semaphore(%arg9 : memref<!tpu.dma_semaphore, #tpu.memory_space<semaphore_mem>>) src(%arg7 : memref<128x16xf32, #tpu.memory_space<vmem>>) dst(%dma_wait3A_24 : memref<10240x16xf32, #tpu.memory_space<vmem_shared>>)
    }
    %scan3A_13 = arith.constant 80 : i32
    %barrier3A_14 = arith.constant 0 : index
    tpu.barrier barrier_id(%barrier3A_14)
    %mul3A_15 = arith.constant 640 : i32
    %mul3A_16 = arith.muli %arg1, %mul3A_15 : i32
    %mul3A_17 = arith.constant 640 : i32
    %mul3A_18 = arith.muli %arg1, %mul3A_17 : i32
    "tpu.region"() ({
      %run_scoped3A = tpu.sem_alloc : memref<!tpu.dma_semaphore, #tpu.memory_space<semaphore_mem>>
      %dma_start3A = arith.constant 0 : i32
      %dma_start3A_19 = arith.constant 0 : i32
      %dma_start3A_20 = tpu.memref_slice %arg5[%arg0, %dma_start3A, %dma_start3A_19] : memref<2x10240x16xf32, #tpu.memory_space<hbm>> -> memref<1x10240x16xf32, #tpu.memory_space<hbm>>
      %dma_start3A_21 = tpu.memref_squeeze %dma_start3A_20 : memref<1x10240x16xf32, #tpu.memory_space<hbm>> -> memref<10240x16xf32, #tpu.memory_space<hbm>>
      %dma_start3A_22 = arith.constant 0 : i32
      %dma_start3A_23 = tpu.memref_slice %dma_start3A_21[%mul3A_18, %dma_start3A_22] : memref<10240x16xf32, #tpu.memory_space<hbm>> -> memref<640x16xf32, #tpu.memory_space<hbm>>
      %dma_start3A_24 = arith.constant 0 : i32
      %dma_start3A_25 = tpu.memref_slice %arg8[%mul3A_16, %dma_start3A_24] : memref<10240x16xf32, #tpu.memory_space<vmem_shared>> -> memref<640x16xf32, #tpu.memory_space<vmem_shared>>
      tpu.enqueue_dma source(%dma_start3A_25 : memref<640x16xf32, #tpu.memory_space<vmem_shared>>) target(%dma_start3A_23 : memref<640x16xf32, #tpu.memory_space<hbm>>) target_semaphore(%run_scoped3A : memref<!tpu.dma_semaphore, #tpu.memory_space<semaphore_mem>>)
      %dma_wait3A = arith.constant 0 : i32
      %dma_wait3A_26 = arith.constant 0 : i32
      %dma_wait3A_27 = tpu.memref_slice %arg5[%arg0, %dma_wait3A, %dma_wait3A_26] : memref<2x10240x16xf32, #tpu.memory_space<hbm>> -> memref<1x10240x16xf32, #tpu.memory_space<hbm>>
      %dma_wait3A_28 = tpu.memref_squeeze %dma_wait3A_27 : memref<1x10240x16xf32, #tpu.memory_space<hbm>> -> memref<10240x16xf32, #tpu.memory_space<hbm>>
      %dma_wait3A_29 = arith.constant 0 : i32
      %dma_wait3A_30 = tpu.memref_slice %dma_wait3A_28[%mul3A_18, %dma_wait3A_29] : memref<10240x16xf32, #tpu.memory_space<hbm>> -> memref<640x16xf32, #tpu.memory_space<hbm>>
      %dma_wait3A_31 = arith.constant 0 : i32
      %dma_wait3A_32 = tpu.memref_slice %arg8[%mul3A_16, %dma_wait3A_31] : memref<10240x16xf32, #tpu.memory_space<vmem_shared>> -> memref<640x16xf32, #tpu.memory_space<vmem_shared>>
      tpu.wait_dma2 semaphore(%run_scoped3A : memref<!tpu.dma_semaphore, #tpu.memory_space<semaphore_mem>>) src(%dma_wait3A_32 : memref<640x16xf32, #tpu.memory_space<vmem_shared>>) dst(%dma_wait3A_30 : memref<640x16xf32, #tpu.memory_space<hbm>>)
      tpu.yield
    }) : () -> ()
    return
  }
}

#map = affine_map<(d0, d1) -> (0, 0, 0)>
#map1 = affine_map<(d0, d1) -> (0, 0)>
module attributes {stable_mosaic.version = 14 : i64} {
  func.func @agg_kernel(%arg0: i32, %arg1: i32, %arg2: memref<32x80x128xi32, #tpu.memory_space<hbm>>, %arg3: memref<32x80x128xi32, #tpu.memory_space<hbm>>, %arg4: memref<2x10240x64xf32, #tpu.memory_space<hbm>>, %arg5: memref<640x64xf32, #tpu.memory_space<hbm>>, %arg6: memref<5x128xi32, #tpu.memory_space<hbm>>, %arg7: memref<2x10240x64xf32, #tpu.memory_space<hbm>>, %arg8: memref<165x128xi32, #tpu.memory_space<vmem>>, %arg9: memref<160x128xi32, #tpu.memory_space<vmem>>, %arg10: memref<5x128x64xf32, #tpu.memory_space<vmem>>, %arg11: memref<10240x64xf32, #tpu.memory_space<vmem_shared>>, %arg12: memref<!tpu.dma_semaphore, #tpu.memory_space<semaphore_mem>>, %arg13: memref<!tpu.dma_semaphore, #tpu.memory_space<semaphore_mem>>, %arg14: memref<!tpu.dma_semaphore, #tpu.memory_space<semaphore_mem>>, %arg15: memref<!tpu.dma_semaphore, #tpu.memory_space<semaphore_mem>>, %arg16: memref<!tpu.dma_semaphore, #tpu.memory_space<semaphore_mem>>, %arg17: memref<!tpu.dma_semaphore, #tpu.memory_space<semaphore_mem>>, %arg18: memref<!tpu.dma_semaphore, #tpu.memory_space<semaphore_mem>>, %arg19: memref<!tpu.dma_semaphore, #tpu.memory_space<semaphore_mem>>, %arg20: memref<!tpu.dma_semaphore, #tpu.memory_space<semaphore_mem>>, %arg21: memref<!tpu.dma_semaphore, #tpu.memory_space<semaphore_mem>>) attributes {dimension_semantics = [#tpu.dimension_semantics<core_parallel>, #tpu.dimension_semantics<subcore_parallel>], iteration_bounds = array<i64: 2, 16>, scalar_prefetch = 0 : i64, scratch_operands = 14 : i64, tpu.core_type = #tpu.core_type<sc_vector_subcore>, window_params = [{transform_indices = #map}, {transform_indices = #map}, {transform_indices = #map}, {transform_indices = #map1}, {transform_indices = #map1}, {transform_indices = #map}]} {
    %mul3A = arith.constant 2 : i32
    %mul3A_0 = arith.muli %mul3A, %arg1 : i32
    "tpu.region"() ({
      %run_scoped3A = tpu.sem_alloc : memref<!tpu.dma_semaphore, #tpu.memory_space<semaphore_mem>>
      %dma_start3A_180 = arith.constant 0 : i32
      %dma_start3A_181 = arith.constant 0 : i32
      %dma_start3A_182 = tpu.memref_slice %arg8[%dma_start3A_180, %dma_start3A_181] : memref<165x128xi32, #tpu.memory_space<vmem>> -> memref<80x128xi32, #tpu.memory_space<vmem>>
      %dma_start3A_183 = arith.constant 0 : i32
      %dma_start3A_184 = arith.constant 0 : i32
      %dma_start3A_185 = tpu.memref_slice %arg2[%mul3A_0, %dma_start3A_183, %dma_start3A_184] : memref<32x80x128xi32, #tpu.memory_space<hbm>> -> memref<1x80x128xi32, #tpu.memory_space<hbm>>
      %dma_start3A_186 = tpu.memref_squeeze %dma_start3A_185 : memref<1x80x128xi32, #tpu.memory_space<hbm>> -> memref<80x128xi32, #tpu.memory_space<hbm>>
      %dma_start3A_187 = arith.constant 0 : i32
      %dma_start3A_188 = arith.constant 0 : i32
      %dma_start3A_189 = tpu.memref_slice %arg8[%dma_start3A_187, %dma_start3A_188] : memref<165x128xi32, #tpu.memory_space<vmem>> -> memref<80x128xi32, #tpu.memory_space<vmem>>
      %dma_start3A_190 = arith.constant 0 : i32
      %dma_start3A_191 = arith.constant 0 : i32
      %dma_start3A_192 = tpu.memref_slice %arg2[%mul3A_0, %dma_start3A_190, %dma_start3A_191] : memref<32x80x128xi32, #tpu.memory_space<hbm>> -> memref<1x80x128xi32, #tpu.memory_space<hbm>>
      %dma_start3A_193 = tpu.memref_squeeze %dma_start3A_192 : memref<1x80x128xi32, #tpu.memory_space<hbm>> -> memref<80x128xi32, #tpu.memory_space<hbm>>
      tpu.enqueue_dma source(%dma_start3A_193 : memref<80x128xi32, #tpu.memory_space<hbm>>) target(%dma_start3A_189 : memref<80x128xi32, #tpu.memory_space<vmem>>) target_semaphore(%run_scoped3A : memref<!tpu.dma_semaphore, #tpu.memory_space<semaphore_mem>>)
      %dma_wait3A_194 = arith.constant 0 : i32
      %dma_wait3A_195 = arith.constant 0 : i32
      %dma_wait3A_196 = tpu.memref_slice %arg8[%dma_wait3A_194, %dma_wait3A_195] : memref<165x128xi32, #tpu.memory_space<vmem>> -> memref<80x128xi32, #tpu.memory_space<vmem>>
      %dma_wait3A_197 = arith.constant 0 : i32
      %dma_wait3A_198 = arith.constant 0 : i32
      %dma_wait3A_199 = tpu.memref_slice %arg2[%mul3A_0, %dma_wait3A_197, %dma_wait3A_198] : memref<32x80x128xi32, #tpu.memory_space<hbm>> -> memref<1x80x128xi32, #tpu.memory_space<hbm>>
      %dma_wait3A_200 = tpu.memref_squeeze %dma_wait3A_199 : memref<1x80x128xi32, #tpu.memory_space<hbm>> -> memref<80x128xi32, #tpu.memory_space<hbm>>
      %dma_wait3A_201 = arith.constant 0 : i32
      %dma_wait3A_202 = arith.constant 0 : i32
      %dma_wait3A_203 = tpu.memref_slice %arg8[%dma_wait3A_201, %dma_wait3A_202] : memref<165x128xi32, #tpu.memory_space<vmem>> -> memref<80x128xi32, #tpu.memory_space<vmem>>
      %dma_wait3A_204 = arith.constant 0 : i32
      %dma_wait3A_205 = arith.constant 0 : i32
      %dma_wait3A_206 = tpu.memref_slice %arg2[%mul3A_0, %dma_wait3A_204, %dma_wait3A_205] : memref<32x80x128xi32, #tpu.memory_space<hbm>> -> memref<1x80x128xi32, #tpu.memory_space<hbm>>
      %dma_wait3A_207 = tpu.memref_squeeze %dma_wait3A_206 : memref<1x80x128xi32, #tpu.memory_space<hbm>> -> memref<80x128xi32, #tpu.memory_space<hbm>>
      tpu.wait_dma2 semaphore(%run_scoped3A : memref<!tpu.dma_semaphore, #tpu.memory_space<semaphore_mem>>) src(%dma_wait3A_207 : memref<80x128xi32, #tpu.memory_space<hbm>>) dst(%dma_wait3A_203 : memref<80x128xi32, #tpu.memory_space<vmem>>)
      tpu.yield
    }) : () -> ()
    %mul3A_1 = arith.constant 2 : i32
    %mul3A_2 = arith.muli %mul3A_1, %arg1 : i32
    %add3A = arith.constant 1 : i32
    %add3A_3 = arith.addi %mul3A_2, %add3A : i32
    "tpu.region"() ({
      %run_scoped3A = tpu.sem_alloc : memref<!tpu.dma_semaphore, #tpu.memory_space<semaphore_mem>>
      %dma_start3A_180 = arith.constant 80 : i32
      %dma_start3A_181 = arith.constant 0 : i32
      %dma_start3A_182 = tpu.memref_slice %arg8[%dma_start3A_180, %dma_start3A_181] : memref<165x128xi32, #tpu.memory_space<vmem>> -> memref<80x128xi32, #tpu.memory_space<vmem>>
      %dma_start3A_183 = arith.constant 0 : i32
      %dma_start3A_184 = arith.constant 0 : i32
      %dma_start3A_185 = tpu.memref_slice %arg2[%add3A_3, %dma_start3A_183, %dma_start3A_184] : memref<32x80x128xi32, #tpu.memory_space<hbm>> -> memref<1x80x128xi32, #tpu.memory_space<hbm>>
      %dma_start3A_186 = tpu.memref_squeeze %dma_start3A_185 : memref<1x80x128xi32, #tpu.memory_space<hbm>> -> memref<80x128xi32, #tpu.memory_space<hbm>>
      %dma_start3A_187 = arith.constant 80 : i32
      %dma_start3A_188 = arith.constant 0 : i32
      %dma_start3A_189 = tpu.memref_slice %arg8[%dma_start3A_187, %dma_start3A_188] : memref<165x128xi32, #tpu.memory_space<vmem>> -> memref<80x128xi32, #tpu.memory_space<vmem>>
      %dma_start3A_190 = arith.constant 0 : i32
      %dma_start3A_191 = arith.constant 0 : i32
      %dma_start3A_192 = tpu.memref_slice %arg2[%add3A_3, %dma_start3A_190, %dma_start3A_191] : memref<32x80x128xi32, #tpu.memory_space<hbm>> -> memref<1x80x128xi32, #tpu.memory_space<hbm>>
      %dma_start3A_193 = tpu.memref_squeeze %dma_start3A_192 : memref<1x80x128xi32, #tpu.memory_space<hbm>> -> memref<80x128xi32, #tpu.memory_space<hbm>>
      tpu.enqueue_dma source(%dma_start3A_193 : memref<80x128xi32, #tpu.memory_space<hbm>>) target(%dma_start3A_189 : memref<80x128xi32, #tpu.memory_space<vmem>>) target_semaphore(%run_scoped3A : memref<!tpu.dma_semaphore, #tpu.memory_space<semaphore_mem>>)
      %dma_wait3A_194 = arith.constant 80 : i32
      %dma_wait3A_195 = arith.constant 0 : i32
      %dma_wait3A_196 = tpu.memref_slice %arg8[%dma_wait3A_194, %dma_wait3A_195] : memref<165x128xi32, #tpu.memory_space<vmem>> -> memref<80x128xi32, #tpu.memory_space<vmem>>
      %dma_wait3A_197 = arith.constant 0 : i32
      %dma_wait3A_198 = arith.constant 0 : i32
      %dma_wait3A_199 = tpu.memref_slice %arg2[%add3A_3, %dma_wait3A_197, %dma_wait3A_198] : memref<32x80x128xi32, #tpu.memory_space<hbm>> -> memref<1x80x128xi32, #tpu.memory_space<hbm>>
      %dma_wait3A_200 = tpu.memref_squeeze %dma_wait3A_199 : memref<1x80x128xi32, #tpu.memory_space<hbm>> -> memref<80x128xi32, #tpu.memory_space<hbm>>
      %dma_wait3A_201 = arith.constant 80 : i32
      %dma_wait3A_202 = arith.constant 0 : i32
      %dma_wait3A_203 = tpu.memref_slice %arg8[%dma_wait3A_201, %dma_wait3A_202] : memref<165x128xi32, #tpu.memory_space<vmem>> -> memref<80x128xi32, #tpu.memory_space<vmem>>
      %dma_wait3A_204 = arith.constant 0 : i32
      %dma_wait3A_205 = arith.constant 0 : i32
      %dma_wait3A_206 = tpu.memref_slice %arg2[%add3A_3, %dma_wait3A_204, %dma_wait3A_205] : memref<32x80x128xi32, #tpu.memory_space<hbm>> -> memref<1x80x128xi32, #tpu.memory_space<hbm>>
      %dma_wait3A_207 = tpu.memref_squeeze %dma_wait3A_206 : memref<1x80x128xi32, #tpu.memory_space<hbm>> -> memref<80x128xi32, #tpu.memory_space<hbm>>
      tpu.wait_dma2 semaphore(%run_scoped3A : memref<!tpu.dma_semaphore, #tpu.memory_space<semaphore_mem>>) src(%dma_wait3A_207 : memref<80x128xi32, #tpu.memory_space<hbm>>) dst(%dma_wait3A_203 : memref<80x128xi32, #tpu.memory_space<vmem>>)
      tpu.yield
    }) : () -> ()
    "tpu.region"() ({
      %run_scoped3A = tpu.sem_alloc : memref<!tpu.dma_semaphore, #tpu.memory_space<semaphore_mem>>
      %dma_start3A_180 = arith.constant 160 : i32
      %dma_start3A_181 = arith.constant 0 : i32
      %dma_start3A_182 = tpu.memref_slice %arg8[%dma_start3A_180, %dma_start3A_181] : memref<165x128xi32, #tpu.memory_space<vmem>> -> memref<5x128xi32, #tpu.memory_space<vmem>>
      %dma_start3A_183 = arith.constant 160 : i32
      %dma_start3A_184 = arith.constant 0 : i32
      %dma_start3A_185 = tpu.memref_slice %arg8[%dma_start3A_183, %dma_start3A_184] : memref<165x128xi32, #tpu.memory_space<vmem>> -> memref<5x128xi32, #tpu.memory_space<vmem>>
      tpu.enqueue_dma source(%arg6 : memref<5x128xi32, #tpu.memory_space<hbm>>) target(%dma_start3A_185 : memref<5x128xi32, #tpu.memory_space<vmem>>) target_semaphore(%run_scoped3A : memref<!tpu.dma_semaphore, #tpu.memory_space<semaphore_mem>>)
      %dma_wait3A_186 = arith.constant 160 : i32
      %dma_wait3A_187 = arith.constant 0 : i32
      %dma_wait3A_188 = tpu.memref_slice %arg8[%dma_wait3A_186, %dma_wait3A_187] : memref<165x128xi32, #tpu.memory_space<vmem>> -> memref<5x128xi32, #tpu.memory_space<vmem>>
      %dma_wait3A_189 = arith.constant 160 : i32
      %dma_wait3A_190 = arith.constant 0 : i32
      %dma_wait3A_191 = tpu.memref_slice %arg8[%dma_wait3A_189, %dma_wait3A_190] : memref<165x128xi32, #tpu.memory_space<vmem>> -> memref<5x128xi32, #tpu.memory_space<vmem>>
      tpu.wait_dma2 semaphore(%run_scoped3A : memref<!tpu.dma_semaphore, #tpu.memory_space<semaphore_mem>>) src(%arg6 : memref<5x128xi32, #tpu.memory_space<hbm>>) dst(%dma_wait3A_191 : memref<5x128xi32, #tpu.memory_space<vmem>>)
      tpu.yield
    }) : () -> ()
    %mul3A_4 = arith.constant 2 : i32
    %mul3A_5 = arith.muli %mul3A_4, %arg1 : i32
    "tpu.region"() ({
      %run_scoped3A = tpu.sem_alloc : memref<!tpu.dma_semaphore, #tpu.memory_space<semaphore_mem>>
      %dma_start3A_180 = arith.constant 0 : i32
      %dma_start3A_181 = arith.constant 0 : i32
      %dma_start3A_182 = tpu.memref_slice %arg9[%dma_start3A_180, %dma_start3A_181] : memref<160x128xi32, #tpu.memory_space<vmem>> -> memref<80x128xi32, #tpu.memory_space<vmem>>
      %dma_start3A_183 = arith.constant 0 : i32
      %dma_start3A_184 = arith.constant 0 : i32
      %dma_start3A_185 = tpu.memref_slice %arg3[%mul3A_5, %dma_start3A_183, %dma_start3A_184] : memref<32x80x128xi32, #tpu.memory_space<hbm>> -> memref<1x80x128xi32, #tpu.memory_space<hbm>>
      %dma_start3A_186 = tpu.memref_squeeze %dma_start3A_185 : memref<1x80x128xi32, #tpu.memory_space<hbm>> -> memref<80x128xi32, #tpu.memory_space<hbm>>
      %dma_start3A_187 = arith.constant 0 : i32
      %dma_start3A_188 = arith.constant 0 : i32
      %dma_start3A_189 = tpu.memref_slice %arg9[%dma_start3A_187, %dma_start3A_188] : memref<160x128xi32, #tpu.memory_space<vmem>> -> memref<80x128xi32, #tpu.memory_space<vmem>>
      %dma_start3A_190 = arith.constant 0 : i32
      %dma_start3A_191 = arith.constant 0 : i32
      %dma_start3A_192 = tpu.memref_slice %arg3[%mul3A_5, %dma_start3A_190, %dma_start3A_191] : memref<32x80x128xi32, #tpu.memory_space<hbm>> -> memref<1x80x128xi32, #tpu.memory_space<hbm>>
      %dma_start3A_193 = tpu.memref_squeeze %dma_start3A_192 : memref<1x80x128xi32, #tpu.memory_space<hbm>> -> memref<80x128xi32, #tpu.memory_space<hbm>>
      tpu.enqueue_dma source(%dma_start3A_193 : memref<80x128xi32, #tpu.memory_space<hbm>>) target(%dma_start3A_189 : memref<80x128xi32, #tpu.memory_space<vmem>>) target_semaphore(%run_scoped3A : memref<!tpu.dma_semaphore, #tpu.memory_space<semaphore_mem>>)
      %dma_wait3A_194 = arith.constant 0 : i32
      %dma_wait3A_195 = arith.constant 0 : i32
      %dma_wait3A_196 = tpu.memref_slice %arg9[%dma_wait3A_194, %dma_wait3A_195] : memref<160x128xi32, #tpu.memory_space<vmem>> -> memref<80x128xi32, #tpu.memory_space<vmem>>
      %dma_wait3A_197 = arith.constant 0 : i32
      %dma_wait3A_198 = arith.constant 0 : i32
      %dma_wait3A_199 = tpu.memref_slice %arg3[%mul3A_5, %dma_wait3A_197, %dma_wait3A_198] : memref<32x80x128xi32, #tpu.memory_space<hbm>> -> memref<1x80x128xi32, #tpu.memory_space<hbm>>
      %dma_wait3A_200 = tpu.memref_squeeze %dma_wait3A_199 : memref<1x80x128xi32, #tpu.memory_space<hbm>> -> memref<80x128xi32, #tpu.memory_space<hbm>>
      %dma_wait3A_201 = arith.constant 0 : i32
      %dma_wait3A_202 = arith.constant 0 : i32
      %dma_wait3A_203 = tpu.memref_slice %arg9[%dma_wait3A_201, %dma_wait3A_202] : memref<160x128xi32, #tpu.memory_space<vmem>> -> memref<80x128xi32, #tpu.memory_space<vmem>>
      %dma_wait3A_204 = arith.constant 0 : i32
      %dma_wait3A_205 = arith.constant 0 : i32
      %dma_wait3A_206 = tpu.memref_slice %arg3[%mul3A_5, %dma_wait3A_204, %dma_wait3A_205] : memref<32x80x128xi32, #tpu.memory_space<hbm>> -> memref<1x80x128xi32, #tpu.memory_space<hbm>>
      %dma_wait3A_207 = tpu.memref_squeeze %dma_wait3A_206 : memref<1x80x128xi32, #tpu.memory_space<hbm>> -> memref<80x128xi32, #tpu.memory_space<hbm>>
      tpu.wait_dma2 semaphore(%run_scoped3A : memref<!tpu.dma_semaphore, #tpu.memory_space<semaphore_mem>>) src(%dma_wait3A_207 : memref<80x128xi32, #tpu.memory_space<hbm>>) dst(%dma_wait3A_203 : memref<80x128xi32, #tpu.memory_space<vmem>>)
      tpu.yield
    }) : () -> ()
    %mul3A_6 = arith.constant 2 : i32
    %mul3A_7 = arith.muli %mul3A_6, %arg1 : i32
    %add3A_8 = arith.constant 1 : i32
    %add3A_9 = arith.addi %mul3A_7, %add3A_8 : i32
    "tpu.region"() ({
      %run_scoped3A = tpu.sem_alloc : memref<!tpu.dma_semaphore, #tpu.memory_space<semaphore_mem>>
      %dma_start3A_180 = arith.constant 80 : i32
      %dma_start3A_181 = arith.constant 0 : i32
      %dma_start3A_182 = tpu.memref_slice %arg9[%dma_start3A_180, %dma_start3A_181] : memref<160x128xi32, #tpu.memory_space<vmem>> -> memref<80x128xi32, #tpu.memory_space<vmem>>
      %dma_start3A_183 = arith.constant 0 : i32
      %dma_start3A_184 = arith.constant 0 : i32
      %dma_start3A_185 = tpu.memref_slice %arg3[%add3A_9, %dma_start3A_183, %dma_start3A_184] : memref<32x80x128xi32, #tpu.memory_space<hbm>> -> memref<1x80x128xi32, #tpu.memory_space<hbm>>
      %dma_start3A_186 = tpu.memref_squeeze %dma_start3A_185 : memref<1x80x128xi32, #tpu.memory_space<hbm>> -> memref<80x128xi32, #tpu.memory_space<hbm>>
      %dma_start3A_187 = arith.constant 80 : i32
      %dma_start3A_188 = arith.constant 0 : i32
      %dma_start3A_189 = tpu.memref_slice %arg9[%dma_start3A_187, %dma_start3A_188] : memref<160x128xi32, #tpu.memory_space<vmem>> -> memref<80x128xi32, #tpu.memory_space<vmem>>
      %dma_start3A_190 = arith.constant 0 : i32
      %dma_start3A_191 = arith.constant 0 : i32
      %dma_start3A_192 = tpu.memref_slice %arg3[%add3A_9, %dma_start3A_190, %dma_start3A_191] : memref<32x80x128xi32, #tpu.memory_space<hbm>> -> memref<1x80x128xi32, #tpu.memory_space<hbm>>
      %dma_start3A_193 = tpu.memref_squeeze %dma_start3A_192 : memref<1x80x128xi32, #tpu.memory_space<hbm>> -> memref<80x128xi32, #tpu.memory_space<hbm>>
      tpu.enqueue_dma source(%dma_start3A_193 : memref<80x128xi32, #tpu.memory_space<hbm>>) target(%dma_start3A_189 : memref<80x128xi32, #tpu.memory_space<vmem>>) target_semaphore(%run_scoped3A : memref<!tpu.dma_semaphore, #tpu.memory_space<semaphore_mem>>)
      %dma_wait3A_194 = arith.constant 80 : i32
      %dma_wait3A_195 = arith.constant 0 : i32
      %dma_wait3A_196 = tpu.memref_slice %arg9[%dma_wait3A_194, %dma_wait3A_195] : memref<160x128xi32, #tpu.memory_space<vmem>> -> memref<80x128xi32, #tpu.memory_space<vmem>>
      %dma_wait3A_197 = arith.constant 0 : i32
      %dma_wait3A_198 = arith.constant 0 : i32
      %dma_wait3A_199 = tpu.memref_slice %arg3[%add3A_9, %dma_wait3A_197, %dma_wait3A_198] : memref<32x80x128xi32, #tpu.memory_space<hbm>> -> memref<1x80x128xi32, #tpu.memory_space<hbm>>
      %dma_wait3A_200 = tpu.memref_squeeze %dma_wait3A_199 : memref<1x80x128xi32, #tpu.memory_space<hbm>> -> memref<80x128xi32, #tpu.memory_space<hbm>>
      %dma_wait3A_201 = arith.constant 80 : i32
      %dma_wait3A_202 = arith.constant 0 : i32
      %dma_wait3A_203 = tpu.memref_slice %arg9[%dma_wait3A_201, %dma_wait3A_202] : memref<160x128xi32, #tpu.memory_space<vmem>> -> memref<80x128xi32, #tpu.memory_space<vmem>>
      %dma_wait3A_204 = arith.constant 0 : i32
      %dma_wait3A_205 = arith.constant 0 : i32
      %dma_wait3A_206 = tpu.memref_slice %arg3[%add3A_9, %dma_wait3A_204, %dma_wait3A_205] : memref<32x80x128xi32, #tpu.memory_space<hbm>> -> memref<1x80x128xi32, #tpu.memory_space<hbm>>
      %dma_wait3A_207 = tpu.memref_squeeze %dma_wait3A_206 : memref<1x80x128xi32, #tpu.memory_space<hbm>> -> memref<80x128xi32, #tpu.memory_space<hbm>>
      tpu.wait_dma2 semaphore(%run_scoped3A : memref<!tpu.dma_semaphore, #tpu.memory_space<semaphore_mem>>) src(%dma_wait3A_207 : memref<80x128xi32, #tpu.memory_space<hbm>>) dst(%dma_wait3A_203 : memref<80x128xi32, #tpu.memory_space<vmem>>)
      tpu.yield
    }) : () -> ()
    %mul3A_10 = arith.constant 640 : i32
    %mul3A_11 = arith.muli %arg1, %mul3A_10 : i32
    "tpu.region"() ({
      %run_scoped3A = tpu.sem_alloc : memref<!tpu.dma_semaphore, #tpu.memory_space<semaphore_mem>>
      %dma_start3A_180 = arith.constant 0 : i32
      %dma_start3A_181 = tpu.memref_slice %arg11[%mul3A_11, %dma_start3A_180] : memref<10240x64xf32, #tpu.memory_space<vmem_shared>> -> memref<640x64xf32, #tpu.memory_space<vmem_shared>>
      tpu.enqueue_dma source(%arg5 : memref<640x64xf32, #tpu.memory_space<hbm>>) target(%dma_start3A_181 : memref<640x64xf32, #tpu.memory_space<vmem_shared>>) target_semaphore(%run_scoped3A : memref<!tpu.dma_semaphore, #tpu.memory_space<semaphore_mem>>)
      %dma_wait3A_182 = arith.constant 0 : i32
      %dma_wait3A_183 = tpu.memref_slice %arg11[%mul3A_11, %dma_wait3A_182] : memref<10240x64xf32, #tpu.memory_space<vmem_shared>> -> memref<640x64xf32, #tpu.memory_space<vmem_shared>>
      tpu.wait_dma2 semaphore(%run_scoped3A : memref<!tpu.dma_semaphore, #tpu.memory_space<semaphore_mem>>) src(%arg5 : memref<640x64xf32, #tpu.memory_space<hbm>>) dst(%dma_wait3A_183 : memref<640x64xf32, #tpu.memory_space<vmem_shared>>)
      tpu.yield
    }) : () -> ()
    %barrier3A = arith.constant 0 : index
    tpu.barrier barrier_id(%barrier3A)
    %dma_start3A = arith.constant 0 : i32
    %dma_start3A_12 = arith.constant 0 : i32
    %dma_start3A_13 = arith.constant 0 : i32
    %dma_start3A_14 = arith.constant 0 : i32
    %dma_start3A_15 = tpu.memref_slice %arg10[%dma_start3A_12, %dma_start3A_13, %dma_start3A_14] : memref<5x128x64xf32, #tpu.memory_space<vmem>> -> memref<1x128x64xf32, #tpu.memory_space<vmem>>
    %dma_start3A_16 = tpu.memref_squeeze %dma_start3A_15 : memref<1x128x64xf32, #tpu.memory_space<vmem>> -> memref<128x64xf32, #tpu.memory_space<vmem>>
    %dma_start3A_17 = arith.constant 0 : i32
    %dma_start3A_18 = tpu.memref_slice %arg8[%dma_start3A, %dma_start3A_17] : memref<165x128xi32, #tpu.memory_space<vmem>> -> memref<1x128xi32, #tpu.memory_space<vmem>>
    %dma_start3A_19 = tpu.memref_squeeze %dma_start3A_18 : memref<1x128xi32, #tpu.memory_space<vmem>> -> memref<128xi32, #tpu.memory_space<vmem>>
    %dma_start3A_20 = arith.constant 0 : i32
    %dma_start3A_21 = arith.constant 0 : i32
    %dma_start3A_22 = tpu.memref_slice %arg4[%arg0, %dma_start3A_20, %dma_start3A_21] : memref<2x10240x64xf32, #tpu.memory_space<hbm>> -> memref<1x10240x64xf32, #tpu.memory_space<hbm>>
    %dma_start3A_23 = tpu.memref_squeeze %dma_start3A_22 : memref<1x10240x64xf32, #tpu.memory_space<hbm>> -> memref<10240x64xf32, #tpu.memory_space<hbm>>
    %dma_start3A_24 = arith.constant 0 : i32
    %dma_start3A_25 = arith.constant 0 : i32
    %dma_start3A_26 = tpu.memref_slice %dma_start3A_23[%dma_start3A_24, %dma_start3A_25] : memref<10240x64xf32, #tpu.memory_space<hbm>> -> memref<10240x64xf32, #tpu.memory_space<hbm>>
    tpu.enqueue_indirect_dma source(%dma_start3A_26 : memref<10240x64xf32, #tpu.memory_space<hbm>>) target(%dma_start3A_16 : memref<128x64xf32, #tpu.memory_space<vmem>>) offsets(%dma_start3A_19 : memref<128xi32, #tpu.memory_space<vmem>>) semaphore(%arg12 : memref<!tpu.dma_semaphore, #tpu.memory_space<semaphore_mem>>)
    %dma_start3A_27 = arith.constant 1 : i32
    %dma_start3A_28 = arith.constant 1 : i32
    %dma_start3A_29 = arith.constant 0 : i32
    %dma_start3A_30 = arith.constant 0 : i32
    %dma_start3A_31 = tpu.memref_slice %arg10[%dma_start3A_28, %dma_start3A_29, %dma_start3A_30] : memref<5x128x64xf32, #tpu.memory_space<vmem>> -> memref<1x128x64xf32, #tpu.memory_space<vmem>>
    %dma_start3A_32 = tpu.memref_squeeze %dma_start3A_31 : memref<1x128x64xf32, #tpu.memory_space<vmem>> -> memref<128x64xf32, #tpu.memory_space<vmem>>
    %dma_start3A_33 = arith.constant 0 : i32
    %dma_start3A_34 = tpu.memref_slice %arg8[%dma_start3A_27, %dma_start3A_33] : memref<165x128xi32, #tpu.memory_space<vmem>> -> memref<1x128xi32, #tpu.memory_space<vmem>>
    %dma_start3A_35 = tpu.memref_squeeze %dma_start3A_34 : memref<1x128xi32, #tpu.memory_space<vmem>> -> memref<128xi32, #tpu.memory_space<vmem>>
    %dma_start3A_36 = arith.constant 0 : i32
    %dma_start3A_37 = arith.constant 0 : i32
    %dma_start3A_38 = tpu.memref_slice %arg4[%arg0, %dma_start3A_36, %dma_start3A_37] : memref<2x10240x64xf32, #tpu.memory_space<hbm>> -> memref<1x10240x64xf32, #tpu.memory_space<hbm>>
    %dma_start3A_39 = tpu.memref_squeeze %dma_start3A_38 : memref<1x10240x64xf32, #tpu.memory_space<hbm>> -> memref<10240x64xf32, #tpu.memory_space<hbm>>
    %dma_start3A_40 = arith.constant 0 : i32
    %dma_start3A_41 = arith.constant 0 : i32
    %dma_start3A_42 = tpu.memref_slice %dma_start3A_39[%dma_start3A_40, %dma_start3A_41] : memref<10240x64xf32, #tpu.memory_space<hbm>> -> memref<10240x64xf32, #tpu.memory_space<hbm>>
    tpu.enqueue_indirect_dma source(%dma_start3A_42 : memref<10240x64xf32, #tpu.memory_space<hbm>>) target(%dma_start3A_32 : memref<128x64xf32, #tpu.memory_space<vmem>>) offsets(%dma_start3A_35 : memref<128xi32, #tpu.memory_space<vmem>>) semaphore(%arg13 : memref<!tpu.dma_semaphore, #tpu.memory_space<semaphore_mem>>)
    %dma_start3A_43 = arith.constant 2 : i32
    %dma_start3A_44 = arith.constant 2 : i32
    %dma_start3A_45 = arith.constant 0 : i32
    %dma_start3A_46 = arith.constant 0 : i32
    %dma_start3A_47 = tpu.memref_slice %arg10[%dma_start3A_44, %dma_start3A_45, %dma_start3A_46] : memref<5x128x64xf32, #tpu.memory_space<vmem>> -> memref<1x128x64xf32, #tpu.memory_space<vmem>>
    %dma_start3A_48 = tpu.memref_squeeze %dma_start3A_47 : memref<1x128x64xf32, #tpu.memory_space<vmem>> -> memref<128x64xf32, #tpu.memory_space<vmem>>
    %dma_start3A_49 = arith.constant 0 : i32
    %dma_start3A_50 = tpu.memref_slice %arg8[%dma_start3A_43, %dma_start3A_49] : memref<165x128xi32, #tpu.memory_space<vmem>> -> memref<1x128xi32, #tpu.memory_space<vmem>>
    %dma_start3A_51 = tpu.memref_squeeze %dma_start3A_50 : memref<1x128xi32, #tpu.memory_space<vmem>> -> memref<128xi32, #tpu.memory_space<vmem>>
    %dma_start3A_52 = arith.constant 0 : i32
    %dma_start3A_53 = arith.constant 0 : i32
    %dma_start3A_54 = tpu.memref_slice %arg4[%arg0, %dma_start3A_52, %dma_start3A_53] : memref<2x10240x64xf32, #tpu.memory_space<hbm>> -> memref<1x10240x64xf32, #tpu.memory_space<hbm>>
    %dma_start3A_55 = tpu.memref_squeeze %dma_start3A_54 : memref<1x10240x64xf32, #tpu.memory_space<hbm>> -> memref<10240x64xf32, #tpu.memory_space<hbm>>
    %dma_start3A_56 = arith.constant 0 : i32
    %dma_start3A_57 = arith.constant 0 : i32
    %dma_start3A_58 = tpu.memref_slice %dma_start3A_55[%dma_start3A_56, %dma_start3A_57] : memref<10240x64xf32, #tpu.memory_space<hbm>> -> memref<10240x64xf32, #tpu.memory_space<hbm>>
    tpu.enqueue_indirect_dma source(%dma_start3A_58 : memref<10240x64xf32, #tpu.memory_space<hbm>>) target(%dma_start3A_48 : memref<128x64xf32, #tpu.memory_space<vmem>>) offsets(%dma_start3A_51 : memref<128xi32, #tpu.memory_space<vmem>>) semaphore(%arg14 : memref<!tpu.dma_semaphore, #tpu.memory_space<semaphore_mem>>)
    %dma_start3A_59 = arith.constant 3 : i32
    %dma_start3A_60 = arith.constant 3 : i32
    %dma_start3A_61 = arith.constant 0 : i32
    %dma_start3A_62 = arith.constant 0 : i32
    %dma_start3A_63 = tpu.memref_slice %arg10[%dma_start3A_60, %dma_start3A_61, %dma_start3A_62] : memref<5x128x64xf32, #tpu.memory_space<vmem>> -> memref<1x128x64xf32, #tpu.memory_space<vmem>>
    %dma_start3A_64 = tpu.memref_squeeze %dma_start3A_63 : memref<1x128x64xf32, #tpu.memory_space<vmem>> -> memref<128x64xf32, #tpu.memory_space<vmem>>
    %dma_start3A_65 = arith.constant 0 : i32
    %dma_start3A_66 = tpu.memref_slice %arg8[%dma_start3A_59, %dma_start3A_65] : memref<165x128xi32, #tpu.memory_space<vmem>> -> memref<1x128xi32, #tpu.memory_space<vmem>>
    %dma_start3A_67 = tpu.memref_squeeze %dma_start3A_66 : memref<1x128xi32, #tpu.memory_space<vmem>> -> memref<128xi32, #tpu.memory_space<vmem>>
    %dma_start3A_68 = arith.constant 0 : i32
    %dma_start3A_69 = arith.constant 0 : i32
    %dma_start3A_70 = tpu.memref_slice %arg4[%arg0, %dma_start3A_68, %dma_start3A_69] : memref<2x10240x64xf32, #tpu.memory_space<hbm>> -> memref<1x10240x64xf32, #tpu.memory_space<hbm>>
    %dma_start3A_71 = tpu.memref_squeeze %dma_start3A_70 : memref<1x10240x64xf32, #tpu.memory_space<hbm>> -> memref<10240x64xf32, #tpu.memory_space<hbm>>
    %dma_start3A_72 = arith.constant 0 : i32
    %dma_start3A_73 = arith.constant 0 : i32
    %dma_start3A_74 = tpu.memref_slice %dma_start3A_71[%dma_start3A_72, %dma_start3A_73] : memref<10240x64xf32, #tpu.memory_space<hbm>> -> memref<10240x64xf32, #tpu.memory_space<hbm>>
    tpu.enqueue_indirect_dma source(%dma_start3A_74 : memref<10240x64xf32, #tpu.memory_space<hbm>>) target(%dma_start3A_64 : memref<128x64xf32, #tpu.memory_space<vmem>>) offsets(%dma_start3A_67 : memref<128xi32, #tpu.memory_space<vmem>>) semaphore(%arg15 : memref<!tpu.dma_semaphore, #tpu.memory_space<semaphore_mem>>)
    %dma_start3A_75 = arith.constant 4 : i32
    %dma_start3A_76 = arith.constant 4 : i32
    %dma_start3A_77 = arith.constant 0 : i32
    %dma_start3A_78 = arith.constant 0 : i32
    %dma_start3A_79 = tpu.memref_slice %arg10[%dma_start3A_76, %dma_start3A_77, %dma_start3A_78] : memref<5x128x64xf32, #tpu.memory_space<vmem>> -> memref<1x128x64xf32, #tpu.memory_space<vmem>>
    %dma_start3A_80 = tpu.memref_squeeze %dma_start3A_79 : memref<1x128x64xf32, #tpu.memory_space<vmem>> -> memref<128x64xf32, #tpu.memory_space<vmem>>
    %dma_start3A_81 = arith.constant 0 : i32
    %dma_start3A_82 = tpu.memref_slice %arg8[%dma_start3A_75, %dma_start3A_81] : memref<165x128xi32, #tpu.memory_space<vmem>> -> memref<1x128xi32, #tpu.memory_space<vmem>>
    %dma_start3A_83 = tpu.memref_squeeze %dma_start3A_82 : memref<1x128xi32, #tpu.memory_space<vmem>> -> memref<128xi32, #tpu.memory_space<vmem>>
    %dma_start3A_84 = arith.constant 0 : i32
    %dma_start3A_85 = arith.constant 0 : i32
    %dma_start3A_86 = tpu.memref_slice %arg4[%arg0, %dma_start3A_84, %dma_start3A_85] : memref<2x10240x64xf32, #tpu.memory_space<hbm>> -> memref<1x10240x64xf32, #tpu.memory_space<hbm>>
    %dma_start3A_87 = tpu.memref_squeeze %dma_start3A_86 : memref<1x10240x64xf32, #tpu.memory_space<hbm>> -> memref<10240x64xf32, #tpu.memory_space<hbm>>
    %dma_start3A_88 = arith.constant 0 : i32
    %dma_start3A_89 = arith.constant 0 : i32
    %dma_start3A_90 = tpu.memref_slice %dma_start3A_87[%dma_start3A_88, %dma_start3A_89] : memref<10240x64xf32, #tpu.memory_space<hbm>> -> memref<10240x64xf32, #tpu.memory_space<hbm>>
    tpu.enqueue_indirect_dma source(%dma_start3A_90 : memref<10240x64xf32, #tpu.memory_space<hbm>>) target(%dma_start3A_80 : memref<128x64xf32, #tpu.memory_space<vmem>>) offsets(%dma_start3A_83 : memref<128xi32, #tpu.memory_space<vmem>>) semaphore(%arg16 : memref<!tpu.dma_semaphore, #tpu.memory_space<semaphore_mem>>)
    %scan3A = arith.constant 0 : i32
    %scan3A_91 = arith.constant 0 : i32
    %scan3A_92 = arith.constant 32 : i32
    %scan3A_93 = arith.addi %scan3A_91, %scan3A_92 : i32
    %scan3A_94 = arith.constant 1 : i32
    scf.for %scan3A_180 = %scan3A_91 to %scan3A_93 step %scan3A_94  : i32 {
      %mul3A_181 = arith.constant 5 : i32
      %mul3A_182 = arith.muli %scan3A_180, %mul3A_181 : i32
      %add3A_183 = arith.constant 0 : i32
      %add3A_184 = arith.addi %mul3A_182, %add3A_183 : i32
      %dma_wait3A_185 = arith.constant 0 : i32
      %dma_wait3A_186 = arith.constant 0 : i32
      %dma_wait3A_187 = arith.constant 0 : i32
      %dma_wait3A_188 = tpu.memref_slice %arg10[%dma_wait3A_185, %dma_wait3A_186, %dma_wait3A_187] : memref<5x128x64xf32, #tpu.memory_space<vmem>> -> memref<1x128x64xf32, #tpu.memory_space<vmem>>
      %dma_wait3A_189 = tpu.memref_squeeze %dma_wait3A_188 : memref<1x128x64xf32, #tpu.memory_space<vmem>> -> memref<128x64xf32, #tpu.memory_space<vmem>>
      %dma_wait3A_190 = arith.constant 0 : i32
      %dma_wait3A_191 = tpu.memref_slice %arg8[%add3A_184, %dma_wait3A_190] : memref<165x128xi32, #tpu.memory_space<vmem>> -> memref<1x128xi32, #tpu.memory_space<vmem>>
      %dma_wait3A_192 = tpu.memref_squeeze %dma_wait3A_191 : memref<1x128xi32, #tpu.memory_space<vmem>> -> memref<128xi32, #tpu.memory_space<vmem>>
      %dma_wait3A_193 = arith.constant 0 : i32
      %dma_wait3A_194 = arith.constant 0 : i32
      %dma_wait3A_195 = tpu.memref_slice %arg4[%arg0, %dma_wait3A_193, %dma_wait3A_194] : memref<2x10240x64xf32, #tpu.memory_space<hbm>> -> memref<1x10240x64xf32, #tpu.memory_space<hbm>>
      %dma_wait3A_196 = tpu.memref_squeeze %dma_wait3A_195 : memref<1x10240x64xf32, #tpu.memory_space<hbm>> -> memref<10240x64xf32, #tpu.memory_space<hbm>>
      %dma_wait3A_197 = arith.constant 0 : i32
      %dma_wait3A_198 = arith.constant 0 : i32
      %dma_wait3A_199 = tpu.memref_slice %dma_wait3A_196[%dma_wait3A_197, %dma_wait3A_198] : memref<10240x64xf32, #tpu.memory_space<hbm>> -> memref<10240x64xf32, #tpu.memory_space<hbm>>
      tpu.wait_indirect_dma semaphore(%arg12 : memref<!tpu.dma_semaphore, #tpu.memory_space<semaphore_mem>>) src(%dma_wait3A_199 : memref<10240x64xf32, #tpu.memory_space<hbm>>) dst(%dma_wait3A_189 : memref<128x64xf32, #tpu.memory_space<vmem>>)
      %add3A_200 = arith.constant 1 : i32
      %add3A_201 = arith.addi %mul3A_182, %add3A_200 : i32
      %dma_wait3A_202 = arith.constant 1 : i32
      %dma_wait3A_203 = arith.constant 0 : i32
      %dma_wait3A_204 = arith.constant 0 : i32
      %dma_wait3A_205 = tpu.memref_slice %arg10[%dma_wait3A_202, %dma_wait3A_203, %dma_wait3A_204] : memref<5x128x64xf32, #tpu.memory_space<vmem>> -> memref<1x128x64xf32, #tpu.memory_space<vmem>>
      %dma_wait3A_206 = tpu.memref_squeeze %dma_wait3A_205 : memref<1x128x64xf32, #tpu.memory_space<vmem>> -> memref<128x64xf32, #tpu.memory_space<vmem>>
      %dma_wait3A_207 = arith.constant 0 : i32
      %dma_wait3A_208 = tpu.memref_slice %arg8[%add3A_201, %dma_wait3A_207] : memref<165x128xi32, #tpu.memory_space<vmem>> -> memref<1x128xi32, #tpu.memory_space<vmem>>
      %dma_wait3A_209 = tpu.memref_squeeze %dma_wait3A_208 : memref<1x128xi32, #tpu.memory_space<vmem>> -> memref<128xi32, #tpu.memory_space<vmem>>
      %dma_wait3A_210 = arith.constant 0 : i32
      %dma_wait3A_211 = arith.constant 0 : i32
      %dma_wait3A_212 = tpu.memref_slice %arg4[%arg0, %dma_wait3A_210, %dma_wait3A_211] : memref<2x10240x64xf32, #tpu.memory_space<hbm>> -> memref<1x10240x64xf32, #tpu.memory_space<hbm>>
      %dma_wait3A_213 = tpu.memref_squeeze %dma_wait3A_212 : memref<1x10240x64xf32, #tpu.memory_space<hbm>> -> memref<10240x64xf32, #tpu.memory_space<hbm>>
      %dma_wait3A_214 = arith.constant 0 : i32
      %dma_wait3A_215 = arith.constant 0 : i32
      %dma_wait3A_216 = tpu.memref_slice %dma_wait3A_213[%dma_wait3A_214, %dma_wait3A_215] : memref<10240x64xf32, #tpu.memory_space<hbm>> -> memref<10240x64xf32, #tpu.memory_space<hbm>>
      tpu.wait_indirect_dma semaphore(%arg13 : memref<!tpu.dma_semaphore, #tpu.memory_space<semaphore_mem>>) src(%dma_wait3A_216 : memref<10240x64xf32, #tpu.memory_space<hbm>>) dst(%dma_wait3A_206 : memref<128x64xf32, #tpu.memory_space<vmem>>)
      %add3A_217 = arith.constant 2 : i32
      %add3A_218 = arith.addi %mul3A_182, %add3A_217 : i32
      %dma_wait3A_219 = arith.constant 2 : i32
      %dma_wait3A_220 = arith.constant 0 : i32
      %dma_wait3A_221 = arith.constant 0 : i32
      %dma_wait3A_222 = tpu.memref_slice %arg10[%dma_wait3A_219, %dma_wait3A_220, %dma_wait3A_221] : memref<5x128x64xf32, #tpu.memory_space<vmem>> -> memref<1x128x64xf32, #tpu.memory_space<vmem>>
      %dma_wait3A_223 = tpu.memref_squeeze %dma_wait3A_222 : memref<1x128x64xf32, #tpu.memory_space<vmem>> -> memref<128x64xf32, #tpu.memory_space<vmem>>
      %dma_wait3A_224 = arith.constant 0 : i32
      %dma_wait3A_225 = tpu.memref_slice %arg8[%add3A_218, %dma_wait3A_224] : memref<165x128xi32, #tpu.memory_space<vmem>> -> memref<1x128xi32, #tpu.memory_space<vmem>>
      %dma_wait3A_226 = tpu.memref_squeeze %dma_wait3A_225 : memref<1x128xi32, #tpu.memory_space<vmem>> -> memref<128xi32, #tpu.memory_space<vmem>>
      %dma_wait3A_227 = arith.constant 0 : i32
      %dma_wait3A_228 = arith.constant 0 : i32
      %dma_wait3A_229 = tpu.memref_slice %arg4[%arg0, %dma_wait3A_227, %dma_wait3A_228] : memref<2x10240x64xf32, #tpu.memory_space<hbm>> -> memref<1x10240x64xf32, #tpu.memory_space<hbm>>
      %dma_wait3A_230 = tpu.memref_squeeze %dma_wait3A_229 : memref<1x10240x64xf32, #tpu.memory_space<hbm>> -> memref<10240x64xf32, #tpu.memory_space<hbm>>
      %dma_wait3A_231 = arith.constant 0 : i32
      %dma_wait3A_232 = arith.constant 0 : i32
      %dma_wait3A_233 = tpu.memref_slice %dma_wait3A_230[%dma_wait3A_231, %dma_wait3A_232] : memref<10240x64xf32, #tpu.memory_space<hbm>> -> memref<10240x64xf32, #tpu.memory_space<hbm>>
      tpu.wait_indirect_dma semaphore(%arg14 : memref<!tpu.dma_semaphore, #tpu.memory_space<semaphore_mem>>) src(%dma_wait3A_233 : memref<10240x64xf32, #tpu.memory_space<hbm>>) dst(%dma_wait3A_223 : memref<128x64xf32, #tpu.memory_space<vmem>>)
      %add3A_234 = arith.constant 3 : i32
      %add3A_235 = arith.addi %mul3A_182, %add3A_234 : i32
      %dma_wait3A_236 = arith.constant 3 : i32
      %dma_wait3A_237 = arith.constant 0 : i32
      %dma_wait3A_238 = arith.constant 0 : i32
      %dma_wait3A_239 = tpu.memref_slice %arg10[%dma_wait3A_236, %dma_wait3A_237, %dma_wait3A_238] : memref<5x128x64xf32, #tpu.memory_space<vmem>> -> memref<1x128x64xf32, #tpu.memory_space<vmem>>
      %dma_wait3A_240 = tpu.memref_squeeze %dma_wait3A_239 : memref<1x128x64xf32, #tpu.memory_space<vmem>> -> memref<128x64xf32, #tpu.memory_space<vmem>>
      %dma_wait3A_241 = arith.constant 0 : i32
      %dma_wait3A_242 = tpu.memref_slice %arg8[%add3A_235, %dma_wait3A_241] : memref<165x128xi32, #tpu.memory_space<vmem>> -> memref<1x128xi32, #tpu.memory_space<vmem>>
      %dma_wait3A_243 = tpu.memref_squeeze %dma_wait3A_242 : memref<1x128xi32, #tpu.memory_space<vmem>> -> memref<128xi32, #tpu.memory_space<vmem>>
      %dma_wait3A_244 = arith.constant 0 : i32
      %dma_wait3A_245 = arith.constant 0 : i32
      %dma_wait3A_246 = tpu.memref_slice %arg4[%arg0, %dma_wait3A_244, %dma_wait3A_245] : memref<2x10240x64xf32, #tpu.memory_space<hbm>> -> memref<1x10240x64xf32, #tpu.memory_space<hbm>>
      %dma_wait3A_247 = tpu.memref_squeeze %dma_wait3A_246 : memref<1x10240x64xf32, #tpu.memory_space<hbm>> -> memref<10240x64xf32, #tpu.memory_space<hbm>>
      %dma_wait3A_248 = arith.constant 0 : i32
      %dma_wait3A_249 = arith.constant 0 : i32
      %dma_wait3A_250 = tpu.memref_slice %dma_wait3A_247[%dma_wait3A_248, %dma_wait3A_249] : memref<10240x64xf32, #tpu.memory_space<hbm>> -> memref<10240x64xf32, #tpu.memory_space<hbm>>
      tpu.wait_indirect_dma semaphore(%arg15 : memref<!tpu.dma_semaphore, #tpu.memory_space<semaphore_mem>>) src(%dma_wait3A_250 : memref<10240x64xf32, #tpu.memory_space<hbm>>) dst(%dma_wait3A_240 : memref<128x64xf32, #tpu.memory_space<vmem>>)
      %add3A_251 = arith.constant 4 : i32
      %add3A_252 = arith.addi %mul3A_182, %add3A_251 : i32
      %dma_wait3A_253 = arith.constant 4 : i32
      %dma_wait3A_254 = arith.constant 0 : i32
      %dma_wait3A_255 = arith.constant 0 : i32
      %dma_wait3A_256 = tpu.memref_slice %arg10[%dma_wait3A_253, %dma_wait3A_254, %dma_wait3A_255] : memref<5x128x64xf32, #tpu.memory_space<vmem>> -> memref<1x128x64xf32, #tpu.memory_space<vmem>>
      %dma_wait3A_257 = tpu.memref_squeeze %dma_wait3A_256 : memref<1x128x64xf32, #tpu.memory_space<vmem>> -> memref<128x64xf32, #tpu.memory_space<vmem>>
      %dma_wait3A_258 = arith.constant 0 : i32
      %dma_wait3A_259 = tpu.memref_slice %arg8[%add3A_252, %dma_wait3A_258] : memref<165x128xi32, #tpu.memory_space<vmem>> -> memref<1x128xi32, #tpu.memory_space<vmem>>
      %dma_wait3A_260 = tpu.memref_squeeze %dma_wait3A_259 : memref<1x128xi32, #tpu.memory_space<vmem>> -> memref<128xi32, #tpu.memory_space<vmem>>
      %dma_wait3A_261 = arith.constant 0 : i32
      %dma_wait3A_262 = arith.constant 0 : i32
      %dma_wait3A_263 = tpu.memref_slice %arg4[%arg0, %dma_wait3A_261, %dma_wait3A_262] : memref<2x10240x64xf32, #tpu.memory_space<hbm>> -> memref<1x10240x64xf32, #tpu.memory_space<hbm>>
      %dma_wait3A_264 = tpu.memref_squeeze %dma_wait3A_263 : memref<1x10240x64xf32, #tpu.memory_space<hbm>> -> memref<10240x64xf32, #tpu.memory_space<hbm>>
      %dma_wait3A_265 = arith.constant 0 : i32
      %dma_wait3A_266 = arith.constant 0 : i32
      %dma_wait3A_267 = tpu.memref_slice %dma_wait3A_264[%dma_wait3A_265, %dma_wait3A_266] : memref<10240x64xf32, #tpu.memory_space<hbm>> -> memref<10240x64xf32, #tpu.memory_space<hbm>>
      tpu.wait_indirect_dma semaphore(%arg16 : memref<!tpu.dma_semaphore, #tpu.memory_space<semaphore_mem>>) src(%dma_wait3A_267 : memref<10240x64xf32, #tpu.memory_space<hbm>>) dst(%dma_wait3A_257 : memref<128x64xf32, #tpu.memory_space<vmem>>)
      %add3A_268 = arith.constant 0 : i32
      %add3A_269 = arith.addi %mul3A_182, %add3A_268 : i32
      %dma_start3A_270 = arith.constant 0 : i32
      %dma_start3A_271 = arith.constant 0 : i32
      %dma_start3A_272 = arith.constant 0 : i32
      %dma_start3A_273 = tpu.memref_slice %arg10[%dma_start3A_270, %dma_start3A_271, %dma_start3A_272] : memref<5x128x64xf32, #tpu.memory_space<vmem>> -> memref<1x128x64xf32, #tpu.memory_space<vmem>>
      %dma_start3A_274 = tpu.memref_squeeze %dma_start3A_273 : memref<1x128x64xf32, #tpu.memory_space<vmem>> -> memref<128x64xf32, #tpu.memory_space<vmem>>
      %dma_start3A_275 = arith.constant 0 : i32
      %dma_start3A_276 = tpu.memref_slice %arg9[%add3A_269, %dma_start3A_275] : memref<160x128xi32, #tpu.memory_space<vmem>> -> memref<1x128xi32, #tpu.memory_space<vmem>>
      %dma_start3A_277 = tpu.memref_squeeze %dma_start3A_276 : memref<1x128xi32, #tpu.memory_space<vmem>> -> memref<128xi32, #tpu.memory_space<vmem>>
      %dma_start3A_278 = arith.constant 0 : i32
      %dma_start3A_279 = arith.constant 0 : i32
      %dma_start3A_280 = tpu.memref_slice %arg11[%dma_start3A_278, %dma_start3A_279] : memref<10240x64xf32, #tpu.memory_space<vmem_shared>> -> memref<10240x64xf32, #tpu.memory_space<vmem_shared>>
      tpu.enqueue_indirect_dma source(%dma_start3A_274 : memref<128x64xf32, #tpu.memory_space<vmem>>) target(%dma_start3A_280 : memref<10240x64xf32, #tpu.memory_space<vmem_shared>>) offsets(%dma_start3A_277 : memref<128xi32, #tpu.memory_space<vmem>>) semaphore(%arg17 : memref<!tpu.dma_semaphore, #tpu.memory_space<semaphore_mem>>) {add = true}
      %add3A_281 = arith.constant 1 : i32
      %add3A_282 = arith.addi %mul3A_182, %add3A_281 : i32
      %dma_start3A_283 = arith.constant 1 : i32
      %dma_start3A_284 = arith.constant 0 : i32
      %dma_start3A_285 = arith.constant 0 : i32
      %dma_start3A_286 = tpu.memref_slice %arg10[%dma_start3A_283, %dma_start3A_284, %dma_start3A_285] : memref<5x128x64xf32, #tpu.memory_space<vmem>> -> memref<1x128x64xf32, #tpu.memory_space<vmem>>
      %dma_start3A_287 = tpu.memref_squeeze %dma_start3A_286 : memref<1x128x64xf32, #tpu.memory_space<vmem>> -> memref<128x64xf32, #tpu.memory_space<vmem>>
      %dma_start3A_288 = arith.constant 0 : i32
      %dma_start3A_289 = tpu.memref_slice %arg9[%add3A_282, %dma_start3A_288] : memref<160x128xi32, #tpu.memory_space<vmem>> -> memref<1x128xi32, #tpu.memory_space<vmem>>
      %dma_start3A_290 = tpu.memref_squeeze %dma_start3A_289 : memref<1x128xi32, #tpu.memory_space<vmem>> -> memref<128xi32, #tpu.memory_space<vmem>>
      %dma_start3A_291 = arith.constant 0 : i32
      %dma_start3A_292 = arith.constant 0 : i32
      %dma_start3A_293 = tpu.memref_slice %arg11[%dma_start3A_291, %dma_start3A_292] : memref<10240x64xf32, #tpu.memory_space<vmem_shared>> -> memref<10240x64xf32, #tpu.memory_space<vmem_shared>>
      tpu.enqueue_indirect_dma source(%dma_start3A_287 : memref<128x64xf32, #tpu.memory_space<vmem>>) target(%dma_start3A_293 : memref<10240x64xf32, #tpu.memory_space<vmem_shared>>) offsets(%dma_start3A_290 : memref<128xi32, #tpu.memory_space<vmem>>) semaphore(%arg18 : memref<!tpu.dma_semaphore, #tpu.memory_space<semaphore_mem>>) {add = true}
      %add3A_294 = arith.constant 2 : i32
      %add3A_295 = arith.addi %mul3A_182, %add3A_294 : i32
      %dma_start3A_296 = arith.constant 2 : i32
      %dma_start3A_297 = arith.constant 0 : i32
      %dma_start3A_298 = arith.constant 0 : i32
      %dma_start3A_299 = tpu.memref_slice %arg10[%dma_start3A_296, %dma_start3A_297, %dma_start3A_298] : memref<5x128x64xf32, #tpu.memory_space<vmem>> -> memref<1x128x64xf32, #tpu.memory_space<vmem>>
      %dma_start3A_300 = tpu.memref_squeeze %dma_start3A_299 : memref<1x128x64xf32, #tpu.memory_space<vmem>> -> memref<128x64xf32, #tpu.memory_space<vmem>>
      %dma_start3A_301 = arith.constant 0 : i32
      %dma_start3A_302 = tpu.memref_slice %arg9[%add3A_295, %dma_start3A_301] : memref<160x128xi32, #tpu.memory_space<vmem>> -> memref<1x128xi32, #tpu.memory_space<vmem>>
      %dma_start3A_303 = tpu.memref_squeeze %dma_start3A_302 : memref<1x128xi32, #tpu.memory_space<vmem>> -> memref<128xi32, #tpu.memory_space<vmem>>
      %dma_start3A_304 = arith.constant 0 : i32
      %dma_start3A_305 = arith.constant 0 : i32
      %dma_start3A_306 = tpu.memref_slice %arg11[%dma_start3A_304, %dma_start3A_305] : memref<10240x64xf32, #tpu.memory_space<vmem_shared>> -> memref<10240x64xf32, #tpu.memory_space<vmem_shared>>
      tpu.enqueue_indirect_dma source(%dma_start3A_300 : memref<128x64xf32, #tpu.memory_space<vmem>>) target(%dma_start3A_306 : memref<10240x64xf32, #tpu.memory_space<vmem_shared>>) offsets(%dma_start3A_303 : memref<128xi32, #tpu.memory_space<vmem>>) semaphore(%arg19 : memref<!tpu.dma_semaphore, #tpu.memory_space<semaphore_mem>>) {add = true}
      %add3A_307 = arith.constant 3 : i32
      %add3A_308 = arith.addi %mul3A_182, %add3A_307 : i32
      %dma_start3A_309 = arith.constant 3 : i32
      %dma_start3A_310 = arith.constant 0 : i32
      %dma_start3A_311 = arith.constant 0 : i32
      %dma_start3A_312 = tpu.memref_slice %arg10[%dma_start3A_309, %dma_start3A_310, %dma_start3A_311] : memref<5x128x64xf32, #tpu.memory_space<vmem>> -> memref<1x128x64xf32, #tpu.memory_space<vmem>>
      %dma_start3A_313 = tpu.memref_squeeze %dma_start3A_312 : memref<1x128x64xf32, #tpu.memory_space<vmem>> -> memref<128x64xf32, #tpu.memory_space<vmem>>
      %dma_start3A_314 = arith.constant 0 : i32
      %dma_start3A_315 = tpu.memref_slice %arg9[%add3A_308, %dma_start3A_314] : memref<160x128xi32, #tpu.memory_space<vmem>> -> memref<1x128xi32, #tpu.memory_space<vmem>>
      %dma_start3A_316 = tpu.memref_squeeze %dma_start3A_315 : memref<1x128xi32, #tpu.memory_space<vmem>> -> memref<128xi32, #tpu.memory_space<vmem>>
      %dma_start3A_317 = arith.constant 0 : i32
      %dma_start3A_318 = arith.constant 0 : i32
      %dma_start3A_319 = tpu.memref_slice %arg11[%dma_start3A_317, %dma_start3A_318] : memref<10240x64xf32, #tpu.memory_space<vmem_shared>> -> memref<10240x64xf32, #tpu.memory_space<vmem_shared>>
      tpu.enqueue_indirect_dma source(%dma_start3A_313 : memref<128x64xf32, #tpu.memory_space<vmem>>) target(%dma_start3A_319 : memref<10240x64xf32, #tpu.memory_space<vmem_shared>>) offsets(%dma_start3A_316 : memref<128xi32, #tpu.memory_space<vmem>>) semaphore(%arg20 : memref<!tpu.dma_semaphore, #tpu.memory_space<semaphore_mem>>) {add = true}
      %add3A_320 = arith.constant 4 : i32
      %add3A_321 = arith.addi %mul3A_182, %add3A_320 : i32
      %dma_start3A_322 = arith.constant 4 : i32
      %dma_start3A_323 = arith.constant 0 : i32
      %dma_start3A_324 = arith.constant 0 : i32
      %dma_start3A_325 = tpu.memref_slice %arg10[%dma_start3A_322, %dma_start3A_323, %dma_start3A_324] : memref<5x128x64xf32, #tpu.memory_space<vmem>> -> memref<1x128x64xf32, #tpu.memory_space<vmem>>
      %dma_start3A_326 = tpu.memref_squeeze %dma_start3A_325 : memref<1x128x64xf32, #tpu.memory_space<vmem>> -> memref<128x64xf32, #tpu.memory_space<vmem>>
      %dma_start3A_327 = arith.constant 0 : i32
      %dma_start3A_328 = tpu.memref_slice %arg9[%add3A_321, %dma_start3A_327] : memref<160x128xi32, #tpu.memory_space<vmem>> -> memref<1x128xi32, #tpu.memory_space<vmem>>
      %dma_start3A_329 = tpu.memref_squeeze %dma_start3A_328 : memref<1x128xi32, #tpu.memory_space<vmem>> -> memref<128xi32, #tpu.memory_space<vmem>>
      %dma_start3A_330 = arith.constant 0 : i32
      %dma_start3A_331 = arith.constant 0 : i32
      %dma_start3A_332 = tpu.memref_slice %arg11[%dma_start3A_330, %dma_start3A_331] : memref<10240x64xf32, #tpu.memory_space<vmem_shared>> -> memref<10240x64xf32, #tpu.memory_space<vmem_shared>>
      tpu.enqueue_indirect_dma source(%dma_start3A_326 : memref<128x64xf32, #tpu.memory_space<vmem>>) target(%dma_start3A_332 : memref<10240x64xf32, #tpu.memory_space<vmem_shared>>) offsets(%dma_start3A_329 : memref<128xi32, #tpu.memory_space<vmem>>) semaphore(%arg21 : memref<!tpu.dma_semaphore, #tpu.memory_space<semaphore_mem>>) {add = true}
      %dma_wait3A_333 = arith.constant 0 : i32
      %dma_wait3A_334 = arith.constant 0 : i32
      %dma_wait3A_335 = arith.constant 0 : i32
      %dma_wait3A_336 = tpu.memref_slice %arg10[%dma_wait3A_333, %dma_wait3A_334, %dma_wait3A_335] : memref<5x128x64xf32, #tpu.memory_space<vmem>> -> memref<1x128x64xf32, #tpu.memory_space<vmem>>
      %dma_wait3A_337 = tpu.memref_squeeze %dma_wait3A_336 : memref<1x128x64xf32, #tpu.memory_space<vmem>> -> memref<128x64xf32, #tpu.memory_space<vmem>>
      %dma_wait3A_338 = arith.constant 0 : i32
      %dma_wait3A_339 = tpu.memref_slice %arg9[%add3A_269, %dma_wait3A_338] : memref<160x128xi32, #tpu.memory_space<vmem>> -> memref<1x128xi32, #tpu.memory_space<vmem>>
      %dma_wait3A_340 = tpu.memref_squeeze %dma_wait3A_339 : memref<1x128xi32, #tpu.memory_space<vmem>> -> memref<128xi32, #tpu.memory_space<vmem>>
      %dma_wait3A_341 = arith.constant 0 : i32
      %dma_wait3A_342 = arith.constant 0 : i32
      %dma_wait3A_343 = tpu.memref_slice %arg11[%dma_wait3A_341, %dma_wait3A_342] : memref<10240x64xf32, #tpu.memory_space<vmem_shared>> -> memref<10240x64xf32, #tpu.memory_space<vmem_shared>>
      tpu.wait_indirect_dma semaphore(%arg17 : memref<!tpu.dma_semaphore, #tpu.memory_space<semaphore_mem>>) src(%dma_wait3A_337 : memref<128x64xf32, #tpu.memory_space<vmem>>) dst(%dma_wait3A_343 : memref<10240x64xf32, #tpu.memory_space<vmem_shared>>)
      %add3A_344 = arith.constant 5 : i32
      %add3A_345 = arith.addi %mul3A_182, %add3A_344 : i32
      %add3A_346 = arith.constant 0 : i32
      %add3A_347 = arith.addi %add3A_345, %add3A_346 : i32
      %dma_start3A_348 = arith.constant 0 : i32
      %dma_start3A_349 = arith.constant 0 : i32
      %dma_start3A_350 = arith.constant 0 : i32
      %dma_start3A_351 = tpu.memref_slice %arg10[%dma_start3A_348, %dma_start3A_349, %dma_start3A_350] : memref<5x128x64xf32, #tpu.memory_space<vmem>> -> memref<1x128x64xf32, #tpu.memory_space<vmem>>
      %dma_start3A_352 = tpu.memref_squeeze %dma_start3A_351 : memref<1x128x64xf32, #tpu.memory_space<vmem>> -> memref<128x64xf32, #tpu.memory_space<vmem>>
      %dma_start3A_353 = arith.constant 0 : i32
      %dma_start3A_354 = tpu.memref_slice %arg8[%add3A_347, %dma_start3A_353] : memref<165x128xi32, #tpu.memory_space<vmem>> -> memref<1x128xi32, #tpu.memory_space<vmem>>
      %dma_start3A_355 = tpu.memref_squeeze %dma_start3A_354 : memref<1x128xi32, #tpu.memory_space<vmem>> -> memref<128xi32, #tpu.memory_space<vmem>>
      %dma_start3A_356 = arith.constant 0 : i32
      %dma_start3A_357 = arith.constant 0 : i32
      %dma_start3A_358 = tpu.memref_slice %arg4[%arg0, %dma_start3A_356, %dma_start3A_357] : memref<2x10240x64xf32, #tpu.memory_space<hbm>> -> memref<1x10240x64xf32, #tpu.memory_space<hbm>>
      %dma_start3A_359 = tpu.memref_squeeze %dma_start3A_358 : memref<1x10240x64xf32, #tpu.memory_space<hbm>> -> memref<10240x64xf32, #tpu.memory_space<hbm>>
      %dma_start3A_360 = arith.constant 0 : i32
      %dma_start3A_361 = arith.constant 0 : i32
      %dma_start3A_362 = tpu.memref_slice %dma_start3A_359[%dma_start3A_360, %dma_start3A_361] : memref<10240x64xf32, #tpu.memory_space<hbm>> -> memref<10240x64xf32, #tpu.memory_space<hbm>>
      tpu.enqueue_indirect_dma source(%dma_start3A_362 : memref<10240x64xf32, #tpu.memory_space<hbm>>) target(%dma_start3A_352 : memref<128x64xf32, #tpu.memory_space<vmem>>) offsets(%dma_start3A_355 : memref<128xi32, #tpu.memory_space<vmem>>) semaphore(%arg12 : memref<!tpu.dma_semaphore, #tpu.memory_space<semaphore_mem>>)
      %dma_wait3A_363 = arith.constant 1 : i32
      %dma_wait3A_364 = arith.constant 0 : i32
      %dma_wait3A_365 = arith.constant 0 : i32
      %dma_wait3A_366 = tpu.memref_slice %arg10[%dma_wait3A_363, %dma_wait3A_364, %dma_wait3A_365] : memref<5x128x64xf32, #tpu.memory_space<vmem>> -> memref<1x128x64xf32, #tpu.memory_space<vmem>>
      %dma_wait3A_367 = tpu.memref_squeeze %dma_wait3A_366 : memref<1x128x64xf32, #tpu.memory_space<vmem>> -> memref<128x64xf32, #tpu.memory_space<vmem>>
      %dma_wait3A_368 = arith.constant 0 : i32
      %dma_wait3A_369 = tpu.memref_slice %arg9[%add3A_282, %dma_wait3A_368] : memref<160x128xi32, #tpu.memory_space<vmem>> -> memref<1x128xi32, #tpu.memory_space<vmem>>
      %dma_wait3A_370 = tpu.memref_squeeze %dma_wait3A_369 : memref<1x128xi32, #tpu.memory_space<vmem>> -> memref<128xi32, #tpu.memory_space<vmem>>
      %dma_wait3A_371 = arith.constant 0 : i32
      %dma_wait3A_372 = arith.constant 0 : i32
      %dma_wait3A_373 = tpu.memref_slice %arg11[%dma_wait3A_371, %dma_wait3A_372] : memref<10240x64xf32, #tpu.memory_space<vmem_shared>> -> memref<10240x64xf32, #tpu.memory_space<vmem_shared>>
      tpu.wait_indirect_dma semaphore(%arg18 : memref<!tpu.dma_semaphore, #tpu.memory_space<semaphore_mem>>) src(%dma_wait3A_367 : memref<128x64xf32, #tpu.memory_space<vmem>>) dst(%dma_wait3A_373 : memref<10240x64xf32, #tpu.memory_space<vmem_shared>>)
      %add3A_374 = arith.constant 5 : i32
      %add3A_375 = arith.addi %mul3A_182, %add3A_374 : i32
      %add3A_376 = arith.constant 1 : i32
      %add3A_377 = arith.addi %add3A_375, %add3A_376 : i32
      %dma_start3A_378 = arith.constant 1 : i32
      %dma_start3A_379 = arith.constant 0 : i32
      %dma_start3A_380 = arith.constant 0 : i32
      %dma_start3A_381 = tpu.memref_slice %arg10[%dma_start3A_378, %dma_start3A_379, %dma_start3A_380] : memref<5x128x64xf32, #tpu.memory_space<vmem>> -> memref<1x128x64xf32, #tpu.memory_space<vmem>>
      %dma_start3A_382 = tpu.memref_squeeze %dma_start3A_381 : memref<1x128x64xf32, #tpu.memory_space<vmem>> -> memref<128x64xf32, #tpu.memory_space<vmem>>
      %dma_start3A_383 = arith.constant 0 : i32
      %dma_start3A_384 = tpu.memref_slice %arg8[%add3A_377, %dma_start3A_383] : memref<165x128xi32, #tpu.memory_space<vmem>> -> memref<1x128xi32, #tpu.memory_space<vmem>>
      %dma_start3A_385 = tpu.memref_squeeze %dma_start3A_384 : memref<1x128xi32, #tpu.memory_space<vmem>> -> memref<128xi32, #tpu.memory_space<vmem>>
      %dma_start3A_386 = arith.constant 0 : i32
      %dma_start3A_387 = arith.constant 0 : i32
      %dma_start3A_388 = tpu.memref_slice %arg4[%arg0, %dma_start3A_386, %dma_start3A_387] : memref<2x10240x64xf32, #tpu.memory_space<hbm>> -> memref<1x10240x64xf32, #tpu.memory_space<hbm>>
      %dma_start3A_389 = tpu.memref_squeeze %dma_start3A_388 : memref<1x10240x64xf32, #tpu.memory_space<hbm>> -> memref<10240x64xf32, #tpu.memory_space<hbm>>
      %dma_start3A_390 = arith.constant 0 : i32
      %dma_start3A_391 = arith.constant 0 : i32
      %dma_start3A_392 = tpu.memref_slice %dma_start3A_389[%dma_start3A_390, %dma_start3A_391] : memref<10240x64xf32, #tpu.memory_space<hbm>> -> memref<10240x64xf32, #tpu.memory_space<hbm>>
      tpu.enqueue_indirect_dma source(%dma_start3A_392 : memref<10240x64xf32, #tpu.memory_space<hbm>>) target(%dma_start3A_382 : memref<128x64xf32, #tpu.memory_space<vmem>>) offsets(%dma_start3A_385 : memref<128xi32, #tpu.memory_space<vmem>>) semaphore(%arg13 : memref<!tpu.dma_semaphore, #tpu.memory_space<semaphore_mem>>)
      %dma_wait3A_393 = arith.constant 2 : i32
      %dma_wait3A_394 = arith.constant 0 : i32
      %dma_wait3A_395 = arith.constant 0 : i32
      %dma_wait3A_396 = tpu.memref_slice %arg10[%dma_wait3A_393, %dma_wait3A_394, %dma_wait3A_395] : memref<5x128x64xf32, #tpu.memory_space<vmem>> -> memref<1x128x64xf32, #tpu.memory_space<vmem>>
      %dma_wait3A_397 = tpu.memref_squeeze %dma_wait3A_396 : memref<1x128x64xf32, #tpu.memory_space<vmem>> -> memref<128x64xf32, #tpu.memory_space<vmem>>
      %dma_wait3A_398 = arith.constant 0 : i32
      %dma_wait3A_399 = tpu.memref_slice %arg9[%add3A_295, %dma_wait3A_398] : memref<160x128xi32, #tpu.memory_space<vmem>> -> memref<1x128xi32, #tpu.memory_space<vmem>>
      %dma_wait3A_400 = tpu.memref_squeeze %dma_wait3A_399 : memref<1x128xi32, #tpu.memory_space<vmem>> -> memref<128xi32, #tpu.memory_space<vmem>>
      %dma_wait3A_401 = arith.constant 0 : i32
      %dma_wait3A_402 = arith.constant 0 : i32
      %dma_wait3A_403 = tpu.memref_slice %arg11[%dma_wait3A_401, %dma_wait3A_402] : memref<10240x64xf32, #tpu.memory_space<vmem_shared>> -> memref<10240x64xf32, #tpu.memory_space<vmem_shared>>
      tpu.wait_indirect_dma semaphore(%arg19 : memref<!tpu.dma_semaphore, #tpu.memory_space<semaphore_mem>>) src(%dma_wait3A_397 : memref<128x64xf32, #tpu.memory_space<vmem>>) dst(%dma_wait3A_403 : memref<10240x64xf32, #tpu.memory_space<vmem_shared>>)
      %add3A_404 = arith.constant 5 : i32
      %add3A_405 = arith.addi %mul3A_182, %add3A_404 : i32
      %add3A_406 = arith.constant 2 : i32
      %add3A_407 = arith.addi %add3A_405, %add3A_406 : i32
      %dma_start3A_408 = arith.constant 2 : i32
      %dma_start3A_409 = arith.constant 0 : i32
      %dma_start3A_410 = arith.constant 0 : i32
      %dma_start3A_411 = tpu.memref_slice %arg10[%dma_start3A_408, %dma_start3A_409, %dma_start3A_410] : memref<5x128x64xf32, #tpu.memory_space<vmem>> -> memref<1x128x64xf32, #tpu.memory_space<vmem>>
      %dma_start3A_412 = tpu.memref_squeeze %dma_start3A_411 : memref<1x128x64xf32, #tpu.memory_space<vmem>> -> memref<128x64xf32, #tpu.memory_space<vmem>>
      %dma_start3A_413 = arith.constant 0 : i32
      %dma_start3A_414 = tpu.memref_slice %arg8[%add3A_407, %dma_start3A_413] : memref<165x128xi32, #tpu.memory_space<vmem>> -> memref<1x128xi32, #tpu.memory_space<vmem>>
      %dma_start3A_415 = tpu.memref_squeeze %dma_start3A_414 : memref<1x128xi32, #tpu.memory_space<vmem>> -> memref<128xi32, #tpu.memory_space<vmem>>
      %dma_start3A_416 = arith.constant 0 : i32
      %dma_start3A_417 = arith.constant 0 : i32
      %dma_start3A_418 = tpu.memref_slice %arg4[%arg0, %dma_start3A_416, %dma_start3A_417] : memref<2x10240x64xf32, #tpu.memory_space<hbm>> -> memref<1x10240x64xf32, #tpu.memory_space<hbm>>
      %dma_start3A_419 = tpu.memref_squeeze %dma_start3A_418 : memref<1x10240x64xf32, #tpu.memory_space<hbm>> -> memref<10240x64xf32, #tpu.memory_space<hbm>>
      %dma_start3A_420 = arith.constant 0 : i32
      %dma_start3A_421 = arith.constant 0 : i32
      %dma_start3A_422 = tpu.memref_slice %dma_start3A_419[%dma_start3A_420, %dma_start3A_421] : memref<10240x64xf32, #tpu.memory_space<hbm>> -> memref<10240x64xf32, #tpu.memory_space<hbm>>
      tpu.enqueue_indirect_dma source(%dma_start3A_422 : memref<10240x64xf32, #tpu.memory_space<hbm>>) target(%dma_start3A_412 : memref<128x64xf32, #tpu.memory_space<vmem>>) offsets(%dma_start3A_415 : memref<128xi32, #tpu.memory_space<vmem>>) semaphore(%arg14 : memref<!tpu.dma_semaphore, #tpu.memory_space<semaphore_mem>>)
      %dma_wait3A_423 = arith.constant 3 : i32
      %dma_wait3A_424 = arith.constant 0 : i32
      %dma_wait3A_425 = arith.constant 0 : i32
      %dma_wait3A_426 = tpu.memref_slice %arg10[%dma_wait3A_423, %dma_wait3A_424, %dma_wait3A_425] : memref<5x128x64xf32, #tpu.memory_space<vmem>> -> memref<1x128x64xf32, #tpu.memory_space<vmem>>
      %dma_wait3A_427 = tpu.memref_squeeze %dma_wait3A_426 : memref<1x128x64xf32, #tpu.memory_space<vmem>> -> memref<128x64xf32, #tpu.memory_space<vmem>>
      %dma_wait3A_428 = arith.constant 0 : i32
      %dma_wait3A_429 = tpu.memref_slice %arg9[%add3A_308, %dma_wait3A_428] : memref<160x128xi32, #tpu.memory_space<vmem>> -> memref<1x128xi32, #tpu.memory_space<vmem>>
      %dma_wait3A_430 = tpu.memref_squeeze %dma_wait3A_429 : memref<1x128xi32, #tpu.memory_space<vmem>> -> memref<128xi32, #tpu.memory_space<vmem>>
      %dma_wait3A_431 = arith.constant 0 : i32
      %dma_wait3A_432 = arith.constant 0 : i32
      %dma_wait3A_433 = tpu.memref_slice %arg11[%dma_wait3A_431, %dma_wait3A_432] : memref<10240x64xf32, #tpu.memory_space<vmem_shared>> -> memref<10240x64xf32, #tpu.memory_space<vmem_shared>>
      tpu.wait_indirect_dma semaphore(%arg20 : memref<!tpu.dma_semaphore, #tpu.memory_space<semaphore_mem>>) src(%dma_wait3A_427 : memref<128x64xf32, #tpu.memory_space<vmem>>) dst(%dma_wait3A_433 : memref<10240x64xf32, #tpu.memory_space<vmem_shared>>)
      %add3A_434 = arith.constant 5 : i32
      %add3A_435 = arith.addi %mul3A_182, %add3A_434 : i32
      %add3A_436 = arith.constant 3 : i32
      %add3A_437 = arith.addi %add3A_435, %add3A_436 : i32
      %dma_start3A_438 = arith.constant 3 : i32
      %dma_start3A_439 = arith.constant 0 : i32
      %dma_start3A_440 = arith.constant 0 : i32
      %dma_start3A_441 = tpu.memref_slice %arg10[%dma_start3A_438, %dma_start3A_439, %dma_start3A_440] : memref<5x128x64xf32, #tpu.memory_space<vmem>> -> memref<1x128x64xf32, #tpu.memory_space<vmem>>
      %dma_start3A_442 = tpu.memref_squeeze %dma_start3A_441 : memref<1x128x64xf32, #tpu.memory_space<vmem>> -> memref<128x64xf32, #tpu.memory_space<vmem>>
      %dma_start3A_443 = arith.constant 0 : i32
      %dma_start3A_444 = tpu.memref_slice %arg8[%add3A_437, %dma_start3A_443] : memref<165x128xi32, #tpu.memory_space<vmem>> -> memref<1x128xi32, #tpu.memory_space<vmem>>
      %dma_start3A_445 = tpu.memref_squeeze %dma_start3A_444 : memref<1x128xi32, #tpu.memory_space<vmem>> -> memref<128xi32, #tpu.memory_space<vmem>>
      %dma_start3A_446 = arith.constant 0 : i32
      %dma_start3A_447 = arith.constant 0 : i32
      %dma_start3A_448 = tpu.memref_slice %arg4[%arg0, %dma_start3A_446, %dma_start3A_447] : memref<2x10240x64xf32, #tpu.memory_space<hbm>> -> memref<1x10240x64xf32, #tpu.memory_space<hbm>>
      %dma_start3A_449 = tpu.memref_squeeze %dma_start3A_448 : memref<1x10240x64xf32, #tpu.memory_space<hbm>> -> memref<10240x64xf32, #tpu.memory_space<hbm>>
      %dma_start3A_450 = arith.constant 0 : i32
      %dma_start3A_451 = arith.constant 0 : i32
      %dma_start3A_452 = tpu.memref_slice %dma_start3A_449[%dma_start3A_450, %dma_start3A_451] : memref<10240x64xf32, #tpu.memory_space<hbm>> -> memref<10240x64xf32, #tpu.memory_space<hbm>>
      tpu.enqueue_indirect_dma source(%dma_start3A_452 : memref<10240x64xf32, #tpu.memory_space<hbm>>) target(%dma_start3A_442 : memref<128x64xf32, #tpu.memory_space<vmem>>) offsets(%dma_start3A_445 : memref<128xi32, #tpu.memory_space<vmem>>) semaphore(%arg15 : memref<!tpu.dma_semaphore, #tpu.memory_space<semaphore_mem>>)
      %dma_wait3A_453 = arith.constant 4 : i32
      %dma_wait3A_454 = arith.constant 0 : i32
      %dma_wait3A_455 = arith.constant 0 : i32
      %dma_wait3A_456 = tpu.memref_slice %arg10[%dma_wait3A_453, %dma_wait3A_454, %dma_wait3A_455] : memref<5x128x64xf32, #tpu.memory_space<vmem>> -> memref<1x128x64xf32, #tpu.memory_space<vmem>>
      %dma_wait3A_457 = tpu.memref_squeeze %dma_wait3A_456 : memref<1x128x64xf32, #tpu.memory_space<vmem>> -> memref<128x64xf32, #tpu.memory_space<vmem>>
      %dma_wait3A_458 = arith.constant 0 : i32
      %dma_wait3A_459 = tpu.memref_slice %arg9[%add3A_321, %dma_wait3A_458] : memref<160x128xi32, #tpu.memory_space<vmem>> -> memref<1x128xi32, #tpu.memory_space<vmem>>
      %dma_wait3A_460 = tpu.memref_squeeze %dma_wait3A_459 : memref<1x128xi32, #tpu.memory_space<vmem>> -> memref<128xi32, #tpu.memory_space<vmem>>
      %dma_wait3A_461 = arith.constant 0 : i32
      %dma_wait3A_462 = arith.constant 0 : i32
      %dma_wait3A_463 = tpu.memref_slice %arg11[%dma_wait3A_461, %dma_wait3A_462] : memref<10240x64xf32, #tpu.memory_space<vmem_shared>> -> memref<10240x64xf32, #tpu.memory_space<vmem_shared>>
      tpu.wait_indirect_dma semaphore(%arg21 : memref<!tpu.dma_semaphore, #tpu.memory_space<semaphore_mem>>) src(%dma_wait3A_457 : memref<128x64xf32, #tpu.memory_space<vmem>>) dst(%dma_wait3A_463 : memref<10240x64xf32, #tpu.memory_space<vmem_shared>>)
      %add3A_464 = arith.constant 5 : i32
      %add3A_465 = arith.addi %mul3A_182, %add3A_464 : i32
      %add3A_466 = arith.constant 4 : i32
      %add3A_467 = arith.addi %add3A_465, %add3A_466 : i32
      %dma_start3A_468 = arith.constant 4 : i32
      %dma_start3A_469 = arith.constant 0 : i32
      %dma_start3A_470 = arith.constant 0 : i32
      %dma_start3A_471 = tpu.memref_slice %arg10[%dma_start3A_468, %dma_start3A_469, %dma_start3A_470] : memref<5x128x64xf32, #tpu.memory_space<vmem>> -> memref<1x128x64xf32, #tpu.memory_space<vmem>>
      %dma_start3A_472 = tpu.memref_squeeze %dma_start3A_471 : memref<1x128x64xf32, #tpu.memory_space<vmem>> -> memref<128x64xf32, #tpu.memory_space<vmem>>
      %dma_start3A_473 = arith.constant 0 : i32
      %dma_start3A_474 = tpu.memref_slice %arg8[%add3A_467, %dma_start3A_473] : memref<165x128xi32, #tpu.memory_space<vmem>> -> memref<1x128xi32, #tpu.memory_space<vmem>>
      %dma_start3A_475 = tpu.memref_squeeze %dma_start3A_474 : memref<1x128xi32, #tpu.memory_space<vmem>> -> memref<128xi32, #tpu.memory_space<vmem>>
      %dma_start3A_476 = arith.constant 0 : i32
      %dma_start3A_477 = arith.constant 0 : i32
      %dma_start3A_478 = tpu.memref_slice %arg4[%arg0, %dma_start3A_476, %dma_start3A_477] : memref<2x10240x64xf32, #tpu.memory_space<hbm>> -> memref<1x10240x64xf32, #tpu.memory_space<hbm>>
      %dma_start3A_479 = tpu.memref_squeeze %dma_start3A_478 : memref<1x10240x64xf32, #tpu.memory_space<hbm>> -> memref<10240x64xf32, #tpu.memory_space<hbm>>
      %dma_start3A_480 = arith.constant 0 : i32
      %dma_start3A_481 = arith.constant 0 : i32
      %dma_start3A_482 = tpu.memref_slice %dma_start3A_479[%dma_start3A_480, %dma_start3A_481] : memref<10240x64xf32, #tpu.memory_space<hbm>> -> memref<10240x64xf32, #tpu.memory_space<hbm>>
      tpu.enqueue_indirect_dma source(%dma_start3A_482 : memref<10240x64xf32, #tpu.memory_space<hbm>>) target(%dma_start3A_472 : memref<128x64xf32, #tpu.memory_space<vmem>>) offsets(%dma_start3A_475 : memref<128xi32, #tpu.memory_space<vmem>>) semaphore(%arg16 : memref<!tpu.dma_semaphore, #tpu.memory_space<semaphore_mem>>)
    }
    %scan3A_95 = arith.constant 32 : i32
    %dma_wait3A = arith.constant 160 : i32
    %dma_wait3A_96 = arith.constant 0 : i32
    %dma_wait3A_97 = arith.constant 0 : i32
    %dma_wait3A_98 = arith.constant 0 : i32
    %dma_wait3A_99 = tpu.memref_slice %arg10[%dma_wait3A_96, %dma_wait3A_97, %dma_wait3A_98] : memref<5x128x64xf32, #tpu.memory_space<vmem>> -> memref<1x128x64xf32, #tpu.memory_space<vmem>>
    %dma_wait3A_100 = tpu.memref_squeeze %dma_wait3A_99 : memref<1x128x64xf32, #tpu.memory_space<vmem>> -> memref<128x64xf32, #tpu.memory_space<vmem>>
    %dma_wait3A_101 = arith.constant 0 : i32
    %dma_wait3A_102 = tpu.memref_slice %arg8[%dma_wait3A, %dma_wait3A_101] : memref<165x128xi32, #tpu.memory_space<vmem>> -> memref<1x128xi32, #tpu.memory_space<vmem>>
    %dma_wait3A_103 = tpu.memref_squeeze %dma_wait3A_102 : memref<1x128xi32, #tpu.memory_space<vmem>> -> memref<128xi32, #tpu.memory_space<vmem>>
    %dma_wait3A_104 = arith.constant 0 : i32
    %dma_wait3A_105 = arith.constant 0 : i32
    %dma_wait3A_106 = tpu.memref_slice %arg4[%arg0, %dma_wait3A_104, %dma_wait3A_105] : memref<2x10240x64xf32, #tpu.memory_space<hbm>> -> memref<1x10240x64xf32, #tpu.memory_space<hbm>>
    %dma_wait3A_107 = tpu.memref_squeeze %dma_wait3A_106 : memref<1x10240x64xf32, #tpu.memory_space<hbm>> -> memref<10240x64xf32, #tpu.memory_space<hbm>>
    %dma_wait3A_108 = arith.constant 0 : i32
    %dma_wait3A_109 = arith.constant 0 : i32
    %dma_wait3A_110 = tpu.memref_slice %dma_wait3A_107[%dma_wait3A_108, %dma_wait3A_109] : memref<10240x64xf32, #tpu.memory_space<hbm>> -> memref<10240x64xf32, #tpu.memory_space<hbm>>
    tpu.wait_indirect_dma semaphore(%arg12 : memref<!tpu.dma_semaphore, #tpu.memory_space<semaphore_mem>>) src(%dma_wait3A_110 : memref<10240x64xf32, #tpu.memory_space<hbm>>) dst(%dma_wait3A_100 : memref<128x64xf32, #tpu.memory_space<vmem>>)
    %dma_wait3A_111 = arith.constant 161 : i32
    %dma_wait3A_112 = arith.constant 1 : i32
    %dma_wait3A_113 = arith.constant 0 : i32
    %dma_wait3A_114 = arith.constant 0 : i32
    %dma_wait3A_115 = tpu.memref_slice %arg10[%dma_wait3A_112, %dma_wait3A_113, %dma_wait3A_114] : memref<5x128x64xf32, #tpu.memory_space<vmem>> -> memref<1x128x64xf32, #tpu.memory_space<vmem>>
    %dma_wait3A_116 = tpu.memref_squeeze %dma_wait3A_115 : memref<1x128x64xf32, #tpu.memory_space<vmem>> -> memref<128x64xf32, #tpu.memory_space<vmem>>
    %dma_wait3A_117 = arith.constant 0 : i32
    %dma_wait3A_118 = tpu.memref_slice %arg8[%dma_wait3A_111, %dma_wait3A_117] : memref<165x128xi32, #tpu.memory_space<vmem>> -> memref<1x128xi32, #tpu.memory_space<vmem>>
    %dma_wait3A_119 = tpu.memref_squeeze %dma_wait3A_118 : memref<1x128xi32, #tpu.memory_space<vmem>> -> memref<128xi32, #tpu.memory_space<vmem>>
    %dma_wait3A_120 = arith.constant 0 : i32
    %dma_wait3A_121 = arith.constant 0 : i32
    %dma_wait3A_122 = tpu.memref_slice %arg4[%arg0, %dma_wait3A_120, %dma_wait3A_121] : memref<2x10240x64xf32, #tpu.memory_space<hbm>> -> memref<1x10240x64xf32, #tpu.memory_space<hbm>>
    %dma_wait3A_123 = tpu.memref_squeeze %dma_wait3A_122 : memref<1x10240x64xf32, #tpu.memory_space<hbm>> -> memref<10240x64xf32, #tpu.memory_space<hbm>>
    %dma_wait3A_124 = arith.constant 0 : i32
    %dma_wait3A_125 = arith.constant 0 : i32
    %dma_wait3A_126 = tpu.memref_slice %dma_wait3A_123[%dma_wait3A_124, %dma_wait3A_125] : memref<10240x64xf32, #tpu.memory_space<hbm>> -> memref<10240x64xf32, #tpu.memory_space<hbm>>
    tpu.wait_indirect_dma semaphore(%arg13 : memref<!tpu.dma_semaphore, #tpu.memory_space<semaphore_mem>>) src(%dma_wait3A_126 : memref<10240x64xf32, #tpu.memory_space<hbm>>) dst(%dma_wait3A_116 : memref<128x64xf32, #tpu.memory_space<vmem>>)
    %dma_wait3A_127 = arith.constant 162 : i32
    %dma_wait3A_128 = arith.constant 2 : i32
    %dma_wait3A_129 = arith.constant 0 : i32
    %dma_wait3A_130 = arith.constant 0 : i32
    %dma_wait3A_131 = tpu.memref_slice %arg10[%dma_wait3A_128, %dma_wait3A_129, %dma_wait3A_130] : memref<5x128x64xf32, #tpu.memory_space<vmem>> -> memref<1x128x64xf32, #tpu.memory_space<vmem>>
    %dma_wait3A_132 = tpu.memref_squeeze %dma_wait3A_131 : memref<1x128x64xf32, #tpu.memory_space<vmem>> -> memref<128x64xf32, #tpu.memory_space<vmem>>
    %dma_wait3A_133 = arith.constant 0 : i32
    %dma_wait3A_134 = tpu.memref_slice %arg8[%dma_wait3A_127, %dma_wait3A_133] : memref<165x128xi32, #tpu.memory_space<vmem>> -> memref<1x128xi32, #tpu.memory_space<vmem>>
    %dma_wait3A_135 = tpu.memref_squeeze %dma_wait3A_134 : memref<1x128xi32, #tpu.memory_space<vmem>> -> memref<128xi32, #tpu.memory_space<vmem>>
    %dma_wait3A_136 = arith.constant 0 : i32
    %dma_wait3A_137 = arith.constant 0 : i32
    %dma_wait3A_138 = tpu.memref_slice %arg4[%arg0, %dma_wait3A_136, %dma_wait3A_137] : memref<2x10240x64xf32, #tpu.memory_space<hbm>> -> memref<1x10240x64xf32, #tpu.memory_space<hbm>>
    %dma_wait3A_139 = tpu.memref_squeeze %dma_wait3A_138 : memref<1x10240x64xf32, #tpu.memory_space<hbm>> -> memref<10240x64xf32, #tpu.memory_space<hbm>>
    %dma_wait3A_140 = arith.constant 0 : i32
    %dma_wait3A_141 = arith.constant 0 : i32
    %dma_wait3A_142 = tpu.memref_slice %dma_wait3A_139[%dma_wait3A_140, %dma_wait3A_141] : memref<10240x64xf32, #tpu.memory_space<hbm>> -> memref<10240x64xf32, #tpu.memory_space<hbm>>
    tpu.wait_indirect_dma semaphore(%arg14 : memref<!tpu.dma_semaphore, #tpu.memory_space<semaphore_mem>>) src(%dma_wait3A_142 : memref<10240x64xf32, #tpu.memory_space<hbm>>) dst(%dma_wait3A_132 : memref<128x64xf32, #tpu.memory_space<vmem>>)
    %dma_wait3A_143 = arith.constant 163 : i32
    %dma_wait3A_144 = arith.constant 3 : i32
    %dma_wait3A_145 = arith.constant 0 : i32
    %dma_wait3A_146 = arith.constant 0 : i32
    %dma_wait3A_147 = tpu.memref_slice %arg10[%dma_wait3A_144, %dma_wait3A_145, %dma_wait3A_146] : memref<5x128x64xf32, #tpu.memory_space<vmem>> -> memref<1x128x64xf32, #tpu.memory_space<vmem>>
    %dma_wait3A_148 = tpu.memref_squeeze %dma_wait3A_147 : memref<1x128x64xf32, #tpu.memory_space<vmem>> -> memref<128x64xf32, #tpu.memory_space<vmem>>
    %dma_wait3A_149 = arith.constant 0 : i32
    %dma_wait3A_150 = tpu.memref_slice %arg8[%dma_wait3A_143, %dma_wait3A_149] : memref<165x128xi32, #tpu.memory_space<vmem>> -> memref<1x128xi32, #tpu.memory_space<vmem>>
    %dma_wait3A_151 = tpu.memref_squeeze %dma_wait3A_150 : memref<1x128xi32, #tpu.memory_space<vmem>> -> memref<128xi32, #tpu.memory_space<vmem>>
    %dma_wait3A_152 = arith.constant 0 : i32
    %dma_wait3A_153 = arith.constant 0 : i32
    %dma_wait3A_154 = tpu.memref_slice %arg4[%arg0, %dma_wait3A_152, %dma_wait3A_153] : memref<2x10240x64xf32, #tpu.memory_space<hbm>> -> memref<1x10240x64xf32, #tpu.memory_space<hbm>>
    %dma_wait3A_155 = tpu.memref_squeeze %dma_wait3A_154 : memref<1x10240x64xf32, #tpu.memory_space<hbm>> -> memref<10240x64xf32, #tpu.memory_space<hbm>>
    %dma_wait3A_156 = arith.constant 0 : i32
    %dma_wait3A_157 = arith.constant 0 : i32
    %dma_wait3A_158 = tpu.memref_slice %dma_wait3A_155[%dma_wait3A_156, %dma_wait3A_157] : memref<10240x64xf32, #tpu.memory_space<hbm>> -> memref<10240x64xf32, #tpu.memory_space<hbm>>
    tpu.wait_indirect_dma semaphore(%arg15 : memref<!tpu.dma_semaphore, #tpu.memory_space<semaphore_mem>>) src(%dma_wait3A_158 : memref<10240x64xf32, #tpu.memory_space<hbm>>) dst(%dma_wait3A_148 : memref<128x64xf32, #tpu.memory_space<vmem>>)
    %dma_wait3A_159 = arith.constant 164 : i32
    %dma_wait3A_160 = arith.constant 4 : i32
    %dma_wait3A_161 = arith.constant 0 : i32
    %dma_wait3A_162 = arith.constant 0 : i32
    %dma_wait3A_163 = tpu.memref_slice %arg10[%dma_wait3A_160, %dma_wait3A_161, %dma_wait3A_162] : memref<5x128x64xf32, #tpu.memory_space<vmem>> -> memref<1x128x64xf32, #tpu.memory_space<vmem>>
    %dma_wait3A_164 = tpu.memref_squeeze %dma_wait3A_163 : memref<1x128x64xf32, #tpu.memory_space<vmem>> -> memref<128x64xf32, #tpu.memory_space<vmem>>
    %dma_wait3A_165 = arith.constant 0 : i32
    %dma_wait3A_166 = tpu.memref_slice %arg8[%dma_wait3A_159, %dma_wait3A_165] : memref<165x128xi32, #tpu.memory_space<vmem>> -> memref<1x128xi32, #tpu.memory_space<vmem>>
    %dma_wait3A_167 = tpu.memref_squeeze %dma_wait3A_166 : memref<1x128xi32, #tpu.memory_space<vmem>> -> memref<128xi32, #tpu.memory_space<vmem>>
    %dma_wait3A_168 = arith.constant 0 : i32
    %dma_wait3A_169 = arith.constant 0 : i32
    %dma_wait3A_170 = tpu.memref_slice %arg4[%arg0, %dma_wait3A_168, %dma_wait3A_169] : memref<2x10240x64xf32, #tpu.memory_space<hbm>> -> memref<1x10240x64xf32, #tpu.memory_space<hbm>>
    %dma_wait3A_171 = tpu.memref_squeeze %dma_wait3A_170 : memref<1x10240x64xf32, #tpu.memory_space<hbm>> -> memref<10240x64xf32, #tpu.memory_space<hbm>>
    %dma_wait3A_172 = arith.constant 0 : i32
    %dma_wait3A_173 = arith.constant 0 : i32
    %dma_wait3A_174 = tpu.memref_slice %dma_wait3A_171[%dma_wait3A_172, %dma_wait3A_173] : memref<10240x64xf32, #tpu.memory_space<hbm>> -> memref<10240x64xf32, #tpu.memory_space<hbm>>
    tpu.wait_indirect_dma semaphore(%arg16 : memref<!tpu.dma_semaphore, #tpu.memory_space<semaphore_mem>>) src(%dma_wait3A_174 : memref<10240x64xf32, #tpu.memory_space<hbm>>) dst(%dma_wait3A_164 : memref<128x64xf32, #tpu.memory_space<vmem>>)
    %barrier3A_175 = arith.constant 0 : index
    tpu.barrier barrier_id(%barrier3A_175)
    %mul3A_176 = arith.constant 640 : i32
    %mul3A_177 = arith.muli %arg1, %mul3A_176 : i32
    %mul3A_178 = arith.constant 640 : i32
    %mul3A_179 = arith.muli %arg1, %mul3A_178 : i32
    "tpu.region"() ({
      %run_scoped3A = tpu.sem_alloc : memref<!tpu.dma_semaphore, #tpu.memory_space<semaphore_mem>>
      %dma_start3A_180 = arith.constant 0 : i32
      %dma_start3A_181 = arith.constant 0 : i32
      %dma_start3A_182 = tpu.memref_slice %arg7[%arg0, %dma_start3A_180, %dma_start3A_181] : memref<2x10240x64xf32, #tpu.memory_space<hbm>> -> memref<1x10240x64xf32, #tpu.memory_space<hbm>>
      %dma_start3A_183 = tpu.memref_squeeze %dma_start3A_182 : memref<1x10240x64xf32, #tpu.memory_space<hbm>> -> memref<10240x64xf32, #tpu.memory_space<hbm>>
      %dma_start3A_184 = arith.constant 0 : i32
      %dma_start3A_185 = tpu.memref_slice %dma_start3A_183[%mul3A_179, %dma_start3A_184] : memref<10240x64xf32, #tpu.memory_space<hbm>> -> memref<640x64xf32, #tpu.memory_space<hbm>>
      %dma_start3A_186 = arith.constant 0 : i32
      %dma_start3A_187 = tpu.memref_slice %arg11[%mul3A_177, %dma_start3A_186] : memref<10240x64xf32, #tpu.memory_space<vmem_shared>> -> memref<640x64xf32, #tpu.memory_space<vmem_shared>>
      tpu.enqueue_dma source(%dma_start3A_187 : memref<640x64xf32, #tpu.memory_space<vmem_shared>>) target(%dma_start3A_185 : memref<640x64xf32, #tpu.memory_space<hbm>>) target_semaphore(%run_scoped3A : memref<!tpu.dma_semaphore, #tpu.memory_space<semaphore_mem>>)
      %dma_wait3A_188 = arith.constant 0 : i32
      %dma_wait3A_189 = arith.constant 0 : i32
      %dma_wait3A_190 = tpu.memref_slice %arg7[%arg0, %dma_wait3A_188, %dma_wait3A_189] : memref<2x10240x64xf32, #tpu.memory_space<hbm>> -> memref<1x10240x64xf32, #tpu.memory_space<hbm>>
      %dma_wait3A_191 = tpu.memref_squeeze %dma_wait3A_190 : memref<1x10240x64xf32, #tpu.memory_space<hbm>> -> memref<10240x64xf32, #tpu.memory_space<hbm>>
      %dma_wait3A_192 = arith.constant 0 : i32
      %dma_wait3A_193 = tpu.memref_slice %dma_wait3A_191[%mul3A_179, %dma_wait3A_192] : memref<10240x64xf32, #tpu.memory_space<hbm>> -> memref<640x64xf32, #tpu.memory_space<hbm>>
      %dma_wait3A_194 = arith.constant 0 : i32
      %dma_wait3A_195 = tpu.memref_slice %arg11[%mul3A_177, %dma_wait3A_194] : memref<10240x64xf32, #tpu.memory_space<vmem_shared>> -> memref<640x64xf32, #tpu.memory_space<vmem_shared>>
      tpu.wait_dma2 semaphore(%run_scoped3A : memref<!tpu.dma_semaphore, #tpu.memory_space<semaphore_mem>>) src(%dma_wait3A_195 : memref<640x64xf32, #tpu.memory_space<vmem_shared>>) dst(%dma_wait3A_193 : memref<640x64xf32, #tpu.memory_space<hbm>>)
      tpu.yield
    }) : () -> ()
    return
  }
}

#map = affine_map<(d0, d1) -> (0, 0, 0)>
#map1 = affine_map<(d0, d1) -> (0, 0)>
module attributes {stable_mosaic.version = 14 : i64} {
  func.func @agg_kernel(%arg0: i32, %arg1: i32, %arg2: memref<32x80x128xi32, #tpu.memory_space<hbm>>, %arg3: memref<32x80x128xi32, #tpu.memory_space<hbm>>, %arg4: memref<10240x48xf32, #tpu.memory_space<hbm>>, %arg5: memref<640x48xf32, #tpu.memory_space<hbm>>, %arg6: memref<5x128xi32, #tpu.memory_space<hbm>>, %arg7: memref<2x10240x48xf32, #tpu.memory_space<hbm>>, %arg8: memref<85x128xi32, #tpu.memory_space<vmem>>, %arg9: memref<80x128xi32, #tpu.memory_space<vmem>>, %arg10: memref<5x128x48xf32, #tpu.memory_space<vmem>>, %arg11: memref<10240x48xf32, #tpu.memory_space<vmem_shared>>, %arg12: memref<!tpu.dma_semaphore, #tpu.memory_space<semaphore_mem>>, %arg13: memref<!tpu.dma_semaphore, #tpu.memory_space<semaphore_mem>>, %arg14: memref<!tpu.dma_semaphore, #tpu.memory_space<semaphore_mem>>, %arg15: memref<!tpu.dma_semaphore, #tpu.memory_space<semaphore_mem>>, %arg16: memref<!tpu.dma_semaphore, #tpu.memory_space<semaphore_mem>>, %arg17: memref<!tpu.dma_semaphore, #tpu.memory_space<semaphore_mem>>, %arg18: memref<!tpu.dma_semaphore, #tpu.memory_space<semaphore_mem>>, %arg19: memref<!tpu.dma_semaphore, #tpu.memory_space<semaphore_mem>>, %arg20: memref<!tpu.dma_semaphore, #tpu.memory_space<semaphore_mem>>, %arg21: memref<!tpu.dma_semaphore, #tpu.memory_space<semaphore_mem>>) attributes {dimension_semantics = [#tpu.dimension_semantics<core_parallel>, #tpu.dimension_semantics<subcore_parallel>], iteration_bounds = array<i64: 2, 16>, scalar_prefetch = 0 : i64, scratch_operands = 14 : i64, tpu.core_type = #tpu.core_type<sc_vector_subcore>, window_params = [{transform_indices = #map}, {transform_indices = #map}, {transform_indices = #map1}, {transform_indices = #map1}, {transform_indices = #map1}, {transform_indices = #map}]} {
    %mul3A = arith.constant 16 : i32
    %mul3A_0 = arith.muli %arg0, %mul3A : i32
    %add3A = arith.addi %mul3A_0, %arg1 : i32
    "tpu.region"() ({
      %run_scoped3A = tpu.sem_alloc : memref<!tpu.dma_semaphore, #tpu.memory_space<semaphore_mem>>
      %dma_start3A_131 = arith.constant 0 : i32
      %dma_start3A_132 = arith.constant 0 : i32
      %dma_start3A_133 = tpu.memref_slice %arg8[%dma_start3A_131, %dma_start3A_132] : memref<85x128xi32, #tpu.memory_space<vmem>> -> memref<80x128xi32, #tpu.memory_space<vmem>>
      %dma_start3A_134 = arith.constant 0 : i32
      %dma_start3A_135 = arith.constant 0 : i32
      %dma_start3A_136 = tpu.memref_slice %arg2[%add3A, %dma_start3A_134, %dma_start3A_135] : memref<32x80x128xi32, #tpu.memory_space<hbm>> -> memref<1x80x128xi32, #tpu.memory_space<hbm>>
      %dma_start3A_137 = tpu.memref_squeeze %dma_start3A_136 : memref<1x80x128xi32, #tpu.memory_space<hbm>> -> memref<80x128xi32, #tpu.memory_space<hbm>>
      %dma_start3A_138 = arith.constant 0 : i32
      %dma_start3A_139 = arith.constant 0 : i32
      %dma_start3A_140 = tpu.memref_slice %arg8[%dma_start3A_138, %dma_start3A_139] : memref<85x128xi32, #tpu.memory_space<vmem>> -> memref<80x128xi32, #tpu.memory_space<vmem>>
      %dma_start3A_141 = arith.constant 0 : i32
      %dma_start3A_142 = arith.constant 0 : i32
      %dma_start3A_143 = tpu.memref_slice %arg2[%add3A, %dma_start3A_141, %dma_start3A_142] : memref<32x80x128xi32, #tpu.memory_space<hbm>> -> memref<1x80x128xi32, #tpu.memory_space<hbm>>
      %dma_start3A_144 = tpu.memref_squeeze %dma_start3A_143 : memref<1x80x128xi32, #tpu.memory_space<hbm>> -> memref<80x128xi32, #tpu.memory_space<hbm>>
      tpu.enqueue_dma source(%dma_start3A_144 : memref<80x128xi32, #tpu.memory_space<hbm>>) target(%dma_start3A_140 : memref<80x128xi32, #tpu.memory_space<vmem>>) target_semaphore(%run_scoped3A : memref<!tpu.dma_semaphore, #tpu.memory_space<semaphore_mem>>)
      %dma_wait3A_145 = arith.constant 0 : i32
      %dma_wait3A_146 = arith.constant 0 : i32
      %dma_wait3A_147 = tpu.memref_slice %arg8[%dma_wait3A_145, %dma_wait3A_146] : memref<85x128xi32, #tpu.memory_space<vmem>> -> memref<80x128xi32, #tpu.memory_space<vmem>>
      %dma_wait3A_148 = arith.constant 0 : i32
      %dma_wait3A_149 = arith.constant 0 : i32
      %dma_wait3A_150 = tpu.memref_slice %arg2[%add3A, %dma_wait3A_148, %dma_wait3A_149] : memref<32x80x128xi32, #tpu.memory_space<hbm>> -> memref<1x80x128xi32, #tpu.memory_space<hbm>>
      %dma_wait3A_151 = tpu.memref_squeeze %dma_wait3A_150 : memref<1x80x128xi32, #tpu.memory_space<hbm>> -> memref<80x128xi32, #tpu.memory_space<hbm>>
      %dma_wait3A_152 = arith.constant 0 : i32
      %dma_wait3A_153 = arith.constant 0 : i32
      %dma_wait3A_154 = tpu.memref_slice %arg8[%dma_wait3A_152, %dma_wait3A_153] : memref<85x128xi32, #tpu.memory_space<vmem>> -> memref<80x128xi32, #tpu.memory_space<vmem>>
      %dma_wait3A_155 = arith.constant 0 : i32
      %dma_wait3A_156 = arith.constant 0 : i32
      %dma_wait3A_157 = tpu.memref_slice %arg2[%add3A, %dma_wait3A_155, %dma_wait3A_156] : memref<32x80x128xi32, #tpu.memory_space<hbm>> -> memref<1x80x128xi32, #tpu.memory_space<hbm>>
      %dma_wait3A_158 = tpu.memref_squeeze %dma_wait3A_157 : memref<1x80x128xi32, #tpu.memory_space<hbm>> -> memref<80x128xi32, #tpu.memory_space<hbm>>
      tpu.wait_dma2 semaphore(%run_scoped3A : memref<!tpu.dma_semaphore, #tpu.memory_space<semaphore_mem>>) src(%dma_wait3A_158 : memref<80x128xi32, #tpu.memory_space<hbm>>) dst(%dma_wait3A_154 : memref<80x128xi32, #tpu.memory_space<vmem>>)
      tpu.yield
    }) : () -> ()
    "tpu.region"() ({
      %run_scoped3A = tpu.sem_alloc : memref<!tpu.dma_semaphore, #tpu.memory_space<semaphore_mem>>
      %dma_start3A_131 = arith.constant 80 : i32
      %dma_start3A_132 = arith.constant 0 : i32
      %dma_start3A_133 = tpu.memref_slice %arg8[%dma_start3A_131, %dma_start3A_132] : memref<85x128xi32, #tpu.memory_space<vmem>> -> memref<5x128xi32, #tpu.memory_space<vmem>>
      %dma_start3A_134 = arith.constant 80 : i32
      %dma_start3A_135 = arith.constant 0 : i32
      %dma_start3A_136 = tpu.memref_slice %arg8[%dma_start3A_134, %dma_start3A_135] : memref<85x128xi32, #tpu.memory_space<vmem>> -> memref<5x128xi32, #tpu.memory_space<vmem>>
      tpu.enqueue_dma source(%arg6 : memref<5x128xi32, #tpu.memory_space<hbm>>) target(%dma_start3A_136 : memref<5x128xi32, #tpu.memory_space<vmem>>) target_semaphore(%run_scoped3A : memref<!tpu.dma_semaphore, #tpu.memory_space<semaphore_mem>>)
      %dma_wait3A_137 = arith.constant 80 : i32
      %dma_wait3A_138 = arith.constant 0 : i32
      %dma_wait3A_139 = tpu.memref_slice %arg8[%dma_wait3A_137, %dma_wait3A_138] : memref<85x128xi32, #tpu.memory_space<vmem>> -> memref<5x128xi32, #tpu.memory_space<vmem>>
      %dma_wait3A_140 = arith.constant 80 : i32
      %dma_wait3A_141 = arith.constant 0 : i32
      %dma_wait3A_142 = tpu.memref_slice %arg8[%dma_wait3A_140, %dma_wait3A_141] : memref<85x128xi32, #tpu.memory_space<vmem>> -> memref<5x128xi32, #tpu.memory_space<vmem>>
      tpu.wait_dma2 semaphore(%run_scoped3A : memref<!tpu.dma_semaphore, #tpu.memory_space<semaphore_mem>>) src(%arg6 : memref<5x128xi32, #tpu.memory_space<hbm>>) dst(%dma_wait3A_142 : memref<5x128xi32, #tpu.memory_space<vmem>>)
      tpu.yield
    }) : () -> ()
    "tpu.region"() ({
      %run_scoped3A = tpu.sem_alloc : memref<!tpu.dma_semaphore, #tpu.memory_space<semaphore_mem>>
      %dma_start3A_131 = arith.constant 0 : i32
      %dma_start3A_132 = arith.constant 0 : i32
      %dma_start3A_133 = tpu.memref_slice %arg3[%add3A, %dma_start3A_131, %dma_start3A_132] : memref<32x80x128xi32, #tpu.memory_space<hbm>> -> memref<1x80x128xi32, #tpu.memory_space<hbm>>
      %dma_start3A_134 = tpu.memref_squeeze %dma_start3A_133 : memref<1x80x128xi32, #tpu.memory_space<hbm>> -> memref<80x128xi32, #tpu.memory_space<hbm>>
      %dma_start3A_135 = arith.constant 0 : i32
      %dma_start3A_136 = arith.constant 0 : i32
      %dma_start3A_137 = tpu.memref_slice %arg3[%add3A, %dma_start3A_135, %dma_start3A_136] : memref<32x80x128xi32, #tpu.memory_space<hbm>> -> memref<1x80x128xi32, #tpu.memory_space<hbm>>
      %dma_start3A_138 = tpu.memref_squeeze %dma_start3A_137 : memref<1x80x128xi32, #tpu.memory_space<hbm>> -> memref<80x128xi32, #tpu.memory_space<hbm>>
      tpu.enqueue_dma source(%dma_start3A_138 : memref<80x128xi32, #tpu.memory_space<hbm>>) target(%arg9 : memref<80x128xi32, #tpu.memory_space<vmem>>) target_semaphore(%run_scoped3A : memref<!tpu.dma_semaphore, #tpu.memory_space<semaphore_mem>>)
      %dma_wait3A_139 = arith.constant 0 : i32
      %dma_wait3A_140 = arith.constant 0 : i32
      %dma_wait3A_141 = tpu.memref_slice %arg3[%add3A, %dma_wait3A_139, %dma_wait3A_140] : memref<32x80x128xi32, #tpu.memory_space<hbm>> -> memref<1x80x128xi32, #tpu.memory_space<hbm>>
      %dma_wait3A_142 = tpu.memref_squeeze %dma_wait3A_141 : memref<1x80x128xi32, #tpu.memory_space<hbm>> -> memref<80x128xi32, #tpu.memory_space<hbm>>
      %dma_wait3A_143 = arith.constant 0 : i32
      %dma_wait3A_144 = arith.constant 0 : i32
      %dma_wait3A_145 = tpu.memref_slice %arg3[%add3A, %dma_wait3A_143, %dma_wait3A_144] : memref<32x80x128xi32, #tpu.memory_space<hbm>> -> memref<1x80x128xi32, #tpu.memory_space<hbm>>
      %dma_wait3A_146 = tpu.memref_squeeze %dma_wait3A_145 : memref<1x80x128xi32, #tpu.memory_space<hbm>> -> memref<80x128xi32, #tpu.memory_space<hbm>>
      tpu.wait_dma2 semaphore(%run_scoped3A : memref<!tpu.dma_semaphore, #tpu.memory_space<semaphore_mem>>) src(%dma_wait3A_146 : memref<80x128xi32, #tpu.memory_space<hbm>>) dst(%arg9 : memref<80x128xi32, #tpu.memory_space<vmem>>)
      tpu.yield
    }) : () -> ()
    %mul3A_1 = arith.constant 640 : i32
    %mul3A_2 = arith.muli %arg1, %mul3A_1 : i32
    "tpu.region"() ({
      %run_scoped3A = tpu.sem_alloc : memref<!tpu.dma_semaphore, #tpu.memory_space<semaphore_mem>>
      %dma_start3A_131 = arith.constant 0 : i32
      %dma_start3A_132 = tpu.memref_slice %arg11[%mul3A_2, %dma_start3A_131] : memref<10240x48xf32, #tpu.memory_space<vmem_shared>> -> memref<640x48xf32, #tpu.memory_space<vmem_shared>>
      tpu.enqueue_dma source(%arg5 : memref<640x48xf32, #tpu.memory_space<hbm>>) target(%dma_start3A_132 : memref<640x48xf32, #tpu.memory_space<vmem_shared>>) target_semaphore(%run_scoped3A : memref<!tpu.dma_semaphore, #tpu.memory_space<semaphore_mem>>)
      %dma_wait3A_133 = arith.constant 0 : i32
      %dma_wait3A_134 = tpu.memref_slice %arg11[%mul3A_2, %dma_wait3A_133] : memref<10240x48xf32, #tpu.memory_space<vmem_shared>> -> memref<640x48xf32, #tpu.memory_space<vmem_shared>>
      tpu.wait_dma2 semaphore(%run_scoped3A : memref<!tpu.dma_semaphore, #tpu.memory_space<semaphore_mem>>) src(%arg5 : memref<640x48xf32, #tpu.memory_space<hbm>>) dst(%dma_wait3A_134 : memref<640x48xf32, #tpu.memory_space<vmem_shared>>)
      tpu.yield
    }) : () -> ()
    %barrier3A = arith.constant 0 : index
    tpu.barrier barrier_id(%barrier3A)
    %dma_start3A = arith.constant 0 : i32
    %dma_start3A_3 = arith.constant 0 : i32
    %dma_start3A_4 = arith.constant 0 : i32
    %dma_start3A_5 = arith.constant 0 : i32
    %dma_start3A_6 = tpu.memref_slice %arg10[%dma_start3A_3, %dma_start3A_4, %dma_start3A_5] : memref<5x128x48xf32, #tpu.memory_space<vmem>> -> memref<1x128x48xf32, #tpu.memory_space<vmem>>
    %dma_start3A_7 = tpu.memref_squeeze %dma_start3A_6 : memref<1x128x48xf32, #tpu.memory_space<vmem>> -> memref<128x48xf32, #tpu.memory_space<vmem>>
    %dma_start3A_8 = arith.constant 0 : i32
    %dma_start3A_9 = tpu.memref_slice %arg8[%dma_start3A, %dma_start3A_8] : memref<85x128xi32, #tpu.memory_space<vmem>> -> memref<1x128xi32, #tpu.memory_space<vmem>>
    %dma_start3A_10 = tpu.memref_squeeze %dma_start3A_9 : memref<1x128xi32, #tpu.memory_space<vmem>> -> memref<128xi32, #tpu.memory_space<vmem>>
    %dma_start3A_11 = arith.constant 0 : i32
    %dma_start3A_12 = arith.constant 0 : i32
    %dma_start3A_13 = tpu.memref_slice %arg4[%dma_start3A_11, %dma_start3A_12] : memref<10240x48xf32, #tpu.memory_space<hbm>> -> memref<10240x48xf32, #tpu.memory_space<hbm>>
    tpu.enqueue_indirect_dma source(%dma_start3A_13 : memref<10240x48xf32, #tpu.memory_space<hbm>>) target(%dma_start3A_7 : memref<128x48xf32, #tpu.memory_space<vmem>>) offsets(%dma_start3A_10 : memref<128xi32, #tpu.memory_space<vmem>>) semaphore(%arg12 : memref<!tpu.dma_semaphore, #tpu.memory_space<semaphore_mem>>)
    %dma_start3A_14 = arith.constant 1 : i32
    %dma_start3A_15 = arith.constant 1 : i32
    %dma_start3A_16 = arith.constant 0 : i32
    %dma_start3A_17 = arith.constant 0 : i32
    %dma_start3A_18 = tpu.memref_slice %arg10[%dma_start3A_15, %dma_start3A_16, %dma_start3A_17] : memref<5x128x48xf32, #tpu.memory_space<vmem>> -> memref<1x128x48xf32, #tpu.memory_space<vmem>>
    %dma_start3A_19 = tpu.memref_squeeze %dma_start3A_18 : memref<1x128x48xf32, #tpu.memory_space<vmem>> -> memref<128x48xf32, #tpu.memory_space<vmem>>
    %dma_start3A_20 = arith.constant 0 : i32
    %dma_start3A_21 = tpu.memref_slice %arg8[%dma_start3A_14, %dma_start3A_20] : memref<85x128xi32, #tpu.memory_space<vmem>> -> memref<1x128xi32, #tpu.memory_space<vmem>>
    %dma_start3A_22 = tpu.memref_squeeze %dma_start3A_21 : memref<1x128xi32, #tpu.memory_space<vmem>> -> memref<128xi32, #tpu.memory_space<vmem>>
    %dma_start3A_23 = arith.constant 0 : i32
    %dma_start3A_24 = arith.constant 0 : i32
    %dma_start3A_25 = tpu.memref_slice %arg4[%dma_start3A_23, %dma_start3A_24] : memref<10240x48xf32, #tpu.memory_space<hbm>> -> memref<10240x48xf32, #tpu.memory_space<hbm>>
    tpu.enqueue_indirect_dma source(%dma_start3A_25 : memref<10240x48xf32, #tpu.memory_space<hbm>>) target(%dma_start3A_19 : memref<128x48xf32, #tpu.memory_space<vmem>>) offsets(%dma_start3A_22 : memref<128xi32, #tpu.memory_space<vmem>>) semaphore(%arg13 : memref<!tpu.dma_semaphore, #tpu.memory_space<semaphore_mem>>)
    %dma_start3A_26 = arith.constant 2 : i32
    %dma_start3A_27 = arith.constant 2 : i32
    %dma_start3A_28 = arith.constant 0 : i32
    %dma_start3A_29 = arith.constant 0 : i32
    %dma_start3A_30 = tpu.memref_slice %arg10[%dma_start3A_27, %dma_start3A_28, %dma_start3A_29] : memref<5x128x48xf32, #tpu.memory_space<vmem>> -> memref<1x128x48xf32, #tpu.memory_space<vmem>>
    %dma_start3A_31 = tpu.memref_squeeze %dma_start3A_30 : memref<1x128x48xf32, #tpu.memory_space<vmem>> -> memref<128x48xf32, #tpu.memory_space<vmem>>
    %dma_start3A_32 = arith.constant 0 : i32
    %dma_start3A_33 = tpu.memref_slice %arg8[%dma_start3A_26, %dma_start3A_32] : memref<85x128xi32, #tpu.memory_space<vmem>> -> memref<1x128xi32, #tpu.memory_space<vmem>>
    %dma_start3A_34 = tpu.memref_squeeze %dma_start3A_33 : memref<1x128xi32, #tpu.memory_space<vmem>> -> memref<128xi32, #tpu.memory_space<vmem>>
    %dma_start3A_35 = arith.constant 0 : i32
    %dma_start3A_36 = arith.constant 0 : i32
    %dma_start3A_37 = tpu.memref_slice %arg4[%dma_start3A_35, %dma_start3A_36] : memref<10240x48xf32, #tpu.memory_space<hbm>> -> memref<10240x48xf32, #tpu.memory_space<hbm>>
    tpu.enqueue_indirect_dma source(%dma_start3A_37 : memref<10240x48xf32, #tpu.memory_space<hbm>>) target(%dma_start3A_31 : memref<128x48xf32, #tpu.memory_space<vmem>>) offsets(%dma_start3A_34 : memref<128xi32, #tpu.memory_space<vmem>>) semaphore(%arg14 : memref<!tpu.dma_semaphore, #tpu.memory_space<semaphore_mem>>)
    %dma_start3A_38 = arith.constant 3 : i32
    %dma_start3A_39 = arith.constant 3 : i32
    %dma_start3A_40 = arith.constant 0 : i32
    %dma_start3A_41 = arith.constant 0 : i32
    %dma_start3A_42 = tpu.memref_slice %arg10[%dma_start3A_39, %dma_start3A_40, %dma_start3A_41] : memref<5x128x48xf32, #tpu.memory_space<vmem>> -> memref<1x128x48xf32, #tpu.memory_space<vmem>>
    %dma_start3A_43 = tpu.memref_squeeze %dma_start3A_42 : memref<1x128x48xf32, #tpu.memory_space<vmem>> -> memref<128x48xf32, #tpu.memory_space<vmem>>
    %dma_start3A_44 = arith.constant 0 : i32
    %dma_start3A_45 = tpu.memref_slice %arg8[%dma_start3A_38, %dma_start3A_44] : memref<85x128xi32, #tpu.memory_space<vmem>> -> memref<1x128xi32, #tpu.memory_space<vmem>>
    %dma_start3A_46 = tpu.memref_squeeze %dma_start3A_45 : memref<1x128xi32, #tpu.memory_space<vmem>> -> memref<128xi32, #tpu.memory_space<vmem>>
    %dma_start3A_47 = arith.constant 0 : i32
    %dma_start3A_48 = arith.constant 0 : i32
    %dma_start3A_49 = tpu.memref_slice %arg4[%dma_start3A_47, %dma_start3A_48] : memref<10240x48xf32, #tpu.memory_space<hbm>> -> memref<10240x48xf32, #tpu.memory_space<hbm>>
    tpu.enqueue_indirect_dma source(%dma_start3A_49 : memref<10240x48xf32, #tpu.memory_space<hbm>>) target(%dma_start3A_43 : memref<128x48xf32, #tpu.memory_space<vmem>>) offsets(%dma_start3A_46 : memref<128xi32, #tpu.memory_space<vmem>>) semaphore(%arg15 : memref<!tpu.dma_semaphore, #tpu.memory_space<semaphore_mem>>)
    %dma_start3A_50 = arith.constant 4 : i32
    %dma_start3A_51 = arith.constant 4 : i32
    %dma_start3A_52 = arith.constant 0 : i32
    %dma_start3A_53 = arith.constant 0 : i32
    %dma_start3A_54 = tpu.memref_slice %arg10[%dma_start3A_51, %dma_start3A_52, %dma_start3A_53] : memref<5x128x48xf32, #tpu.memory_space<vmem>> -> memref<1x128x48xf32, #tpu.memory_space<vmem>>
    %dma_start3A_55 = tpu.memref_squeeze %dma_start3A_54 : memref<1x128x48xf32, #tpu.memory_space<vmem>> -> memref<128x48xf32, #tpu.memory_space<vmem>>
    %dma_start3A_56 = arith.constant 0 : i32
    %dma_start3A_57 = tpu.memref_slice %arg8[%dma_start3A_50, %dma_start3A_56] : memref<85x128xi32, #tpu.memory_space<vmem>> -> memref<1x128xi32, #tpu.memory_space<vmem>>
    %dma_start3A_58 = tpu.memref_squeeze %dma_start3A_57 : memref<1x128xi32, #tpu.memory_space<vmem>> -> memref<128xi32, #tpu.memory_space<vmem>>
    %dma_start3A_59 = arith.constant 0 : i32
    %dma_start3A_60 = arith.constant 0 : i32
    %dma_start3A_61 = tpu.memref_slice %arg4[%dma_start3A_59, %dma_start3A_60] : memref<10240x48xf32, #tpu.memory_space<hbm>> -> memref<10240x48xf32, #tpu.memory_space<hbm>>
    tpu.enqueue_indirect_dma source(%dma_start3A_61 : memref<10240x48xf32, #tpu.memory_space<hbm>>) target(%dma_start3A_55 : memref<128x48xf32, #tpu.memory_space<vmem>>) offsets(%dma_start3A_58 : memref<128xi32, #tpu.memory_space<vmem>>) semaphore(%arg16 : memref<!tpu.dma_semaphore, #tpu.memory_space<semaphore_mem>>)
    %scan3A = arith.constant 0 : i32
    %scan3A_62 = arith.constant 0 : i32
    %scan3A_63 = arith.constant 16 : i32
    %scan3A_64 = arith.addi %scan3A_62, %scan3A_63 : i32
    %scan3A_65 = arith.constant 1 : i32
    scf.for %scan3A_131 = %scan3A_62 to %scan3A_64 step %scan3A_65  : i32 {
      %mul3A_132 = arith.constant 5 : i32
      %mul3A_133 = arith.muli %scan3A_131, %mul3A_132 : i32
      %add3A_134 = arith.constant 0 : i32
      %add3A_135 = arith.addi %mul3A_133, %add3A_134 : i32
      %dma_wait3A_136 = arith.constant 0 : i32
      %dma_wait3A_137 = arith.constant 0 : i32
      %dma_wait3A_138 = arith.constant 0 : i32
      %dma_wait3A_139 = tpu.memref_slice %arg10[%dma_wait3A_136, %dma_wait3A_137, %dma_wait3A_138] : memref<5x128x48xf32, #tpu.memory_space<vmem>> -> memref<1x128x48xf32, #tpu.memory_space<vmem>>
      %dma_wait3A_140 = tpu.memref_squeeze %dma_wait3A_139 : memref<1x128x48xf32, #tpu.memory_space<vmem>> -> memref<128x48xf32, #tpu.memory_space<vmem>>
      %dma_wait3A_141 = arith.constant 0 : i32
      %dma_wait3A_142 = tpu.memref_slice %arg8[%add3A_135, %dma_wait3A_141] : memref<85x128xi32, #tpu.memory_space<vmem>> -> memref<1x128xi32, #tpu.memory_space<vmem>>
      %dma_wait3A_143 = tpu.memref_squeeze %dma_wait3A_142 : memref<1x128xi32, #tpu.memory_space<vmem>> -> memref<128xi32, #tpu.memory_space<vmem>>
      %dma_wait3A_144 = arith.constant 0 : i32
      %dma_wait3A_145 = arith.constant 0 : i32
      %dma_wait3A_146 = tpu.memref_slice %arg4[%dma_wait3A_144, %dma_wait3A_145] : memref<10240x48xf32, #tpu.memory_space<hbm>> -> memref<10240x48xf32, #tpu.memory_space<hbm>>
      tpu.wait_indirect_dma semaphore(%arg12 : memref<!tpu.dma_semaphore, #tpu.memory_space<semaphore_mem>>) src(%dma_wait3A_146 : memref<10240x48xf32, #tpu.memory_space<hbm>>) dst(%dma_wait3A_140 : memref<128x48xf32, #tpu.memory_space<vmem>>)
      %add3A_147 = arith.constant 1 : i32
      %add3A_148 = arith.addi %mul3A_133, %add3A_147 : i32
      %dma_wait3A_149 = arith.constant 1 : i32
      %dma_wait3A_150 = arith.constant 0 : i32
      %dma_wait3A_151 = arith.constant 0 : i32
      %dma_wait3A_152 = tpu.memref_slice %arg10[%dma_wait3A_149, %dma_wait3A_150, %dma_wait3A_151] : memref<5x128x48xf32, #tpu.memory_space<vmem>> -> memref<1x128x48xf32, #tpu.memory_space<vmem>>
      %dma_wait3A_153 = tpu.memref_squeeze %dma_wait3A_152 : memref<1x128x48xf32, #tpu.memory_space<vmem>> -> memref<128x48xf32, #tpu.memory_space<vmem>>
      %dma_wait3A_154 = arith.constant 0 : i32
      %dma_wait3A_155 = tpu.memref_slice %arg8[%add3A_148, %dma_wait3A_154] : memref<85x128xi32, #tpu.memory_space<vmem>> -> memref<1x128xi32, #tpu.memory_space<vmem>>
      %dma_wait3A_156 = tpu.memref_squeeze %dma_wait3A_155 : memref<1x128xi32, #tpu.memory_space<vmem>> -> memref<128xi32, #tpu.memory_space<vmem>>
      %dma_wait3A_157 = arith.constant 0 : i32
      %dma_wait3A_158 = arith.constant 0 : i32
      %dma_wait3A_159 = tpu.memref_slice %arg4[%dma_wait3A_157, %dma_wait3A_158] : memref<10240x48xf32, #tpu.memory_space<hbm>> -> memref<10240x48xf32, #tpu.memory_space<hbm>>
      tpu.wait_indirect_dma semaphore(%arg13 : memref<!tpu.dma_semaphore, #tpu.memory_space<semaphore_mem>>) src(%dma_wait3A_159 : memref<10240x48xf32, #tpu.memory_space<hbm>>) dst(%dma_wait3A_153 : memref<128x48xf32, #tpu.memory_space<vmem>>)
      %add3A_160 = arith.constant 2 : i32
      %add3A_161 = arith.addi %mul3A_133, %add3A_160 : i32
      %dma_wait3A_162 = arith.constant 2 : i32
      %dma_wait3A_163 = arith.constant 0 : i32
      %dma_wait3A_164 = arith.constant 0 : i32
      %dma_wait3A_165 = tpu.memref_slice %arg10[%dma_wait3A_162, %dma_wait3A_163, %dma_wait3A_164] : memref<5x128x48xf32, #tpu.memory_space<vmem>> -> memref<1x128x48xf32, #tpu.memory_space<vmem>>
      %dma_wait3A_166 = tpu.memref_squeeze %dma_wait3A_165 : memref<1x128x48xf32, #tpu.memory_space<vmem>> -> memref<128x48xf32, #tpu.memory_space<vmem>>
      %dma_wait3A_167 = arith.constant 0 : i32
      %dma_wait3A_168 = tpu.memref_slice %arg8[%add3A_161, %dma_wait3A_167] : memref<85x128xi32, #tpu.memory_space<vmem>> -> memref<1x128xi32, #tpu.memory_space<vmem>>
      %dma_wait3A_169 = tpu.memref_squeeze %dma_wait3A_168 : memref<1x128xi32, #tpu.memory_space<vmem>> -> memref<128xi32, #tpu.memory_space<vmem>>
      %dma_wait3A_170 = arith.constant 0 : i32
      %dma_wait3A_171 = arith.constant 0 : i32
      %dma_wait3A_172 = tpu.memref_slice %arg4[%dma_wait3A_170, %dma_wait3A_171] : memref<10240x48xf32, #tpu.memory_space<hbm>> -> memref<10240x48xf32, #tpu.memory_space<hbm>>
      tpu.wait_indirect_dma semaphore(%arg14 : memref<!tpu.dma_semaphore, #tpu.memory_space<semaphore_mem>>) src(%dma_wait3A_172 : memref<10240x48xf32, #tpu.memory_space<hbm>>) dst(%dma_wait3A_166 : memref<128x48xf32, #tpu.memory_space<vmem>>)
      %add3A_173 = arith.constant 3 : i32
      %add3A_174 = arith.addi %mul3A_133, %add3A_173 : i32
      %dma_wait3A_175 = arith.constant 3 : i32
      %dma_wait3A_176 = arith.constant 0 : i32
      %dma_wait3A_177 = arith.constant 0 : i32
      %dma_wait3A_178 = tpu.memref_slice %arg10[%dma_wait3A_175, %dma_wait3A_176, %dma_wait3A_177] : memref<5x128x48xf32, #tpu.memory_space<vmem>> -> memref<1x128x48xf32, #tpu.memory_space<vmem>>
      %dma_wait3A_179 = tpu.memref_squeeze %dma_wait3A_178 : memref<1x128x48xf32, #tpu.memory_space<vmem>> -> memref<128x48xf32, #tpu.memory_space<vmem>>
      %dma_wait3A_180 = arith.constant 0 : i32
      %dma_wait3A_181 = tpu.memref_slice %arg8[%add3A_174, %dma_wait3A_180] : memref<85x128xi32, #tpu.memory_space<vmem>> -> memref<1x128xi32, #tpu.memory_space<vmem>>
      %dma_wait3A_182 = tpu.memref_squeeze %dma_wait3A_181 : memref<1x128xi32, #tpu.memory_space<vmem>> -> memref<128xi32, #tpu.memory_space<vmem>>
      %dma_wait3A_183 = arith.constant 0 : i32
      %dma_wait3A_184 = arith.constant 0 : i32
      %dma_wait3A_185 = tpu.memref_slice %arg4[%dma_wait3A_183, %dma_wait3A_184] : memref<10240x48xf32, #tpu.memory_space<hbm>> -> memref<10240x48xf32, #tpu.memory_space<hbm>>
      tpu.wait_indirect_dma semaphore(%arg15 : memref<!tpu.dma_semaphore, #tpu.memory_space<semaphore_mem>>) src(%dma_wait3A_185 : memref<10240x48xf32, #tpu.memory_space<hbm>>) dst(%dma_wait3A_179 : memref<128x48xf32, #tpu.memory_space<vmem>>)
      %add3A_186 = arith.constant 4 : i32
      %add3A_187 = arith.addi %mul3A_133, %add3A_186 : i32
      %dma_wait3A_188 = arith.constant 4 : i32
      %dma_wait3A_189 = arith.constant 0 : i32
      %dma_wait3A_190 = arith.constant 0 : i32
      %dma_wait3A_191 = tpu.memref_slice %arg10[%dma_wait3A_188, %dma_wait3A_189, %dma_wait3A_190] : memref<5x128x48xf32, #tpu.memory_space<vmem>> -> memref<1x128x48xf32, #tpu.memory_space<vmem>>
      %dma_wait3A_192 = tpu.memref_squeeze %dma_wait3A_191 : memref<1x128x48xf32, #tpu.memory_space<vmem>> -> memref<128x48xf32, #tpu.memory_space<vmem>>
      %dma_wait3A_193 = arith.constant 0 : i32
      %dma_wait3A_194 = tpu.memref_slice %arg8[%add3A_187, %dma_wait3A_193] : memref<85x128xi32, #tpu.memory_space<vmem>> -> memref<1x128xi32, #tpu.memory_space<vmem>>
      %dma_wait3A_195 = tpu.memref_squeeze %dma_wait3A_194 : memref<1x128xi32, #tpu.memory_space<vmem>> -> memref<128xi32, #tpu.memory_space<vmem>>
      %dma_wait3A_196 = arith.constant 0 : i32
      %dma_wait3A_197 = arith.constant 0 : i32
      %dma_wait3A_198 = tpu.memref_slice %arg4[%dma_wait3A_196, %dma_wait3A_197] : memref<10240x48xf32, #tpu.memory_space<hbm>> -> memref<10240x48xf32, #tpu.memory_space<hbm>>
      tpu.wait_indirect_dma semaphore(%arg16 : memref<!tpu.dma_semaphore, #tpu.memory_space<semaphore_mem>>) src(%dma_wait3A_198 : memref<10240x48xf32, #tpu.memory_space<hbm>>) dst(%dma_wait3A_192 : memref<128x48xf32, #tpu.memory_space<vmem>>)
      %add3A_199 = arith.constant 0 : i32
      %add3A_200 = arith.addi %mul3A_133, %add3A_199 : i32
      %dma_start3A_201 = arith.constant 0 : i32
      %dma_start3A_202 = arith.constant 0 : i32
      %dma_start3A_203 = arith.constant 0 : i32
      %dma_start3A_204 = tpu.memref_slice %arg10[%dma_start3A_201, %dma_start3A_202, %dma_start3A_203] : memref<5x128x48xf32, #tpu.memory_space<vmem>> -> memref<1x128x48xf32, #tpu.memory_space<vmem>>
      %dma_start3A_205 = tpu.memref_squeeze %dma_start3A_204 : memref<1x128x48xf32, #tpu.memory_space<vmem>> -> memref<128x48xf32, #tpu.memory_space<vmem>>
      %dma_start3A_206 = arith.constant 0 : i32
      %dma_start3A_207 = tpu.memref_slice %arg9[%add3A_200, %dma_start3A_206] : memref<80x128xi32, #tpu.memory_space<vmem>> -> memref<1x128xi32, #tpu.memory_space<vmem>>
      %dma_start3A_208 = tpu.memref_squeeze %dma_start3A_207 : memref<1x128xi32, #tpu.memory_space<vmem>> -> memref<128xi32, #tpu.memory_space<vmem>>
      %dma_start3A_209 = arith.constant 0 : i32
      %dma_start3A_210 = arith.constant 0 : i32
      %dma_start3A_211 = tpu.memref_slice %arg11[%dma_start3A_209, %dma_start3A_210] : memref<10240x48xf32, #tpu.memory_space<vmem_shared>> -> memref<10240x48xf32, #tpu.memory_space<vmem_shared>>
      tpu.enqueue_indirect_dma source(%dma_start3A_205 : memref<128x48xf32, #tpu.memory_space<vmem>>) target(%dma_start3A_211 : memref<10240x48xf32, #tpu.memory_space<vmem_shared>>) offsets(%dma_start3A_208 : memref<128xi32, #tpu.memory_space<vmem>>) semaphore(%arg17 : memref<!tpu.dma_semaphore, #tpu.memory_space<semaphore_mem>>) {add = true}
      %add3A_212 = arith.constant 1 : i32
      %add3A_213 = arith.addi %mul3A_133, %add3A_212 : i32
      %dma_start3A_214 = arith.constant 1 : i32
      %dma_start3A_215 = arith.constant 0 : i32
      %dma_start3A_216 = arith.constant 0 : i32
      %dma_start3A_217 = tpu.memref_slice %arg10[%dma_start3A_214, %dma_start3A_215, %dma_start3A_216] : memref<5x128x48xf32, #tpu.memory_space<vmem>> -> memref<1x128x48xf32, #tpu.memory_space<vmem>>
      %dma_start3A_218 = tpu.memref_squeeze %dma_start3A_217 : memref<1x128x48xf32, #tpu.memory_space<vmem>> -> memref<128x48xf32, #tpu.memory_space<vmem>>
      %dma_start3A_219 = arith.constant 0 : i32
      %dma_start3A_220 = tpu.memref_slice %arg9[%add3A_213, %dma_start3A_219] : memref<80x128xi32, #tpu.memory_space<vmem>> -> memref<1x128xi32, #tpu.memory_space<vmem>>
      %dma_start3A_221 = tpu.memref_squeeze %dma_start3A_220 : memref<1x128xi32, #tpu.memory_space<vmem>> -> memref<128xi32, #tpu.memory_space<vmem>>
      %dma_start3A_222 = arith.constant 0 : i32
      %dma_start3A_223 = arith.constant 0 : i32
      %dma_start3A_224 = tpu.memref_slice %arg11[%dma_start3A_222, %dma_start3A_223] : memref<10240x48xf32, #tpu.memory_space<vmem_shared>> -> memref<10240x48xf32, #tpu.memory_space<vmem_shared>>
      tpu.enqueue_indirect_dma source(%dma_start3A_218 : memref<128x48xf32, #tpu.memory_space<vmem>>) target(%dma_start3A_224 : memref<10240x48xf32, #tpu.memory_space<vmem_shared>>) offsets(%dma_start3A_221 : memref<128xi32, #tpu.memory_space<vmem>>) semaphore(%arg18 : memref<!tpu.dma_semaphore, #tpu.memory_space<semaphore_mem>>) {add = true}
      %add3A_225 = arith.constant 2 : i32
      %add3A_226 = arith.addi %mul3A_133, %add3A_225 : i32
      %dma_start3A_227 = arith.constant 2 : i32
      %dma_start3A_228 = arith.constant 0 : i32
      %dma_start3A_229 = arith.constant 0 : i32
      %dma_start3A_230 = tpu.memref_slice %arg10[%dma_start3A_227, %dma_start3A_228, %dma_start3A_229] : memref<5x128x48xf32, #tpu.memory_space<vmem>> -> memref<1x128x48xf32, #tpu.memory_space<vmem>>
      %dma_start3A_231 = tpu.memref_squeeze %dma_start3A_230 : memref<1x128x48xf32, #tpu.memory_space<vmem>> -> memref<128x48xf32, #tpu.memory_space<vmem>>
      %dma_start3A_232 = arith.constant 0 : i32
      %dma_start3A_233 = tpu.memref_slice %arg9[%add3A_226, %dma_start3A_232] : memref<80x128xi32, #tpu.memory_space<vmem>> -> memref<1x128xi32, #tpu.memory_space<vmem>>
      %dma_start3A_234 = tpu.memref_squeeze %dma_start3A_233 : memref<1x128xi32, #tpu.memory_space<vmem>> -> memref<128xi32, #tpu.memory_space<vmem>>
      %dma_start3A_235 = arith.constant 0 : i32
      %dma_start3A_236 = arith.constant 0 : i32
      %dma_start3A_237 = tpu.memref_slice %arg11[%dma_start3A_235, %dma_start3A_236] : memref<10240x48xf32, #tpu.memory_space<vmem_shared>> -> memref<10240x48xf32, #tpu.memory_space<vmem_shared>>
      tpu.enqueue_indirect_dma source(%dma_start3A_231 : memref<128x48xf32, #tpu.memory_space<vmem>>) target(%dma_start3A_237 : memref<10240x48xf32, #tpu.memory_space<vmem_shared>>) offsets(%dma_start3A_234 : memref<128xi32, #tpu.memory_space<vmem>>) semaphore(%arg19 : memref<!tpu.dma_semaphore, #tpu.memory_space<semaphore_mem>>) {add = true}
      %add3A_238 = arith.constant 3 : i32
      %add3A_239 = arith.addi %mul3A_133, %add3A_238 : i32
      %dma_start3A_240 = arith.constant 3 : i32
      %dma_start3A_241 = arith.constant 0 : i32
      %dma_start3A_242 = arith.constant 0 : i32
      %dma_start3A_243 = tpu.memref_slice %arg10[%dma_start3A_240, %dma_start3A_241, %dma_start3A_242] : memref<5x128x48xf32, #tpu.memory_space<vmem>> -> memref<1x128x48xf32, #tpu.memory_space<vmem>>
      %dma_start3A_244 = tpu.memref_squeeze %dma_start3A_243 : memref<1x128x48xf32, #tpu.memory_space<vmem>> -> memref<128x48xf32, #tpu.memory_space<vmem>>
      %dma_start3A_245 = arith.constant 0 : i32
      %dma_start3A_246 = tpu.memref_slice %arg9[%add3A_239, %dma_start3A_245] : memref<80x128xi32, #tpu.memory_space<vmem>> -> memref<1x128xi32, #tpu.memory_space<vmem>>
      %dma_start3A_247 = tpu.memref_squeeze %dma_start3A_246 : memref<1x128xi32, #tpu.memory_space<vmem>> -> memref<128xi32, #tpu.memory_space<vmem>>
      %dma_start3A_248 = arith.constant 0 : i32
      %dma_start3A_249 = arith.constant 0 : i32
      %dma_start3A_250 = tpu.memref_slice %arg11[%dma_start3A_248, %dma_start3A_249] : memref<10240x48xf32, #tpu.memory_space<vmem_shared>> -> memref<10240x48xf32, #tpu.memory_space<vmem_shared>>
      tpu.enqueue_indirect_dma source(%dma_start3A_244 : memref<128x48xf32, #tpu.memory_space<vmem>>) target(%dma_start3A_250 : memref<10240x48xf32, #tpu.memory_space<vmem_shared>>) offsets(%dma_start3A_247 : memref<128xi32, #tpu.memory_space<vmem>>) semaphore(%arg20 : memref<!tpu.dma_semaphore, #tpu.memory_space<semaphore_mem>>) {add = true}
      %add3A_251 = arith.constant 4 : i32
      %add3A_252 = arith.addi %mul3A_133, %add3A_251 : i32
      %dma_start3A_253 = arith.constant 4 : i32
      %dma_start3A_254 = arith.constant 0 : i32
      %dma_start3A_255 = arith.constant 0 : i32
      %dma_start3A_256 = tpu.memref_slice %arg10[%dma_start3A_253, %dma_start3A_254, %dma_start3A_255] : memref<5x128x48xf32, #tpu.memory_space<vmem>> -> memref<1x128x48xf32, #tpu.memory_space<vmem>>
      %dma_start3A_257 = tpu.memref_squeeze %dma_start3A_256 : memref<1x128x48xf32, #tpu.memory_space<vmem>> -> memref<128x48xf32, #tpu.memory_space<vmem>>
      %dma_start3A_258 = arith.constant 0 : i32
      %dma_start3A_259 = tpu.memref_slice %arg9[%add3A_252, %dma_start3A_258] : memref<80x128xi32, #tpu.memory_space<vmem>> -> memref<1x128xi32, #tpu.memory_space<vmem>>
      %dma_start3A_260 = tpu.memref_squeeze %dma_start3A_259 : memref<1x128xi32, #tpu.memory_space<vmem>> -> memref<128xi32, #tpu.memory_space<vmem>>
      %dma_start3A_261 = arith.constant 0 : i32
      %dma_start3A_262 = arith.constant 0 : i32
      %dma_start3A_263 = tpu.memref_slice %arg11[%dma_start3A_261, %dma_start3A_262] : memref<10240x48xf32, #tpu.memory_space<vmem_shared>> -> memref<10240x48xf32, #tpu.memory_space<vmem_shared>>
      tpu.enqueue_indirect_dma source(%dma_start3A_257 : memref<128x48xf32, #tpu.memory_space<vmem>>) target(%dma_start3A_263 : memref<10240x48xf32, #tpu.memory_space<vmem_shared>>) offsets(%dma_start3A_260 : memref<128xi32, #tpu.memory_space<vmem>>) semaphore(%arg21 : memref<!tpu.dma_semaphore, #tpu.memory_space<semaphore_mem>>) {add = true}
      %dma_wait3A_264 = arith.constant 0 : i32
      %dma_wait3A_265 = arith.constant 0 : i32
      %dma_wait3A_266 = arith.constant 0 : i32
      %dma_wait3A_267 = tpu.memref_slice %arg10[%dma_wait3A_264, %dma_wait3A_265, %dma_wait3A_266] : memref<5x128x48xf32, #tpu.memory_space<vmem>> -> memref<1x128x48xf32, #tpu.memory_space<vmem>>
      %dma_wait3A_268 = tpu.memref_squeeze %dma_wait3A_267 : memref<1x128x48xf32, #tpu.memory_space<vmem>> -> memref<128x48xf32, #tpu.memory_space<vmem>>
      %dma_wait3A_269 = arith.constant 0 : i32
      %dma_wait3A_270 = tpu.memref_slice %arg9[%add3A_200, %dma_wait3A_269] : memref<80x128xi32, #tpu.memory_space<vmem>> -> memref<1x128xi32, #tpu.memory_space<vmem>>
      %dma_wait3A_271 = tpu.memref_squeeze %dma_wait3A_270 : memref<1x128xi32, #tpu.memory_space<vmem>> -> memref<128xi32, #tpu.memory_space<vmem>>
      %dma_wait3A_272 = arith.constant 0 : i32
      %dma_wait3A_273 = arith.constant 0 : i32
      %dma_wait3A_274 = tpu.memref_slice %arg11[%dma_wait3A_272, %dma_wait3A_273] : memref<10240x48xf32, #tpu.memory_space<vmem_shared>> -> memref<10240x48xf32, #tpu.memory_space<vmem_shared>>
      tpu.wait_indirect_dma semaphore(%arg17 : memref<!tpu.dma_semaphore, #tpu.memory_space<semaphore_mem>>) src(%dma_wait3A_268 : memref<128x48xf32, #tpu.memory_space<vmem>>) dst(%dma_wait3A_274 : memref<10240x48xf32, #tpu.memory_space<vmem_shared>>)
      %add3A_275 = arith.constant 5 : i32
      %add3A_276 = arith.addi %mul3A_133, %add3A_275 : i32
      %add3A_277 = arith.constant 0 : i32
      %add3A_278 = arith.addi %add3A_276, %add3A_277 : i32
      %dma_start3A_279 = arith.constant 0 : i32
      %dma_start3A_280 = arith.constant 0 : i32
      %dma_start3A_281 = arith.constant 0 : i32
      %dma_start3A_282 = tpu.memref_slice %arg10[%dma_start3A_279, %dma_start3A_280, %dma_start3A_281] : memref<5x128x48xf32, #tpu.memory_space<vmem>> -> memref<1x128x48xf32, #tpu.memory_space<vmem>>
      %dma_start3A_283 = tpu.memref_squeeze %dma_start3A_282 : memref<1x128x48xf32, #tpu.memory_space<vmem>> -> memref<128x48xf32, #tpu.memory_space<vmem>>
      %dma_start3A_284 = arith.constant 0 : i32
      %dma_start3A_285 = tpu.memref_slice %arg8[%add3A_278, %dma_start3A_284] : memref<85x128xi32, #tpu.memory_space<vmem>> -> memref<1x128xi32, #tpu.memory_space<vmem>>
      %dma_start3A_286 = tpu.memref_squeeze %dma_start3A_285 : memref<1x128xi32, #tpu.memory_space<vmem>> -> memref<128xi32, #tpu.memory_space<vmem>>
      %dma_start3A_287 = arith.constant 0 : i32
      %dma_start3A_288 = arith.constant 0 : i32
      %dma_start3A_289 = tpu.memref_slice %arg4[%dma_start3A_287, %dma_start3A_288] : memref<10240x48xf32, #tpu.memory_space<hbm>> -> memref<10240x48xf32, #tpu.memory_space<hbm>>
      tpu.enqueue_indirect_dma source(%dma_start3A_289 : memref<10240x48xf32, #tpu.memory_space<hbm>>) target(%dma_start3A_283 : memref<128x48xf32, #tpu.memory_space<vmem>>) offsets(%dma_start3A_286 : memref<128xi32, #tpu.memory_space<vmem>>) semaphore(%arg12 : memref<!tpu.dma_semaphore, #tpu.memory_space<semaphore_mem>>)
      %dma_wait3A_290 = arith.constant 1 : i32
      %dma_wait3A_291 = arith.constant 0 : i32
      %dma_wait3A_292 = arith.constant 0 : i32
      %dma_wait3A_293 = tpu.memref_slice %arg10[%dma_wait3A_290, %dma_wait3A_291, %dma_wait3A_292] : memref<5x128x48xf32, #tpu.memory_space<vmem>> -> memref<1x128x48xf32, #tpu.memory_space<vmem>>
      %dma_wait3A_294 = tpu.memref_squeeze %dma_wait3A_293 : memref<1x128x48xf32, #tpu.memory_space<vmem>> -> memref<128x48xf32, #tpu.memory_space<vmem>>
      %dma_wait3A_295 = arith.constant 0 : i32
      %dma_wait3A_296 = tpu.memref_slice %arg9[%add3A_213, %dma_wait3A_295] : memref<80x128xi32, #tpu.memory_space<vmem>> -> memref<1x128xi32, #tpu.memory_space<vmem>>
      %dma_wait3A_297 = tpu.memref_squeeze %dma_wait3A_296 : memref<1x128xi32, #tpu.memory_space<vmem>> -> memref<128xi32, #tpu.memory_space<vmem>>
      %dma_wait3A_298 = arith.constant 0 : i32
      %dma_wait3A_299 = arith.constant 0 : i32
      %dma_wait3A_300 = tpu.memref_slice %arg11[%dma_wait3A_298, %dma_wait3A_299] : memref<10240x48xf32, #tpu.memory_space<vmem_shared>> -> memref<10240x48xf32, #tpu.memory_space<vmem_shared>>
      tpu.wait_indirect_dma semaphore(%arg18 : memref<!tpu.dma_semaphore, #tpu.memory_space<semaphore_mem>>) src(%dma_wait3A_294 : memref<128x48xf32, #tpu.memory_space<vmem>>) dst(%dma_wait3A_300 : memref<10240x48xf32, #tpu.memory_space<vmem_shared>>)
      %add3A_301 = arith.constant 5 : i32
      %add3A_302 = arith.addi %mul3A_133, %add3A_301 : i32
      %add3A_303 = arith.constant 1 : i32
      %add3A_304 = arith.addi %add3A_302, %add3A_303 : i32
      %dma_start3A_305 = arith.constant 1 : i32
      %dma_start3A_306 = arith.constant 0 : i32
      %dma_start3A_307 = arith.constant 0 : i32
      %dma_start3A_308 = tpu.memref_slice %arg10[%dma_start3A_305, %dma_start3A_306, %dma_start3A_307] : memref<5x128x48xf32, #tpu.memory_space<vmem>> -> memref<1x128x48xf32, #tpu.memory_space<vmem>>
      %dma_start3A_309 = tpu.memref_squeeze %dma_start3A_308 : memref<1x128x48xf32, #tpu.memory_space<vmem>> -> memref<128x48xf32, #tpu.memory_space<vmem>>
      %dma_start3A_310 = arith.constant 0 : i32
      %dma_start3A_311 = tpu.memref_slice %arg8[%add3A_304, %dma_start3A_310] : memref<85x128xi32, #tpu.memory_space<vmem>> -> memref<1x128xi32, #tpu.memory_space<vmem>>
      %dma_start3A_312 = tpu.memref_squeeze %dma_start3A_311 : memref<1x128xi32, #tpu.memory_space<vmem>> -> memref<128xi32, #tpu.memory_space<vmem>>
      %dma_start3A_313 = arith.constant 0 : i32
      %dma_start3A_314 = arith.constant 0 : i32
      %dma_start3A_315 = tpu.memref_slice %arg4[%dma_start3A_313, %dma_start3A_314] : memref<10240x48xf32, #tpu.memory_space<hbm>> -> memref<10240x48xf32, #tpu.memory_space<hbm>>
      tpu.enqueue_indirect_dma source(%dma_start3A_315 : memref<10240x48xf32, #tpu.memory_space<hbm>>) target(%dma_start3A_309 : memref<128x48xf32, #tpu.memory_space<vmem>>) offsets(%dma_start3A_312 : memref<128xi32, #tpu.memory_space<vmem>>) semaphore(%arg13 : memref<!tpu.dma_semaphore, #tpu.memory_space<semaphore_mem>>)
      %dma_wait3A_316 = arith.constant 2 : i32
      %dma_wait3A_317 = arith.constant 0 : i32
      %dma_wait3A_318 = arith.constant 0 : i32
      %dma_wait3A_319 = tpu.memref_slice %arg10[%dma_wait3A_316, %dma_wait3A_317, %dma_wait3A_318] : memref<5x128x48xf32, #tpu.memory_space<vmem>> -> memref<1x128x48xf32, #tpu.memory_space<vmem>>
      %dma_wait3A_320 = tpu.memref_squeeze %dma_wait3A_319 : memref<1x128x48xf32, #tpu.memory_space<vmem>> -> memref<128x48xf32, #tpu.memory_space<vmem>>
      %dma_wait3A_321 = arith.constant 0 : i32
      %dma_wait3A_322 = tpu.memref_slice %arg9[%add3A_226, %dma_wait3A_321] : memref<80x128xi32, #tpu.memory_space<vmem>> -> memref<1x128xi32, #tpu.memory_space<vmem>>
      %dma_wait3A_323 = tpu.memref_squeeze %dma_wait3A_322 : memref<1x128xi32, #tpu.memory_space<vmem>> -> memref<128xi32, #tpu.memory_space<vmem>>
      %dma_wait3A_324 = arith.constant 0 : i32
      %dma_wait3A_325 = arith.constant 0 : i32
      %dma_wait3A_326 = tpu.memref_slice %arg11[%dma_wait3A_324, %dma_wait3A_325] : memref<10240x48xf32, #tpu.memory_space<vmem_shared>> -> memref<10240x48xf32, #tpu.memory_space<vmem_shared>>
      tpu.wait_indirect_dma semaphore(%arg19 : memref<!tpu.dma_semaphore, #tpu.memory_space<semaphore_mem>>) src(%dma_wait3A_320 : memref<128x48xf32, #tpu.memory_space<vmem>>) dst(%dma_wait3A_326 : memref<10240x48xf32, #tpu.memory_space<vmem_shared>>)
      %add3A_327 = arith.constant 5 : i32
      %add3A_328 = arith.addi %mul3A_133, %add3A_327 : i32
      %add3A_329 = arith.constant 2 : i32
      %add3A_330 = arith.addi %add3A_328, %add3A_329 : i32
      %dma_start3A_331 = arith.constant 2 : i32
      %dma_start3A_332 = arith.constant 0 : i32
      %dma_start3A_333 = arith.constant 0 : i32
      %dma_start3A_334 = tpu.memref_slice %arg10[%dma_start3A_331, %dma_start3A_332, %dma_start3A_333] : memref<5x128x48xf32, #tpu.memory_space<vmem>> -> memref<1x128x48xf32, #tpu.memory_space<vmem>>
      %dma_start3A_335 = tpu.memref_squeeze %dma_start3A_334 : memref<1x128x48xf32, #tpu.memory_space<vmem>> -> memref<128x48xf32, #tpu.memory_space<vmem>>
      %dma_start3A_336 = arith.constant 0 : i32
      %dma_start3A_337 = tpu.memref_slice %arg8[%add3A_330, %dma_start3A_336] : memref<85x128xi32, #tpu.memory_space<vmem>> -> memref<1x128xi32, #tpu.memory_space<vmem>>
      %dma_start3A_338 = tpu.memref_squeeze %dma_start3A_337 : memref<1x128xi32, #tpu.memory_space<vmem>> -> memref<128xi32, #tpu.memory_space<vmem>>
      %dma_start3A_339 = arith.constant 0 : i32
      %dma_start3A_340 = arith.constant 0 : i32
      %dma_start3A_341 = tpu.memref_slice %arg4[%dma_start3A_339, %dma_start3A_340] : memref<10240x48xf32, #tpu.memory_space<hbm>> -> memref<10240x48xf32, #tpu.memory_space<hbm>>
      tpu.enqueue_indirect_dma source(%dma_start3A_341 : memref<10240x48xf32, #tpu.memory_space<hbm>>) target(%dma_start3A_335 : memref<128x48xf32, #tpu.memory_space<vmem>>) offsets(%dma_start3A_338 : memref<128xi32, #tpu.memory_space<vmem>>) semaphore(%arg14 : memref<!tpu.dma_semaphore, #tpu.memory_space<semaphore_mem>>)
      %dma_wait3A_342 = arith.constant 3 : i32
      %dma_wait3A_343 = arith.constant 0 : i32
      %dma_wait3A_344 = arith.constant 0 : i32
      %dma_wait3A_345 = tpu.memref_slice %arg10[%dma_wait3A_342, %dma_wait3A_343, %dma_wait3A_344] : memref<5x128x48xf32, #tpu.memory_space<vmem>> -> memref<1x128x48xf32, #tpu.memory_space<vmem>>
      %dma_wait3A_346 = tpu.memref_squeeze %dma_wait3A_345 : memref<1x128x48xf32, #tpu.memory_space<vmem>> -> memref<128x48xf32, #tpu.memory_space<vmem>>
      %dma_wait3A_347 = arith.constant 0 : i32
      %dma_wait3A_348 = tpu.memref_slice %arg9[%add3A_239, %dma_wait3A_347] : memref<80x128xi32, #tpu.memory_space<vmem>> -> memref<1x128xi32, #tpu.memory_space<vmem>>
      %dma_wait3A_349 = tpu.memref_squeeze %dma_wait3A_348 : memref<1x128xi32, #tpu.memory_space<vmem>> -> memref<128xi32, #tpu.memory_space<vmem>>
      %dma_wait3A_350 = arith.constant 0 : i32
      %dma_wait3A_351 = arith.constant 0 : i32
      %dma_wait3A_352 = tpu.memref_slice %arg11[%dma_wait3A_350, %dma_wait3A_351] : memref<10240x48xf32, #tpu.memory_space<vmem_shared>> -> memref<10240x48xf32, #tpu.memory_space<vmem_shared>>
      tpu.wait_indirect_dma semaphore(%arg20 : memref<!tpu.dma_semaphore, #tpu.memory_space<semaphore_mem>>) src(%dma_wait3A_346 : memref<128x48xf32, #tpu.memory_space<vmem>>) dst(%dma_wait3A_352 : memref<10240x48xf32, #tpu.memory_space<vmem_shared>>)
      %add3A_353 = arith.constant 5 : i32
      %add3A_354 = arith.addi %mul3A_133, %add3A_353 : i32
      %add3A_355 = arith.constant 3 : i32
      %add3A_356 = arith.addi %add3A_354, %add3A_355 : i32
      %dma_start3A_357 = arith.constant 3 : i32
      %dma_start3A_358 = arith.constant 0 : i32
      %dma_start3A_359 = arith.constant 0 : i32
      %dma_start3A_360 = tpu.memref_slice %arg10[%dma_start3A_357, %dma_start3A_358, %dma_start3A_359] : memref<5x128x48xf32, #tpu.memory_space<vmem>> -> memref<1x128x48xf32, #tpu.memory_space<vmem>>
      %dma_start3A_361 = tpu.memref_squeeze %dma_start3A_360 : memref<1x128x48xf32, #tpu.memory_space<vmem>> -> memref<128x48xf32, #tpu.memory_space<vmem>>
      %dma_start3A_362 = arith.constant 0 : i32
      %dma_start3A_363 = tpu.memref_slice %arg8[%add3A_356, %dma_start3A_362] : memref<85x128xi32, #tpu.memory_space<vmem>> -> memref<1x128xi32, #tpu.memory_space<vmem>>
      %dma_start3A_364 = tpu.memref_squeeze %dma_start3A_363 : memref<1x128xi32, #tpu.memory_space<vmem>> -> memref<128xi32, #tpu.memory_space<vmem>>
      %dma_start3A_365 = arith.constant 0 : i32
      %dma_start3A_366 = arith.constant 0 : i32
      %dma_start3A_367 = tpu.memref_slice %arg4[%dma_start3A_365, %dma_start3A_366] : memref<10240x48xf32, #tpu.memory_space<hbm>> -> memref<10240x48xf32, #tpu.memory_space<hbm>>
      tpu.enqueue_indirect_dma source(%dma_start3A_367 : memref<10240x48xf32, #tpu.memory_space<hbm>>) target(%dma_start3A_361 : memref<128x48xf32, #tpu.memory_space<vmem>>) offsets(%dma_start3A_364 : memref<128xi32, #tpu.memory_space<vmem>>) semaphore(%arg15 : memref<!tpu.dma_semaphore, #tpu.memory_space<semaphore_mem>>)
      %dma_wait3A_368 = arith.constant 4 : i32
      %dma_wait3A_369 = arith.constant 0 : i32
      %dma_wait3A_370 = arith.constant 0 : i32
      %dma_wait3A_371 = tpu.memref_slice %arg10[%dma_wait3A_368, %dma_wait3A_369, %dma_wait3A_370] : memref<5x128x48xf32, #tpu.memory_space<vmem>> -> memref<1x128x48xf32, #tpu.memory_space<vmem>>
      %dma_wait3A_372 = tpu.memref_squeeze %dma_wait3A_371 : memref<1x128x48xf32, #tpu.memory_space<vmem>> -> memref<128x48xf32, #tpu.memory_space<vmem>>
      %dma_wait3A_373 = arith.constant 0 : i32
      %dma_wait3A_374 = tpu.memref_slice %arg9[%add3A_252, %dma_wait3A_373] : memref<80x128xi32, #tpu.memory_space<vmem>> -> memref<1x128xi32, #tpu.memory_space<vmem>>
      %dma_wait3A_375 = tpu.memref_squeeze %dma_wait3A_374 : memref<1x128xi32, #tpu.memory_space<vmem>> -> memref<128xi32, #tpu.memory_space<vmem>>
      %dma_wait3A_376 = arith.constant 0 : i32
      %dma_wait3A_377 = arith.constant 0 : i32
      %dma_wait3A_378 = tpu.memref_slice %arg11[%dma_wait3A_376, %dma_wait3A_377] : memref<10240x48xf32, #tpu.memory_space<vmem_shared>> -> memref<10240x48xf32, #tpu.memory_space<vmem_shared>>
      tpu.wait_indirect_dma semaphore(%arg21 : memref<!tpu.dma_semaphore, #tpu.memory_space<semaphore_mem>>) src(%dma_wait3A_372 : memref<128x48xf32, #tpu.memory_space<vmem>>) dst(%dma_wait3A_378 : memref<10240x48xf32, #tpu.memory_space<vmem_shared>>)
      %add3A_379 = arith.constant 5 : i32
      %add3A_380 = arith.addi %mul3A_133, %add3A_379 : i32
      %add3A_381 = arith.constant 4 : i32
      %add3A_382 = arith.addi %add3A_380, %add3A_381 : i32
      %dma_start3A_383 = arith.constant 4 : i32
      %dma_start3A_384 = arith.constant 0 : i32
      %dma_start3A_385 = arith.constant 0 : i32
      %dma_start3A_386 = tpu.memref_slice %arg10[%dma_start3A_383, %dma_start3A_384, %dma_start3A_385] : memref<5x128x48xf32, #tpu.memory_space<vmem>> -> memref<1x128x48xf32, #tpu.memory_space<vmem>>
      %dma_start3A_387 = tpu.memref_squeeze %dma_start3A_386 : memref<1x128x48xf32, #tpu.memory_space<vmem>> -> memref<128x48xf32, #tpu.memory_space<vmem>>
      %dma_start3A_388 = arith.constant 0 : i32
      %dma_start3A_389 = tpu.memref_slice %arg8[%add3A_382, %dma_start3A_388] : memref<85x128xi32, #tpu.memory_space<vmem>> -> memref<1x128xi32, #tpu.memory_space<vmem>>
      %dma_start3A_390 = tpu.memref_squeeze %dma_start3A_389 : memref<1x128xi32, #tpu.memory_space<vmem>> -> memref<128xi32, #tpu.memory_space<vmem>>
      %dma_start3A_391 = arith.constant 0 : i32
      %dma_start3A_392 = arith.constant 0 : i32
      %dma_start3A_393 = tpu.memref_slice %arg4[%dma_start3A_391, %dma_start3A_392] : memref<10240x48xf32, #tpu.memory_space<hbm>> -> memref<10240x48xf32, #tpu.memory_space<hbm>>
      tpu.enqueue_indirect_dma source(%dma_start3A_393 : memref<10240x48xf32, #tpu.memory_space<hbm>>) target(%dma_start3A_387 : memref<128x48xf32, #tpu.memory_space<vmem>>) offsets(%dma_start3A_390 : memref<128xi32, #tpu.memory_space<vmem>>) semaphore(%arg16 : memref<!tpu.dma_semaphore, #tpu.memory_space<semaphore_mem>>)
    }
    %scan3A_66 = arith.constant 16 : i32
    %dma_wait3A = arith.constant 80 : i32
    %dma_wait3A_67 = arith.constant 0 : i32
    %dma_wait3A_68 = arith.constant 0 : i32
    %dma_wait3A_69 = arith.constant 0 : i32
    %dma_wait3A_70 = tpu.memref_slice %arg10[%dma_wait3A_67, %dma_wait3A_68, %dma_wait3A_69] : memref<5x128x48xf32, #tpu.memory_space<vmem>> -> memref<1x128x48xf32, #tpu.memory_space<vmem>>
    %dma_wait3A_71 = tpu.memref_squeeze %dma_wait3A_70 : memref<1x128x48xf32, #tpu.memory_space<vmem>> -> memref<128x48xf32, #tpu.memory_space<vmem>>
    %dma_wait3A_72 = arith.constant 0 : i32
    %dma_wait3A_73 = tpu.memref_slice %arg8[%dma_wait3A, %dma_wait3A_72] : memref<85x128xi32, #tpu.memory_space<vmem>> -> memref<1x128xi32, #tpu.memory_space<vmem>>
    %dma_wait3A_74 = tpu.memref_squeeze %dma_wait3A_73 : memref<1x128xi32, #tpu.memory_space<vmem>> -> memref<128xi32, #tpu.memory_space<vmem>>
    %dma_wait3A_75 = arith.constant 0 : i32
    %dma_wait3A_76 = arith.constant 0 : i32
    %dma_wait3A_77 = tpu.memref_slice %arg4[%dma_wait3A_75, %dma_wait3A_76] : memref<10240x48xf32, #tpu.memory_space<hbm>> -> memref<10240x48xf32, #tpu.memory_space<hbm>>
    tpu.wait_indirect_dma semaphore(%arg12 : memref<!tpu.dma_semaphore, #tpu.memory_space<semaphore_mem>>) src(%dma_wait3A_77 : memref<10240x48xf32, #tpu.memory_space<hbm>>) dst(%dma_wait3A_71 : memref<128x48xf32, #tpu.memory_space<vmem>>)
    %dma_wait3A_78 = arith.constant 81 : i32
    %dma_wait3A_79 = arith.constant 1 : i32
    %dma_wait3A_80 = arith.constant 0 : i32
    %dma_wait3A_81 = arith.constant 0 : i32
    %dma_wait3A_82 = tpu.memref_slice %arg10[%dma_wait3A_79, %dma_wait3A_80, %dma_wait3A_81] : memref<5x128x48xf32, #tpu.memory_space<vmem>> -> memref<1x128x48xf32, #tpu.memory_space<vmem>>
    %dma_wait3A_83 = tpu.memref_squeeze %dma_wait3A_82 : memref<1x128x48xf32, #tpu.memory_space<vmem>> -> memref<128x48xf32, #tpu.memory_space<vmem>>
    %dma_wait3A_84 = arith.constant 0 : i32
    %dma_wait3A_85 = tpu.memref_slice %arg8[%dma_wait3A_78, %dma_wait3A_84] : memref<85x128xi32, #tpu.memory_space<vmem>> -> memref<1x128xi32, #tpu.memory_space<vmem>>
    %dma_wait3A_86 = tpu.memref_squeeze %dma_wait3A_85 : memref<1x128xi32, #tpu.memory_space<vmem>> -> memref<128xi32, #tpu.memory_space<vmem>>
    %dma_wait3A_87 = arith.constant 0 : i32
    %dma_wait3A_88 = arith.constant 0 : i32
    %dma_wait3A_89 = tpu.memref_slice %arg4[%dma_wait3A_87, %dma_wait3A_88] : memref<10240x48xf32, #tpu.memory_space<hbm>> -> memref<10240x48xf32, #tpu.memory_space<hbm>>
    tpu.wait_indirect_dma semaphore(%arg13 : memref<!tpu.dma_semaphore, #tpu.memory_space<semaphore_mem>>) src(%dma_wait3A_89 : memref<10240x48xf32, #tpu.memory_space<hbm>>) dst(%dma_wait3A_83 : memref<128x48xf32, #tpu.memory_space<vmem>>)
    %dma_wait3A_90 = arith.constant 82 : i32
    %dma_wait3A_91 = arith.constant 2 : i32
    %dma_wait3A_92 = arith.constant 0 : i32
    %dma_wait3A_93 = arith.constant 0 : i32
    %dma_wait3A_94 = tpu.memref_slice %arg10[%dma_wait3A_91, %dma_wait3A_92, %dma_wait3A_93] : memref<5x128x48xf32, #tpu.memory_space<vmem>> -> memref<1x128x48xf32, #tpu.memory_space<vmem>>
    %dma_wait3A_95 = tpu.memref_squeeze %dma_wait3A_94 : memref<1x128x48xf32, #tpu.memory_space<vmem>> -> memref<128x48xf32, #tpu.memory_space<vmem>>
    %dma_wait3A_96 = arith.constant 0 : i32
    %dma_wait3A_97 = tpu.memref_slice %arg8[%dma_wait3A_90, %dma_wait3A_96] : memref<85x128xi32, #tpu.memory_space<vmem>> -> memref<1x128xi32, #tpu.memory_space<vmem>>
    %dma_wait3A_98 = tpu.memref_squeeze %dma_wait3A_97 : memref<1x128xi32, #tpu.memory_space<vmem>> -> memref<128xi32, #tpu.memory_space<vmem>>
    %dma_wait3A_99 = arith.constant 0 : i32
    %dma_wait3A_100 = arith.constant 0 : i32
    %dma_wait3A_101 = tpu.memref_slice %arg4[%dma_wait3A_99, %dma_wait3A_100] : memref<10240x48xf32, #tpu.memory_space<hbm>> -> memref<10240x48xf32, #tpu.memory_space<hbm>>
    tpu.wait_indirect_dma semaphore(%arg14 : memref<!tpu.dma_semaphore, #tpu.memory_space<semaphore_mem>>) src(%dma_wait3A_101 : memref<10240x48xf32, #tpu.memory_space<hbm>>) dst(%dma_wait3A_95 : memref<128x48xf32, #tpu.memory_space<vmem>>)
    %dma_wait3A_102 = arith.constant 83 : i32
    %dma_wait3A_103 = arith.constant 3 : i32
    %dma_wait3A_104 = arith.constant 0 : i32
    %dma_wait3A_105 = arith.constant 0 : i32
    %dma_wait3A_106 = tpu.memref_slice %arg10[%dma_wait3A_103, %dma_wait3A_104, %dma_wait3A_105] : memref<5x128x48xf32, #tpu.memory_space<vmem>> -> memref<1x128x48xf32, #tpu.memory_space<vmem>>
    %dma_wait3A_107 = tpu.memref_squeeze %dma_wait3A_106 : memref<1x128x48xf32, #tpu.memory_space<vmem>> -> memref<128x48xf32, #tpu.memory_space<vmem>>
    %dma_wait3A_108 = arith.constant 0 : i32
    %dma_wait3A_109 = tpu.memref_slice %arg8[%dma_wait3A_102, %dma_wait3A_108] : memref<85x128xi32, #tpu.memory_space<vmem>> -> memref<1x128xi32, #tpu.memory_space<vmem>>
    %dma_wait3A_110 = tpu.memref_squeeze %dma_wait3A_109 : memref<1x128xi32, #tpu.memory_space<vmem>> -> memref<128xi32, #tpu.memory_space<vmem>>
    %dma_wait3A_111 = arith.constant 0 : i32
    %dma_wait3A_112 = arith.constant 0 : i32
    %dma_wait3A_113 = tpu.memref_slice %arg4[%dma_wait3A_111, %dma_wait3A_112] : memref<10240x48xf32, #tpu.memory_space<hbm>> -> memref<10240x48xf32, #tpu.memory_space<hbm>>
    tpu.wait_indirect_dma semaphore(%arg15 : memref<!tpu.dma_semaphore, #tpu.memory_space<semaphore_mem>>) src(%dma_wait3A_113 : memref<10240x48xf32, #tpu.memory_space<hbm>>) dst(%dma_wait3A_107 : memref<128x48xf32, #tpu.memory_space<vmem>>)
    %dma_wait3A_114 = arith.constant 84 : i32
    %dma_wait3A_115 = arith.constant 4 : i32
    %dma_wait3A_116 = arith.constant 0 : i32
    %dma_wait3A_117 = arith.constant 0 : i32
    %dma_wait3A_118 = tpu.memref_slice %arg10[%dma_wait3A_115, %dma_wait3A_116, %dma_wait3A_117] : memref<5x128x48xf32, #tpu.memory_space<vmem>> -> memref<1x128x48xf32, #tpu.memory_space<vmem>>
    %dma_wait3A_119 = tpu.memref_squeeze %dma_wait3A_118 : memref<1x128x48xf32, #tpu.memory_space<vmem>> -> memref<128x48xf32, #tpu.memory_space<vmem>>
    %dma_wait3A_120 = arith.constant 0 : i32
    %dma_wait3A_121 = tpu.memref_slice %arg8[%dma_wait3A_114, %dma_wait3A_120] : memref<85x128xi32, #tpu.memory_space<vmem>> -> memref<1x128xi32, #tpu.memory_space<vmem>>
    %dma_wait3A_122 = tpu.memref_squeeze %dma_wait3A_121 : memref<1x128xi32, #tpu.memory_space<vmem>> -> memref<128xi32, #tpu.memory_space<vmem>>
    %dma_wait3A_123 = arith.constant 0 : i32
    %dma_wait3A_124 = arith.constant 0 : i32
    %dma_wait3A_125 = tpu.memref_slice %arg4[%dma_wait3A_123, %dma_wait3A_124] : memref<10240x48xf32, #tpu.memory_space<hbm>> -> memref<10240x48xf32, #tpu.memory_space<hbm>>
    tpu.wait_indirect_dma semaphore(%arg16 : memref<!tpu.dma_semaphore, #tpu.memory_space<semaphore_mem>>) src(%dma_wait3A_125 : memref<10240x48xf32, #tpu.memory_space<hbm>>) dst(%dma_wait3A_119 : memref<128x48xf32, #tpu.memory_space<vmem>>)
    %barrier3A_126 = arith.constant 0 : index
    tpu.barrier barrier_id(%barrier3A_126)
    %mul3A_127 = arith.constant 640 : i32
    %mul3A_128 = arith.muli %arg1, %mul3A_127 : i32
    %mul3A_129 = arith.constant 640 : i32
    %mul3A_130 = arith.muli %arg1, %mul3A_129 : i32
    "tpu.region"() ({
      %run_scoped3A = tpu.sem_alloc : memref<!tpu.dma_semaphore, #tpu.memory_space<semaphore_mem>>
      %dma_start3A_131 = arith.constant 0 : i32
      %dma_start3A_132 = arith.constant 0 : i32
      %dma_start3A_133 = tpu.memref_slice %arg7[%arg0, %dma_start3A_131, %dma_start3A_132] : memref<2x10240x48xf32, #tpu.memory_space<hbm>> -> memref<1x10240x48xf32, #tpu.memory_space<hbm>>
      %dma_start3A_134 = tpu.memref_squeeze %dma_start3A_133 : memref<1x10240x48xf32, #tpu.memory_space<hbm>> -> memref<10240x48xf32, #tpu.memory_space<hbm>>
      %dma_start3A_135 = arith.constant 0 : i32
      %dma_start3A_136 = tpu.memref_slice %dma_start3A_134[%mul3A_130, %dma_start3A_135] : memref<10240x48xf32, #tpu.memory_space<hbm>> -> memref<640x48xf32, #tpu.memory_space<hbm>>
      %dma_start3A_137 = arith.constant 0 : i32
      %dma_start3A_138 = tpu.memref_slice %arg11[%mul3A_128, %dma_start3A_137] : memref<10240x48xf32, #tpu.memory_space<vmem_shared>> -> memref<640x48xf32, #tpu.memory_space<vmem_shared>>
      tpu.enqueue_dma source(%dma_start3A_138 : memref<640x48xf32, #tpu.memory_space<vmem_shared>>) target(%dma_start3A_136 : memref<640x48xf32, #tpu.memory_space<hbm>>) target_semaphore(%run_scoped3A : memref<!tpu.dma_semaphore, #tpu.memory_space<semaphore_mem>>)
      %dma_wait3A_139 = arith.constant 0 : i32
      %dma_wait3A_140 = arith.constant 0 : i32
      %dma_wait3A_141 = tpu.memref_slice %arg7[%arg0, %dma_wait3A_139, %dma_wait3A_140] : memref<2x10240x48xf32, #tpu.memory_space<hbm>> -> memref<1x10240x48xf32, #tpu.memory_space<hbm>>
      %dma_wait3A_142 = tpu.memref_squeeze %dma_wait3A_141 : memref<1x10240x48xf32, #tpu.memory_space<hbm>> -> memref<10240x48xf32, #tpu.memory_space<hbm>>
      %dma_wait3A_143 = arith.constant 0 : i32
      %dma_wait3A_144 = tpu.memref_slice %dma_wait3A_142[%mul3A_130, %dma_wait3A_143] : memref<10240x48xf32, #tpu.memory_space<hbm>> -> memref<640x48xf32, #tpu.memory_space<hbm>>
      %dma_wait3A_145 = arith.constant 0 : i32
      %dma_wait3A_146 = tpu.memref_slice %arg11[%mul3A_128, %dma_wait3A_145] : memref<10240x48xf32, #tpu.memory_space<vmem_shared>> -> memref<640x48xf32, #tpu.memory_space<vmem_shared>>
      tpu.wait_dma2 semaphore(%run_scoped3A : memref<!tpu.dma_semaphore, #tpu.memory_space<semaphore_mem>>) src(%dma_wait3A_146 : memref<640x48xf32, #tpu.memory_space<vmem_shared>>) dst(%dma_wait3A_144 : memref<640x48xf32, #tpu.memory_space<hbm>>)
      tpu.yield
    }) : () -> ()
    return
  }
}

module attributes {stable_mosaic.version = 14 : i64} {
  func.func @body(%arg0: i32, %arg1: memref<2x1024x16xf32, #tpu.memory_space<vmem>>, %arg2: memref<1024x128xf32, #tpu.memory_space<vmem>>, %arg3: memref<2x1024x64xf32, #tpu.memory_space<vmem>>, %arg4: memref<1024x1xf32, #tpu.memory_space<vmem>>) attributes {dimension_semantics = [#tpu.dimension_semantics<arbitrary>], iteration_bounds = array<i64: 10>, scalar_prefetch = 0 : i64, scratch_operands = 0 : i64, tpu.core_type = #tpu.core_type<tc>, window_params = [{transform_indices = @transform_0, window_bounds = array<i64: 2, 1024, 16>}, {transform_indices = @transform_1, window_bounds = array<i64: 1024, 128>}, {transform_indices = @transform_2, window_bounds = array<i64: 2, 1024, 64>}, {transform_indices = @transform_3, window_bounds = array<i64: 1024, 1>}]} {
    %get3A = arith.constant 0 : index
    %get3A_0 = arith.constant 0 : index
    %get3A_1 = arith.constant 0 : index
    %get3A_2 = vector.load %arg1[%get3A, %get3A_0, %get3A_1] : memref<2x1024x16xf32, #tpu.memory_space<vmem>>, vector<1x1024x1xf32>
    %get3A_3 = vector.shape_cast %get3A_2 : vector<1x1024x1xf32> to vector<1024x1xf32>
    %get3A_4 = arith.constant 1 : index
    %get3A_5 = arith.constant 0 : index
    %get3A_6 = arith.constant 0 : index
    %get3A_7 = vector.load %arg1[%get3A_4, %get3A_5, %get3A_6] : memref<2x1024x16xf32, #tpu.memory_space<vmem>>, vector<1x1024x1xf32>
    %get3A_8 = vector.shape_cast %get3A_7 : vector<1x1024x1xf32> to vector<1024x1xf32>
    %add3A = arith.addf %get3A_3, %get3A_8 : vector<1024x1xf32>
    %add3A_9 = arith.constant 1.000000e+00 : f32
    %add3A_10 = vector.broadcast %add3A_9 : f32 to vector<1024x1xf32>
    %add3A_11 = arith.addf %add3A, %add3A_10 : vector<1024x1xf32>
    %rsqrt3A = math.rsqrt %add3A_11 : vector<1024x1xf32>
    %swap3A = arith.constant 0 : index
    %swap3A_12 = arith.constant 0 : index
    %swap3A_13 = vector.load %arg4[%swap3A, %swap3A_12] : memref<1024x1xf32, #tpu.memory_space<vmem>>, vector<1024x1xf32>
    tpu.vector_store %arg4[%swap3A, %swap3A_12], %rsqrt3A {strides = array<i32>} : memref<1024x1xf32, #tpu.memory_space<vmem>>, vector<1024x1xf32>,
    %get3A_14 = arith.constant 0 : index
    %get3A_15 = arith.constant 0 : index
    %get3A_16 = vector.load %arg2[%get3A_14, %get3A_15] : memref<1024x128xf32, #tpu.memory_space<vmem>>, vector<1024x128xf32>
    %mul3A = vector.broadcast %rsqrt3A : vector<1024x1xf32> to vector<1024x128xf32>
    %mul3A_17 = arith.mulf %get3A_16, %mul3A : vector<1024x128xf32>
    %slice3A = vector.extract_strided_slice %mul3A_17 {offsets = [0, 0], sizes = [1024, 64], strides = [1, 1]} : vector<1024x128xf32> to vector<1024x64xf32>
    %swap3A_18 = arith.constant 0 : index
    %swap3A_19 = arith.constant 0 : index
    %swap3A_20 = arith.constant 0 : index
    %swap3A_21 = vector.load %arg3[%swap3A_18, %swap3A_19, %swap3A_20] : memref<2x1024x64xf32, #tpu.memory_space<vmem>>, vector<1x1024x64xf32>
    %swap3A_22 = vector.shape_cast %swap3A_21 : vector<1x1024x64xf32> to vector<1024x64xf32>
    %swap3A_23 = vector.shape_cast %slice3A : vector<1024x64xf32> to vector<1x1024x64xf32>
    tpu.vector_store %arg3[%swap3A_18, %swap3A_19, %swap3A_20], %swap3A_23 {strides = array<i32>} : memref<2x1024x64xf32, #tpu.memory_space<vmem>>, vector<1x1024x64xf32>,
    %slice3A_24 = vector.extract_strided_slice %mul3A_17 {offsets = [0, 64], sizes = [1024, 64], strides = [1, 1]} : vector<1024x128xf32> to vector<1024x64xf32>
    %swap3A_25 = arith.constant 1 : index
    %swap3A_26 = arith.constant 0 : index
    %swap3A_27 = arith.constant 0 : index
    %swap3A_28 = vector.load %arg3[%swap3A_25, %swap3A_26, %swap3A_27] : memref<2x1024x64xf32, #tpu.memory_space<vmem>>, vector<1x1024x64xf32>
    %swap3A_29 = vector.shape_cast %swap3A_28 : vector<1x1024x64xf32> to vector<1024x64xf32>
    %swap3A_30 = vector.shape_cast %slice3A_24 : vector<1024x64xf32> to vector<1x1024x64xf32>
    tpu.vector_store %arg3[%swap3A_25, %swap3A_26, %swap3A_27], %swap3A_30 {strides = array<i32>} : memref<2x1024x64xf32, #tpu.memory_space<vmem>>, vector<1x1024x64xf32>,
    return
  }
  func.func @transform_0(%arg0: i32) -> (i32, i32, i32) {
    %c0_i32 = arith.constant 0 : i32
    %c0_i32_0 = arith.constant 0 : i32
    %c0_i32_1 = arith.constant 0 : i32
    return %c0_i32, %arg0, %c0_i32_0 : i32, i32, i32
  }
  func.func @transform_1(%arg0: i32) -> (i32, i32) {
    %c0_i32 = arith.constant 0 : i32
    %c0_i32_0 = arith.constant 0 : i32
    return %arg0, %c0_i32 : i32, i32
  }
  func.func @transform_2(%arg0: i32) -> (i32, i32, i32) {
    %c0_i32 = arith.constant 0 : i32
    %c0_i32_0 = arith.constant 0 : i32
    %c0_i32_1 = arith.constant 0 : i32
    return %c0_i32, %arg0, %c0_i32_0 : i32, i32, i32
  }
  func.func @transform_3(%arg0: i32) -> (i32, i32) {
    %c0_i32 = arith.constant 0 : i32
    %c0_i32_0 = arith.constant 0 : i32
    return %arg0, %c0_i32 : i32, i32
  }
}

module attributes {stable_mosaic.version = 14 : i64} {
  func.func @body(%arg0: i32, %arg1: memref<2x1024x64xf32, #tpu.memory_space<vmem>>, %arg2: memref<2x1024x64xf32, #tpu.memory_space<vmem>>, %arg3: memref<1024x1xf32, #tpu.memory_space<vmem>>, %arg4: memref<512x128xf32, #tpu.memory_space<vmem>>, %arg5: memref<1x512xf32, #tpu.memory_space<vmem>>, %arg6: memref<48x512xf32, #tpu.memory_space<vmem>>, %arg7: memref<1024x48xf32, #tpu.memory_space<vmem>>) attributes {dimension_semantics = [#tpu.dimension_semantics<arbitrary>], iteration_bounds = array<i64: 10>, scalar_prefetch = 0 : i64, scratch_operands = 0 : i64, tpu.core_type = #tpu.core_type<tc>, window_params = [{transform_indices = @transform_0, window_bounds = array<i64: 2, 1024, 64>}, {transform_indices = @transform_1, window_bounds = array<i64: 2, 1024, 64>}, {transform_indices = @transform_2, window_bounds = array<i64: 1024, 1>}, {pipeline_mode = #tpu.pipeline_mode<synchronous>, transform_indices = @transform_3, window_bounds = array<i64: 512, 128>}, {pipeline_mode = #tpu.pipeline_mode<synchronous>, transform_indices = @transform_4, window_bounds = array<i64: 1, 512>}, {pipeline_mode = #tpu.pipeline_mode<synchronous>, transform_indices = @transform_5, window_bounds = array<i64: 48, 512>}, {transform_indices = @transform_6, window_bounds = array<i64: 1024, 48>}]} {
    %get3A = arith.constant 0 : index
    %get3A_0 = arith.constant 0 : index
    %get3A_1 = vector.load %arg3[%get3A, %get3A_0] : memref<1024x1xf32, #tpu.memory_space<vmem>>, vector<1024x1xf32>
    %get3A_2 = arith.constant 0 : index
    %get3A_3 = arith.constant 0 : index
    %get3A_4 = arith.constant 0 : index
    %get3A_5 = vector.load %arg2[%get3A_2, %get3A_3, %get3A_4] : memref<2x1024x64xf32, #tpu.memory_space<vmem>>, vector<1x1024x64xf32>
    %get3A_6 = vector.shape_cast %get3A_5 : vector<1x1024x64xf32> to vector<1024x64xf32>
    %get3A_7 = arith.constant 0 : index
    %get3A_8 = arith.constant 0 : index
    %get3A_9 = arith.constant 0 : index
    %get3A_10 = vector.load %arg1[%get3A_7, %get3A_8, %get3A_9] : memref<2x1024x64xf32, #tpu.memory_space<vmem>>, vector<1x1024x64xf32>
    %get3A_11 = vector.shape_cast %get3A_10 : vector<1x1024x64xf32> to vector<1024x64xf32>
    %add3A = arith.addf %get3A_6, %get3A_11 : vector<1024x64xf32>
    %get3A_12 = arith.constant 1 : index
    %get3A_13 = arith.constant 0 : index
    %get3A_14 = arith.constant 0 : index
    %get3A_15 = vector.load %arg2[%get3A_12, %get3A_13, %get3A_14] : memref<2x1024x64xf32, #tpu.memory_space<vmem>>, vector<1x1024x64xf32>
    %get3A_16 = vector.shape_cast %get3A_15 : vector<1x1024x64xf32> to vector<1024x64xf32>
    %get3A_17 = arith.constant 1 : index
    %get3A_18 = arith.constant 0 : index
    %get3A_19 = arith.constant 0 : index
    %get3A_20 = vector.load %arg1[%get3A_17, %get3A_18, %get3A_19] : memref<2x1024x64xf32, #tpu.memory_space<vmem>>, vector<1x1024x64xf32>
    %get3A_21 = vector.shape_cast %get3A_20 : vector<1x1024x64xf32> to vector<1024x64xf32>
    %add3A_22 = arith.addf %get3A_16, %get3A_21 : vector<1024x64xf32>
    %concatenate3A = tpu.concatenate %add3A, %add3A_22 in 1 : vector<1024x64xf32>, vector<1024x64xf32> -> vector<1024x128xf32>
    %mul3A = vector.broadcast %get3A_1 : vector<1024x1xf32> to vector<1024x128xf32>
    %mul3A_23 = arith.mulf %concatenate3A, %mul3A : vector<1024x128xf32>
    %get3A_24 = arith.constant 0 : index
    %get3A_25 = arith.constant 0 : index
    %get3A_26 = vector.load %arg4[%get3A_24, %get3A_25] : memref<512x128xf32, #tpu.memory_space<vmem>>, vector<512x128xf32>
    %dot_general3A = arith.constant dense<0.000000e+00> : vector<1024x512xf32>
    %dot_general3A_27 = tpu.matmul %mul3A_23, %get3A_26, %dot_general3A {dimension_numbers = #tpu.dot_dimension_numbers<[1], [1], [0], [0], [0, 0, 1, 0], [], []>, transpose_lhs_hint = false} : vector<1024x128xf32>, vector<512x128xf32>, vector<1024x512xf32> -> vector<1024x512xf32>
    %get3A_28 = arith.constant 0 : index
    %get3A_29 = arith.constant 0 : index
    %get3A_30 = vector.load %arg5[%get3A_28, %get3A_29] : memref<1x512xf32, #tpu.memory_space<vmem>>, vector<1x512xf32>
    %add3A_31 = vector.broadcast %get3A_30 : vector<1x512xf32> to vector<1024x512xf32>
    %add3A_32 = arith.addf %dot_general3A_27, %add3A_31 : vector<1024x512xf32>
    %max3A = arith.constant 0.000000e+00 : f32
    %max3A_33 = vector.broadcast %max3A : f32 to vector<1024x512xf32>
    %max3A_34 = arith.maximumf %add3A_32, %max3A_33 : vector<1024x512xf32>
    %get3A_35 = arith.constant 0 : index
    %get3A_36 = arith.constant 0 : index
    %get3A_37 = vector.load %arg6[%get3A_35, %get3A_36] : memref<48x512xf32, #tpu.memory_space<vmem>>, vector<48x512xf32>
    %dot_general3A_38 = arith.constant dense<0.000000e+00> : vector<1024x48xf32>
    %dot_general3A_39 = tpu.matmul %max3A_34, %get3A_37, %dot_general3A_38 {dimension_numbers = #tpu.dot_dimension_numbers<[1], [1], [0], [0], [0, 0, 1, 0], [], []>, transpose_lhs_hint = false} : vector<1024x512xf32>, vector<48x512xf32>, vector<1024x48xf32> -> vector<1024x48xf32>
    %mul3A_40 = vector.broadcast %get3A_1 : vector<1024x1xf32> to vector<1024x48xf32>
    %mul3A_41 = arith.mulf %dot_general3A_39, %mul3A_40 : vector<1024x48xf32>
    %swap3A = arith.constant 0 : index
    %swap3A_42 = arith.constant 0 : index
    %swap3A_43 = vector.load %arg7[%swap3A, %swap3A_42] : memref<1024x48xf32, #tpu.memory_space<vmem>>, vector<1024x48xf32>
    tpu.vector_store %arg7[%swap3A, %swap3A_42], %mul3A_41 {strides = array<i32>} : memref<1024x48xf32, #tpu.memory_space<vmem>>, vector<1024x48xf32>,
    return
  }
  func.func @transform_0(%arg0: i32) -> (i32, i32, i32) {
    %c0_i32 = arith.constant 0 : i32
    %c0_i32_0 = arith.constant 0 : i32
    %c0_i32_1 = arith.constant 0 : i32
    return %c0_i32, %arg0, %c0_i32_0 : i32, i32, i32
  }
  func.func @transform_1(%arg0: i32) -> (i32, i32, i32) {
    %c0_i32 = arith.constant 0 : i32
    %c0_i32_0 = arith.constant 0 : i32
    %c0_i32_1 = arith.constant 0 : i32
    return %c0_i32, %arg0, %c0_i32_0 : i32, i32, i32
  }
  func.func @transform_2(%arg0: i32) -> (i32, i32) {
    %c0_i32 = arith.constant 0 : i32
    %c0_i32_0 = arith.constant 0 : i32
    return %arg0, %c0_i32 : i32, i32
  }
  func.func @transform_3(%arg0: i32) -> (i32, i32) {
    %c0_i32 = arith.constant 0 : i32
    %c0_i32_0 = arith.constant 0 : i32
    %c0_i32_1 = arith.constant 0 : i32
    return %c0_i32, %c0_i32_0 : i32, i32
  }
  func.func @transform_4(%arg0: i32) -> (i32, i32) {
    %c0_i32 = arith.constant 0 : i32
    %c0_i32_0 = arith.constant 0 : i32
    %c0_i32_1 = arith.constant 0 : i32
    return %c0_i32, %c0_i32_0 : i32, i32
  }
  func.func @transform_5(%arg0: i32) -> (i32, i32) {
    %c0_i32 = arith.constant 0 : i32
    %c0_i32_0 = arith.constant 0 : i32
    %c0_i32_1 = arith.constant 0 : i32
    return %c0_i32, %c0_i32_0 : i32, i32
  }
  func.func @transform_6(%arg0: i32) -> (i32, i32) {
    %c0_i32 = arith.constant 0 : i32
    %c0_i32_0 = arith.constant 0 : i32
    return %arg0, %c0_i32 : i32, i32
  }
}

module attributes {stable_mosaic.version = 14 : i64} {
  func.func @body(%arg0: i32, %arg1: memref<2x1024x48xf32, #tpu.memory_space<vmem>>, %arg2: memref<1024x48xf32, #tpu.memory_space<vmem>>, %arg3: memref<1024x1xf32, #tpu.memory_space<vmem>>, %arg4: memref<1x48xf32, #tpu.memory_space<vmem>>, %arg5: memref<1024x40xf32, #tpu.memory_space<vmem>>) attributes {dimension_semantics = [#tpu.dimension_semantics<arbitrary>], iteration_bounds = array<i64: 10>, scalar_prefetch = 0 : i64, scratch_operands = 0 : i64, tpu.core_type = #tpu.core_type<tc>, window_params = [{transform_indices = @transform_0, window_bounds = array<i64: 2, 1024, 48>}, {transform_indices = @transform_1, window_bounds = array<i64: 1024, 48>}, {transform_indices = @transform_2, window_bounds = array<i64: 1024, 1>}, {pipeline_mode = #tpu.pipeline_mode<synchronous>, transform_indices = @transform_3, window_bounds = array<i64: 1, 48>}, {transform_indices = @transform_4, window_bounds = array<i64: 1024, 40>}]} {
    %get3A = arith.constant 0 : index
    %get3A_0 = arith.constant 0 : index
    %get3A_1 = arith.constant 0 : index
    %get3A_2 = vector.load %arg1[%get3A, %get3A_0, %get3A_1] : memref<2x1024x48xf32, #tpu.memory_space<vmem>>, vector<1x1024x48xf32>
    %get3A_3 = vector.shape_cast %get3A_2 : vector<1x1024x48xf32> to vector<1024x48xf32>
    %get3A_4 = arith.constant 1 : index
    %get3A_5 = arith.constant 0 : index
    %get3A_6 = arith.constant 0 : index
    %get3A_7 = vector.load %arg1[%get3A_4, %get3A_5, %get3A_6] : memref<2x1024x48xf32, #tpu.memory_space<vmem>>, vector<1x1024x48xf32>
    %get3A_8 = vector.shape_cast %get3A_7 : vector<1x1024x48xf32> to vector<1024x48xf32>
    %add3A = arith.addf %get3A_3, %get3A_8 : vector<1024x48xf32>
    %get3A_9 = arith.constant 0 : index
    %get3A_10 = arith.constant 0 : index
    %get3A_11 = vector.load %arg2[%get3A_9, %get3A_10] : memref<1024x48xf32, #tpu.memory_space<vmem>>, vector<1024x48xf32>
    %add3A_12 = arith.addf %add3A, %get3A_11 : vector<1024x48xf32>
    %get3A_13 = arith.constant 0 : index
    %get3A_14 = arith.constant 0 : index
    %get3A_15 = vector.load %arg3[%get3A_13, %get3A_14] : memref<1024x1xf32, #tpu.memory_space<vmem>>, vector<1024x1xf32>
    %mul3A = vector.broadcast %get3A_15 : vector<1024x1xf32> to vector<1024x48xf32>
    %mul3A_16 = arith.mulf %add3A_12, %mul3A : vector<1024x48xf32>
    %get3A_17 = arith.constant 0 : index
    %get3A_18 = arith.constant 0 : index
    %get3A_19 = vector.load %arg4[%get3A_17, %get3A_18] : memref<1x48xf32, #tpu.memory_space<vmem>>, vector<1x48xf32>
    %add3A_20 = vector.broadcast %get3A_19 : vector<1x48xf32> to vector<1024x48xf32>
    %add3A_21 = arith.addf %mul3A_16, %add3A_20 : vector<1024x48xf32>
    %iota3A = tpu.iota {dimensions = array<i32: 1>} : vector<1024x48xi32>
    %lt3A = arith.constant 40 : i32
    %lt3A_22 = vector.broadcast %lt3A : i32 to vector<1024x48xi32>
    %lt3A_23 = arith.cmpi slt, %iota3A, %lt3A_22 : vector<1024x48xi32>
    %jit3A = arith.constant 0xFF800000 : f32
    %broadcast_in_dim3A = vector.broadcast %jit3A : f32 to vector<1024x48xf32>
    %select_n3A = arith.select %lt3A_23, %add3A_21, %broadcast_in_dim3A : vector<1024x48xi1>, vector<1024x48xf32>
    %reduce_max3A = arith.constant dense<0xFF800000> : vector<1024xf32>
    %reduce_max3A_24 = vector.multi_reduction <maximumf>, %select_n3A, %reduce_max3A [1] : vector<1024x48xf32> to vector<1024xf32>
    %broadcast_in_dim3A_25 = vector.shape_cast %reduce_max3A_24 : vector<1024xf32> to vector<1024x1xf32>
    %sub3A = vector.broadcast %broadcast_in_dim3A_25 : vector<1024x1xf32> to vector<1024x48xf32>
    %sub3A_26 = arith.subf %select_n3A, %sub3A : vector<1024x48xf32>
    %exp3A = math.exp %sub3A_26 : vector<1024x48xf32>
    %reduce_sum3A = arith.constant dense<0.000000e+00> : vector<1024xf32>
    %reduce_sum3A_27 = vector.multi_reduction <add>, %exp3A, %reduce_sum3A [1] : vector<1024x48xf32> to vector<1024xf32>
    %broadcast_in_dim3A_28 = vector.shape_cast %reduce_sum3A_27 : vector<1024xf32> to vector<1024x1xf32>
    %log3A = math.log %broadcast_in_dim3A_28 : vector<1024x1xf32>
    %add3A_29 = arith.addf %broadcast_in_dim3A_25, %log3A : vector<1024x1xf32>
    %sub3A_30 = vector.broadcast %add3A_29 : vector<1024x1xf32> to vector<1024x48xf32>
    %sub3A_31 = arith.subf %add3A_21, %sub3A_30 : vector<1024x48xf32>
    %slice3A = vector.extract_strided_slice %sub3A_31 {offsets = [0, 0], sizes = [1024, 40], strides = [1, 1]} : vector<1024x48xf32> to vector<1024x40xf32>
    %swap3A = arith.constant 0 : index
    %swap3A_32 = arith.constant 0 : index
    %swap3A_33 = vector.load %arg5[%swap3A, %swap3A_32] : memref<1024x40xf32, #tpu.memory_space<vmem>>, vector<1024x40xf32>
    tpu.vector_store %arg5[%swap3A, %swap3A_32], %slice3A {strides = array<i32>} : memref<1024x40xf32, #tpu.memory_space<vmem>>, vector<1024x40xf32>,
    return
  }
  func.func @transform_0(%arg0: i32) -> (i32, i32, i32) {
    %c0_i32 = arith.constant 0 : i32
    %c0_i32_0 = arith.constant 0 : i32
    %c0_i32_1 = arith.constant 0 : i32
    return %c0_i32, %arg0, %c0_i32_0 : i32, i32, i32
  }
  func.func @transform_1(%arg0: i32) -> (i32, i32) {
    %c0_i32 = arith.constant 0 : i32
    %c0_i32_0 = arith.constant 0 : i32
    return %arg0, %c0_i32 : i32, i32
  }
  func.func @transform_2(%arg0: i32) -> (i32, i32) {
    %c0_i32 = arith.constant 0 : i32
    %c0_i32_0 = arith.constant 0 : i32
    return %arg0, %c0_i32 : i32, i32
  }
  func.func @transform_3(%arg0: i32) -> (i32, i32) {
    %c0_i32 = arith.constant 0 : i32
    %c0_i32_0 = arith.constant 0 : i32
    %c0_i32_1 = arith.constant 0 : i32
    return %c0_i32, %c0_i32_0 : i32, i32
  }
  func.func @transform_4(%arg0: i32) -> (i32, i32) {
    %c0_i32 = arith.constant 0 : i32
    %c0_i32_0 = arith.constant 0 : i32
    return %arg0, %c0_i32 : i32, i32
  }
}

</mosaic_0001>

<sc_bundles>
// kernel: kernel.11.cloned.1.call-start
scs
__scs_entry_jumppad:
0x0: {  	(pc) =	sbr.rel $0x88, $3  }
0x1: {  	(tag) =	ssettag $0x0;
	lr =	simm.s32 $0x1  }
0x2: {  	[smem:$0x3F9B] =	sst lr;
	_ =	strace $0xD0000000  }
0x3: {  	_ = 	snop  }
0x4: {  	_ = 	snop  }
0x5: {  	_ = 	snop  }
0x6: {  	_ = 	snop  }
0x7: {  	_ = 	snop  }
__scs_overlays_trampoline_lowered:
0x8: {  	[smem:$0x3FAA] =	sst s0  }
0x9: {  	[smem:$0x3FAB] =	sst s1  }
0xa: {  	[smem:$0x3FAC] =	sst s2  }
0xb: {  	[smem:$0x3FAD] =	sst s3  }
0xc: {  	[smem:$0x3FAE] =	sst s4  }
0xd: {  	[smem:$0x3FAF] =	sst s5  }
0xe: {  	[smem:$0x3FB0] =	sst s6  }
0xf: {  	[smem:$0x3FB1] =	sst s7  }
0x10: {  	[smem:$0x3FB2] =	sst s8  }
0x11: {  	[smem:$0x3FB3] =	sst s9;
	s0 =	simm.s32 @!p0 $0x0  }
0x12: {  	s1 =	sld [smem:$0x3F99];
	s0 =	simm.s32 @p0 $0x1  }
0x13: {  	[smem:$0x3FB4] =	sst s0;
	s0 =	simm.s32 @!p1 $0x0  }
0x14: {  	s2 =	sld [smem:$0x3F98];
	s0 =	simm.s32 @p1 $0x1  }
0x15: {  	[smem:$0x3FB5] =	sst s0;
	s0 =	simm.s32 @!p2 $0x0  }
0x16: {  	s3 =	sld [smem:$0x3FDB];
	s0 =	simm.s32 @p2 $0x1  }
0x17: {  	s4 =	simm.s32 $0x1BF5;
	[smem:$0x3FB7] =	sst s0  }
0x18: {  	s0 =	sld [smem:$0x3F9A];
	_ =	swait.ge [sflag:s4], $0x0  }
0x19: {  	s7 =	sld [smem:$0x3F9B]  }
0x1a: {  	s8 =	sadd.s32 $0xFFFFE003, lr  }
0x1b: {  	s9 =	sadd.s32 $0xFFFFFEF7, lr;
	s5 =	simm.s32 $0xFFFFFFFF;
	p2 =	slt.u32 s8, $0xFFFFF086  }
0x1c: {  	p1 =	slt.u32 s9, $0xF7A;
	s5 =	simm.s32 @!p2 $0x0  }
0x1d: {  	s5 =	simm.s32 @p1 $0x1;
	p0 =	seq.s32 s7, s2  }
0x1e: {  	s7 =	smul.u32 @!p0 $0xF7A, s2;
	p2 =	seq.s32 @!p0 s5, $0x0  }
0x1f: {  	s9 =	smul.u32 $0xF7A, s1;
	s8 =	simm.s32 @!p0 $0x1BF5;
	p2 =	por !p2, p0  }
0x20: {  	[sflag:s8] =	ssyncset.s32 @!p0 $0xFFFFF086;
	s6 =	sadd.s32 @!p0 s3, s7;
	s7 =	simm.s32 @!p0 $0x108  }
0x21: {  	s3 =	sadd.s32 s3, s9;
	s6 =	sadd.s32 @!p0 $0x88, s6;
	s7 =	simm.s32 @p2 $0x1082  }
0x22: {  	[simem:s7], [sflag:s8] =	dma.local @!p0 [hbm:s6], $0xF7A  }
0x23: {  	s9 =	sor.u32 $0xD0000000, s2;
	s6 =	simm.s32 $0x108;
	_ =	swait.ge @!p0 [sflag:s8], $0x0  }
0x24: {  	s3 =	sadd.s32 $0x88, s3;
	s6 =	simm.s32 @!p1 $0x1082;
	[sflag:s4] =	ssyncset.s32 $0xFFFFF086  }
0x25: {  	[simem:s6], [sflag:s4] =	dma.local [hbm:s3], $0xF7A  }
0x26: {  	[smem:$0x3F9B] =	sst s1;
	(tag) =	ssettag s2;
	_ =	strace s9  }
0x27: {  	s1 =	sld [smem:$0x3FAB]  }
0x28: {  	s2 =	sld [smem:$0x3FAC]  }
0x29: {  	s4 =	sld [smem:$0x3FAE]  }
0x2a: {  	p0 =	seq.s32 s5, $0x0;
	s5 =	sld [smem:$0x3FAF]  }
0x2b: {  	s6 =	sld [smem:$0x3FB0]  }
0x2c: {  	s7 =	sld [smem:$0x3FB1]  }
0x2d: {  	s3 =	simm.s32 $0x108;
	s8 =	sld [smem:$0x3FB2]  }
0x2e: {  	s3 =	simm.s32 @!p0 $0x1082;
	s9 =	sld [smem:$0x3FB3]  }
0x2f: {  	lr =	sadd.s32 s0, s3;
	s0 =	sld [smem:$0x3FAA]  }
0x30: {  	s3 =	sld [smem:$0x3FAD]  }
0x31: {  	[smem:$0x3FB6] =	sst s10  }
0x32: {  	s10 =	sld [smem:$0x3FB4];
	_ =	sdelay $0x3  }
0x33: {  	p0 =	seq.s32 s10, $0x1;
	s10 =	sld [smem:$0x3FB6];
	_ =	sdelay $0x3  }
0x34: {  	[smem:$0x3FB6] =	sst s10  }
0x35: {  	s10 =	sld [smem:$0x3FB5];
	_ =	sdelay $0x3  }
0x36: {  	p1 =	seq.s32 s10, $0x1;
	s10 =	sld [smem:$0x3FB6];
	_ =	sdelay $0x3  }
0x37: {  	[smem:$0x3FB6] =	sst s10  }
0x38: {  	s10 =	sld [smem:$0x3FB7]  }
0x39: {  	_ = 	snop;
	(pc) =	sbr.ind lr, $3  }
0x3a: {  	_ = 	snop  }
0x3b: {  	_ = 	snop  }
0x3c: {  	p2 =	seq.s32 s10, $0x1;
	s10 =	sld [smem:$0x3FB6]  }
0x3d: {  	_ =	shalt  }
0x3e: {  	_ =	shalt  }
0x3f: {  	_ =	shalt  }
0x40: {  	_ =	shalt  }
0x41: {  	_ =	shalt  }
0x42: {  	_ =	shalt  }
0x43: {  	_ =	shalt  }
0x44: {  	_ =	shalt  }
0x45: {  	_ =	shalt  }
0x46: {  	_ =	shalt  }
0x47: {  	_ =	shalt  }
0x48: {  	_ =	shalt  }
0x49: {  	_ =	shalt  }
0x4a: {  	_ =	shalt  }
0x4b: {  	_ =	shalt  }
0x4c: {  	_ =	shalt  }
0x4d: {  	_ =	shalt  }
0x4e: {  	_ =	shalt  }
0x4f: {  	_ =	shalt  }
0x50: {  	_ =	shalt  }
0x51: {  	_ =	shalt  }
0x52: {  	_ =	shalt  }
0x53: {  	_ =	shalt  }
0x54: {  	_ =	shalt  }
0x55: {  	_ =	shalt  }
0x56: {  	_ =	shalt  }
0x57: {  	_ =	shalt  }
0x58: {  	_ =	shalt  }
0x59: {  	_ =	shalt  }
0x5a: {  	_ =	shalt  }
0x5b: {  	_ =	shalt  }
0x5c: {  	_ =	shalt  }
0x5d: {  	_ =	shalt  }
0x5e: {  	_ =	shalt  }
0x5f: {  	_ =	shalt  }
0x60: {  	_ =	shalt  }
0x61: {  	_ =	shalt  }
0x62: {  	_ =	shalt  }
0x63: {  	_ =	shalt  }
0x64: {  	_ =	shalt  }
0x65: {  	_ =	shalt  }
0x66: {  	_ =	shalt  }
0x67: {  	_ =	shalt  }
0x68: {  	_ =	shalt  }
0x69: {  	_ =	shalt  }
0x6a: {  	_ =	shalt  }
0x6b: {  	_ =	shalt  }
0x6c: {  	_ =	shalt  }
0x6d: {  	_ =	shalt  }
0x6e: {  	_ =	shalt  }
0x6f: {  	_ =	shalt  }
0x70: {  	_ =	shalt  }
0x71: {  	_ =	shalt  }
0x72: {  	_ =	shalt  }
0x73: {  	_ =	shalt  }
0x74: {  	_ =	shalt  }
0x75: {  	_ =	shalt  }
0x76: {  	_ =	shalt  }
0x77: {  	_ =	shalt  }
0x78: {  	_ =	shalt  }
0x79: {  	_ =	shalt  }
0x7a: {  	_ =	shalt  }
0x7b: {  	_ =	shalt  }
0x7c: {  	_ =	shalt  }
0x7d: {  	_ =	shalt  }
0x7e: {  	_ =	shalt  }
0x7f: {  	_ =	shalt  }
0x80: {  	_ =	shalt  }
0x81: {  	_ =	shalt  }
0x82: {  	_ =	shalt  }
0x83: {  	_ =	shalt  }
0x84: {  	_ =	shalt  }
0x85: {  	_ =	shalt  }
0x86: {  	_ =	shalt  }
0x87: {  	_ =	shalt  }
.Lfunc_end0:
.L_simem_size_0:
called_computation.1_lowered:
.L_overlay_start_0:
0x88: {  	s2 =	sld [smem:$0x3FD9]  }
0x89: {  	s3 =	sld [smem:$0x3FFE];
	_ =	sdelay $0x1  }
0x8a: {  	s1 =	srdreg.scid  }
0x8b: {  	s0 =	sand.u32 $0x1, s1  }
0x8c: {  	s17 =	sshll.u32 s0, $0xA;
	s2 =	sadd.s32 s3, s2  }
0x8d: {  	s2 =	sadd.s32 s2, s17  }
0x8e: {  	[smem:$0x3FC2] =	sst s2  }
0x8f: {  	_ = 	snop  }
0x90: {  	s2 =	sld [smem:$0x3FD0];
	(tm) =	ssettm $0x1  }
0x91: {  	s18 =	sld [smem:$0x3FFB];
	_ =	sdelay $0x3  }
0x92: {  	_ =	strace s18  }
0x93: {  	s3 =	sld [smem:$0x3FFC];
	_ =	sdelay $0x3  }
0x94: {  	_ =	strace s3  }
0x95: {  	s3 =	sld [smem:$0x3FFD];
	_ =	sdelay $0x3  }
0x96: {  	_ =	strace s3  }
0x97: {  	_ =	strace $0x8FFFFFFF  }
0x98: {  	s19 =	sld [smem:$0x3FDB];
	_ =	sdelay $0x1  }
0x99: {  	s4 =	simm.s32 $_scs_section_size  }
0x9a: {  	s5 =	simm.s32 $_size__tile_overlayer_lowered;
	s6 =	simm.s32 $_tile_overlayer_lowered  }
0x9b: {  	s22 =	simm.s32 $0x1BFF;
	s21 =	sshll.u32 s6, $0x1;
	s3 =	sadd.s32 s4, s19  }
0x9c: {  	s7 =	simm.s32 $0x0;
	s20 =	sshll.u32 s5, $0x1;
	s5 =	sadd.s32 s21, s3  }
0x9d: {  	[timem:s7], [sflag:s22] =	dma.local [hbm:s5], s20  }
0x9e: {  	_ =	swait.ge [sflag:s22], s20  }
0x9f: {  	s4 =	ssub.s32 $0x0, s20;
	[sflag:s22] =	ssyncset.done $0x0  }
0xa0: {  	[sflag:s22] =	ssyncadd.s32 s4;
	_ =	sdelay $0x1  }
0xa1: {  	s23 =	simm.s32 $0x1B8B  }
0xa2: {  	_ =	swait.ge [sflag:s23], $0x1  }
0xa3: {  	[sflag:s23] =	ssyncset.done $0x0  }
0xa4: {  	s25 =	simm.s32 $0x1B8E;
	s24 =	sld [smem:$0x3FFE];
	[sflag:s23] =	ssyncadd.s32 $0xFFFFFFFF  }
0xa5: {  	s26 =	simm.s32 $execute0_lowered;
	[smem:$0x3FD2] =	sst s25  }
0xa6: {  	s5 =	sshll.u32 s26, $0x1;
	_ =	strace $0x80000049;
	[dreg:$0x1] =	wrdreg $0xFFFFFFFF  }
0xa7: {  	s28 =	simm.s32 $_size_execute0_lowered;
	s3 =	sadd.s32 s3, s5;
	[dreg:$0x0] =	wrdreg $0x0  }
0xa8: {  	s5 =	sshll.u32 s28, $0x1;
	[dreg:$0x2] =	wrdreg s3  }
0xa9: {  	[dreg:$0x3] =	wrdreg s5  }
0xaa: {  	[dreg:$0x4] =	wrdreg $0xC0  }
0xab: {  	_ =	task [dreg:s7], $0x5FFFF  }
0xac: {  	[dreg:$0x1] =	wrdreg $0xFFFFFFFF  }
0xad: {  	[dreg:$0x0] =	wrdreg $0x60  }
0xae: {  	[dreg:$0x2] =	wrdreg s24  }
0xaf: {  	[dreg:$0x3] =	wrdreg s2  }
0xb0: {  	[dreg:$0x4] =	wrdreg $0x142800  }
0xb1: {  	[dreg:$0x5] =	wrdreg $0x9  }
0xb2: {  	_ =	task.clear_ibuf [dreg:s7], $0x6FFFF;
	_ =	strace $0x90000049  }
0xb3: {  	s29 =	simm.s32 $0x9;
	_ =	strace $0x8000004B  }
0xb4: {  	_ =	swait.ge [sflag:s29], $0x1  }
0xb5: {  	[sflag:s29] =	ssyncadd.s32 $0xFFFFFFFF  }
0xb6: {  	_ =	strace $0x9000004B  }
0xb7: {  	_ =	sfence  }
0xb8: {  	s30 =	sld [smem:$0x0];
	_ =	sdelay $0x2  }
0xb9: {  	s31 =	sshll.u32 s1, $0xD;
	s1 =	sshrl.u32 s1, $0x2  }
0xba: {  	s3 =	sand.u32 $0x4000, s31;
	s1 =	sadd.s32 s1, s30  }
0xbb: {  	s0 =	sor.u32 s3, s0;
	s1 =	sshll.u32 s1, $0x11  }
0xbc: {  	s0 =	sor.u32 s1, s0  }
0xbd: {  	s0 =	sadd.s32 $0x8F2B, s0  }
0xbe: {  	[sflag:s0] =	ssyncadd.remote.s32 $0x1  }
0xbf: {  	_ =	sfence.sel $0xFFFF  }
0xc0: {  	[dreg:$0x0] =	wrdreg $0xFFFFFFFF;
	(pc) =	sbr.abs _section_cstart, $3  }
0xc1: {  	[dreg:$0x1] =	wrdreg $0xFFFFFFFF  }
0xc2: {  	_ =	task.clear_ibuf [dreg:s7], $0x2FFFF;
	_ =	strace $0x9FFFFFFF  }
0xc3: {  	(tm) =	ssettm $0x7FFFFFFF  }
tec
execute0_lowered:
.L_overlay_start_1:
0x0: {  	(tag) =	ssettag $0x1  }
0x1: {  	s0 =	rddreg [dreg:$0x0]  }
0x2: {  	s3 =	rddreg [dreg:$0x1]  }
0x3: {  	s1 =	rddreg [dreg:$0x2];
	s2 =	simm.s32 $0x0;
	s4 =	srdreg.scid  }
0x4: {  	s13 =	stileid.u32;
	s12 =	simm.s32 $0xB;
	s19 =	simm.s32 $0x80  }
0x5: {  	s29 =	simm.s32 $0x12280;
	s30 =	simm.s32 $0x1;
	s31 =	simm.s32 $0x2  }
0x6: {  	s14 =	simm.s32 $0x6;
	s15 =	simm.s32 $0x7;
	s16 =	simm.s32 $0x8  }
0x7: {  	s28 =	simm.s32 $0x0;
	[smem:$0x7FF] =	sst s2;
	s6 =	smul.u32 $0x5000, s13  }
0x8: {  	s4 =	sand.u32 $0x1, s4;
	s7 =	sadd.s32 $0x1800, s0;
	s21 =	smul.u32 $0xA00, s13  }
0x9: {  	s8 =	sadd.s32 $0xB800, s0;
	s20 =	sadd.s32 $0x16000, s0;
	s11 =	smul.u32 $0xA000, s13  }
0xa: {  	s26 =	sshll.u32 s13, $0x6;
	_ =	strace $0x8000004A;
	[dreg:$0x4] =	wrdreg s8  }
0xb: {  	s13 =	simm.s32 $0x5;
	s5 =	smul.u32 $0x14000, s4;
	[dreg:$0x5] =	wrdreg s20  }
0xc: {  	s4 =	ssub.s32 $0x2, s4;
	s17 =	sor.u32 $0x1C0B, s26;
	s20 =	simm.s32 $0xA280  }
0xd: {  	s26 =	simm.s32 $0x10280;
	s6 =	sshrl.u32 s6, $0x3;
	s22 =	sshrl.u32 s4, $0x1  }
0xe: {  	s23 =	sadd.s32 s7, s21;
	s8 =	sadd.s32 s3, s21;
	s24 =	sadd.s32 s11, s1  }
0xf: {  	s25 =	sshrl.u32 s11, $0x3;
	s21 =	simm.s32 $0xC280;
	s0 =	sadd.s32 s5, s0  }
0x10: {  	s9 =	sadd.s32 $0x500, s6;
	s4 =	ssub.s32 s4, s22;
	[dreg:$0x6] =	wrdreg s23  }
0x11: {  	s18 =	sshrl.u32 s24, $0x3;
	s23 =	simm.s32 $0xE280;
	s22 =	simm.s32 $0x9  }
0x12: {  	s7 =	sadd.s32 s7, s9;
	s9 =	sadd.s32 s3, s9;
	s10 =	sadd.s32 $0x16200, s0  }
0x13: {  	s0 =	sadd.s32 $0x3E200, s0;
	s11 =	smax.u32 s4, $0x1;
	s3 =	simm.s32 $0x4  }
0x14: {  	s24 =	sadd.s32 s25, s0;
	s0 =	simm.s32 $0x3;
	s25 =	simm.s32 $0xA  }
.LBB2_1:
0x15: {  	s4 =	rddreg [dreg:$0x6]  }
0x16: {  	[tilespmem:s2], [sflag:$0xB] =	stream.linear.gather [hbm4b:s4+s2], $0x2800, $0x38;
	[tilespmem:$0x1E280] =	vst v63  }
0x17: {  	_ =	swait.ge [sflag:s12], $0x2800  }
0x18: {  	[sflag:s12] =	ssyncset.done $0x0  }
0x19: {  	s5 =	simm.s32 $0x2800;
	[sflag:s12] =	ssyncadd.s32 $0xFFFFD800  }
0x1a: {  	[tilespmem:s5], [sflag:$0xB] =	stream.linear.gather [hbm4b:s7+s2], $0x2800, $0x38;
	[tilespmem:$0x1E280] =	vst v63  }
0x1b: {  	_ =	swait.ge [sflag:s12], $0x2800  }
0x1c: {  	[sflag:s12] =	ssyncset.done $0x0  }
0x1d: {  	s5 =	simm.s32 $0x5000;
	s6 =	rddreg [dreg:$0x5];
	[sflag:s12] =	ssyncadd.s32 $0xFFFFD800  }
0x1e: {  	[tilespmem:s5], [sflag:$0xB] =	stream.linear.gather [hbm4b:s6+s2], $0x280, $0x38;
	[tilespmem:$0x1E280] =	vst v63  }
0x1f: {  	_ =	swait.ge [sflag:s12], $0x280  }
0x20: {  	[sflag:s12] =	ssyncset.done $0x0  }
0x21: {  	s6 =	simm.s32 $0x5280;
	[sflag:s12] =	ssyncadd.s32 $0xFFFFFD80  }
0x22: {  	[tilespmem:s6], [sflag:$0xB] =	stream.linear.gather [hbm4b:s8+s2], $0x2800, $0x38;
	[tilespmem:$0x1E280] =	vst v63  }
0x23: {  	_ =	swait.ge [sflag:s12], $0x2800  }
0x24: {  	[sflag:s12] =	ssyncset.done $0x0  }
0x25: {  	s5 =	simm.s32 $0x7A80;
	[sflag:s12] =	ssyncadd.s32 $0xFFFFD800  }
0x26: {  	[tilespmem:s5], [sflag:$0xB] =	stream.linear.gather [hbm4b:s9+s2], $0x2800, $0x38;
	[tilespmem:$0x1E280] =	vst v63  }
0x27: {  	_ =	swait.ge [sflag:s12], $0x2800  }
0x28: {  	[sflag:s12] =	ssyncset.done $0x0  }
0x29: {  	s6 =	rddreg [dreg:$0x4];
	[sflag:s12] =	ssyncadd.s32 $0xFFFFD800  }
0x2a: {  	[spmem:s18], [sflag:s17] =	dma.local [hbm:s6], $0x1400  }
0x2b: {  	_ =	swait.ge [sflag:s12], $0x1400  }
0x2c: {  	[sflag:s12] =	ssyncset.done $0x0  }
0x2d: {  	[sflag:s12] =	ssyncadd.s32 $0xFFFFEC00  }
0x2e: {  	[bflag:$0x0] =	sbarrier.arrive $0xFFFF  }
0x2f: {  	[tilespmem:s20], [sflag:$0x1] =	stream.indirect.gather [hbm4b:s10+s19], $0x40, s2, s19, $0xb8;
	[tilespmem:$0x1E280] =	vst v63  }
0x30: {  	_ = 	snop  }
0x31: {  	[tilespmem:s21], [sflag:$0x2] =	stream.indirect.gather [hbm4b:s10+s19], $0x40, s19, s19, $0xb8;
	[tilespmem:$0x1E280] =	vst v63  }
0x32: {  	s5 =	simm.s32 $0x100  }
0x33: {  	[tilespmem:s23], [sflag:$0x3] =	stream.indirect.gather [hbm4b:s10+s19], $0x40, s5, s19, $0xb8;
	[tilespmem:$0x1E280] =	vst v63  }
0x34: {  	s6 =	simm.s32 $0x180  }
0x35: {  	[tilespmem:s26], [sflag:$0x4] =	stream.indirect.gather [hbm4b:s10+s19], $0x40, s6, s19, $0xb8;
	[tilespmem:$0x1E280] =	vst v63  }
0x36: {  	s5 =	simm.s32 $0x200  }
0x37: {  	[tilespmem:s29], [sflag:$0x5] =	stream.indirect.gather [hbm4b:s10+s19], $0x40, s5, s19, $0xb8;
	[tilespmem:$0x1E280] =	vst v63  }
0x38: {  	_ =	swait.ge [sflag:s30], $0x2000  }
0x39: {  	[sflag:s30] =	ssyncset.done $0x0  }
0x3a: {  	[sflag:s30] =	ssyncadd.s32 $0xFFFFE000  }
0x3b: {  	_ =	swait.ge [sflag:s31], $0x2000  }
0x3c: {  	[sflag:s31] =	ssyncset.done $0x0  }
0x3d: {  	[sflag:s31] =	ssyncadd.s32 $0xFFFFE000  }
0x3e: {  	_ =	swait.ge [sflag:s0], $0x2000  }
0x3f: {  	[sflag:s0] =	ssyncset.done $0x0  }
0x40: {  	[sflag:s0] =	ssyncadd.s32 $0xFFFFE000  }
0x41: {  	_ =	swait.ge [sflag:s3], $0x2000  }
0x42: {  	[sflag:s3] =	ssyncset.done $0x0  }
0x43: {  	[sflag:s3] =	ssyncadd.s32 $0xFFFFE000  }
0x44: {  	_ =	swait.ge [sflag:s13], $0x2000  }
0x45: {  	[sflag:s13] =	ssyncset.done $0x0  }
0x46: {  	s6 =	simm.s32 $0x5280;
	[sflag:s13] =	ssyncadd.s32 $0xFFFFE000  }
0x47: {  	[spmem:s1] =	stream.indirect.scatter.add.f32 [tilespmem:s20], [sflag:$0x6], $0x40, s6, s19, $0xb8;
	[tilespmem:$0x1E280] =	vst v63  }
0x48: {  	s5 =	simm.s32 $0x5300  }
0x49: {  	[spmem:s1] =	stream.indirect.scatter.add.f32 [tilespmem:s21], [sflag:$0x7], $0x40, s5, s19, $0xb8;
	[tilespmem:$0x1E280] =	vst v63  }
0x4a: {  	s6 =	simm.s32 $0x5380  }
0x4b: {  	[spmem:s1] =	stream.indirect.scatter.add.f32 [tilespmem:s23], [sflag:$0x8], $0x40, s6, s19, $0xb8;
	[tilespmem:$0x1E280] =	vst v63  }
0x4c: {  	s5 =	simm.s32 $0x5400  }
0x4d: {  	[spmem:s1] =	stream.indirect.scatter.add.f32 [tilespmem:s26], [sflag:$0x9], $0x40, s5, s19, $0xb8;
	[tilespmem:$0x1E280] =	vst v63  }
0x4e: {  	s6 =	simm.s32 $0x5480  }
0x4f: {  	[spmem:s1] =	stream.indirect.scatter.add.f32 [tilespmem:s29], [sflag:$0xA], $0x40, s6, s19, $0xb8;
	[tilespmem:$0x1E280] =	vst v63  }
0x50: {  	_ =	swait.ge [sflag:s14], $0x2000  }
0x51: {  	[sflag:s14] =	ssyncset.done $0x0  }
0x52: {  	s5 =	simm.s32 $0x280;
	[sflag:s14] =	ssyncadd.s32 $0xFFFFE000  }
0x53: {  	[tilespmem:s20], [sflag:$0x1] =	stream.indirect.gather [hbm4b:s10+s19], $0x40, s5, s19, $0xb8;
	[tilespmem:$0x1E280] =	vst v63  }
0x54: {  	_ =	swait.ge [sflag:s15], $0x2000  }
0x55: {  	[sflag:s15] =	ssyncset.done $0x0  }
0x56: {  	s6 =	simm.s32 $0x300;
	[sflag:s15] =	ssyncadd.s32 $0xFFFFE000  }
0x57: {  	[tilespmem:s21], [sflag:$0x2] =	stream.indirect.gather [hbm4b:s10+s19], $0x40, s6, s19, $0xb8;
	[tilespmem:$0x1E280] =	vst v63  }
0x58: {  	_ =	swait.ge [sflag:s16], $0x2000  }
0x59: {  	[sflag:s16] =	ssyncset.done $0x0  }
0x5a: {  	s5 =	simm.s32 $0x380;
	[sflag:s16] =	ssyncadd.s32 $0xFFFFE000  }
0x5b: {  	[tilespmem:s23], [sflag:$0x3] =	stream.indirect.gather [hbm4b:s10+s19], $0x40, s5, s19, $0xb8;
	[tilespmem:$0x1E280] =	vst v63  }
0x5c: {  	_ =	swait.ge [sflag:s22], $0x2000  }
0x5d: {  	[sflag:s22] =	ssyncset.done $0x0  }
0x5e: {  	s6 =	simm.s32 $0x400;
	[sflag:s22] =	ssyncadd.s32 $0xFFFFE000  }
0x5f: {  	[tilespmem:s26], [sflag:$0x4] =	stream.indirect.gather [hbm4b:s10+s19], $0x40, s6, s19, $0xb8;
	[tilespmem:$0x1E280] =	vst v63  }
0x60: {  	_ =	swait.ge [sflag:s25], $0x2000  }
0x61: {  	[sflag:s25] =	ssyncset.done $0x0  }
0x62: {  	s4 =	simm.s32 $0xA00;
	s5 =	simm.s32 $0x480;
	[sflag:s25] =	ssyncadd.s32 $0xFFFFE000  }
.LBB2_2:
0x63: {  	[tilespmem:s29], [sflag:$0x5] =	stream.indirect.gather [hbm4b:s10+s19], $0x40, s5, s19, $0xb8;
	[tilespmem:$0x1E280] =	vst v63  }
0x64: {  	s5 =	smov.u32 s4  }
0x65: {  	p0 =	sne.s32 s4, $0x13600;
	s4 =	sadd.s32 $0xA00, s4;
	_ =	swait.ge [sflag:s30], $0x2000  }
0x66: {  	[sflag:s30] =	ssyncset.done $0x0  }
0x67: {  	[sflag:s30] =	ssyncadd.s32 $0xFFFFE000  }
0x68: {  	_ =	swait.ge [sflag:s31], $0x2000  }
0x69: {  	[sflag:s31] =	ssyncset.done $0x0  }
0x6a: {  	[sflag:s31] =	ssyncadd.s32 $0xFFFFE000  }
0x6b: {  	_ =	swait.ge [sflag:s0], $0x2000  }
0x6c: {  	[sflag:s0] =	ssyncset.done $0x0  }
0x6d: {  	[sflag:s0] =	ssyncadd.s32 $0xFFFFE000  }
0x6e: {  	_ =	swait.ge [sflag:s3], $0x2000  }
0x6f: {  	[sflag:s3] =	ssyncset.done $0x0  }
0x70: {  	[sflag:s3] =	ssyncadd.s32 $0xFFFFE000  }
0x71: {  	_ =	swait.ge [sflag:s13], $0x2000  }
0x72: {  	s5 =	sshra.s32 s5, $0x2;
	[sflag:s13] =	ssyncset.done $0x0  }
0x73: {  	s6 =	sadd.s32 $0x5280, s5;
	[sflag:s13] =	ssyncadd.s32 $0xFFFFE000  }
0x74: {  	[spmem:s1] =	stream.indirect.scatter.add.f32 [tilespmem:s20], [sflag:$0x6], $0x40, s6, s19, $0xb8;
	[tilespmem:$0x1E280] =	vst v63  }
0x75: {  	s6 =	sadd.s32 $0x5300, s5  }
0x76: {  	[spmem:s1] =	stream.indirect.scatter.add.f32 [tilespmem:s21], [sflag:$0x7], $0x40, s6, s19, $0xb8;
	[tilespmem:$0x1E280] =	vst v63  }
0x77: {  	s6 =	sadd.s32 $0x5380, s5  }
0x78: {  	[spmem:s1] =	stream.indirect.scatter.add.f32 [tilespmem:s23], [sflag:$0x8], $0x40, s6, s19, $0xb8;
	[tilespmem:$0x1E280] =	vst v63  }
0x79: {  	s6 =	sadd.s32 $0x5400, s5  }
0x7a: {  	[spmem:s1] =	stream.indirect.scatter.add.f32 [tilespmem:s26], [sflag:$0x9], $0x40, s6, s19, $0xb8;
	[tilespmem:$0x1E280] =	vst v63  }
0x7b: {  	s6 =	sadd.s32 $0x5480, s5  }
0x7c: {  	[spmem:s1] =	stream.indirect.scatter.add.f32 [tilespmem:s29], [sflag:$0xA], $0x40, s6, s19, $0xb8;
	[tilespmem:$0x1E280] =	vst v63  }
0x7d: {  	_ =	swait.ge [sflag:s14], $0x2000  }
0x7e: {  	[sflag:s14] =	ssyncset.done $0x0  }
0x7f: {  	s6 =	sadd.s32 $0x280, s5;
	[sflag:s14] =	ssyncadd.s32 $0xFFFFE000  }
0x80: {  	[tilespmem:s20], [sflag:$0x1] =	stream.indirect.gather [hbm4b:s10+s19], $0x40, s6, s19, $0xb8;
	[tilespmem:$0x1E280] =	vst v63  }
0x81: {  	_ =	swait.ge [sflag:s15], $0x2000  }
0x82: {  	[sflag:s15] =	ssyncset.done $0x0  }
0x83: {  	s6 =	sadd.s32 $0x300, s5;
	[sflag:s15] =	ssyncadd.s32 $0xFFFFE000  }
0x84: {  	[tilespmem:s21], [sflag:$0x2] =	stream.indirect.gather [hbm4b:s10+s19], $0x40, s6, s19, $0xb8;
	[tilespmem:$0x1E280] =	vst v63  }
0x85: {  	_ =	swait.ge [sflag:s16], $0x2000  }
0x86: {  	[sflag:s16] =	ssyncset.done $0x0  }
0x87: {  	s6 =	sadd.s32 $0x380, s5;
	[sflag:s16] =	ssyncadd.s32 $0xFFFFE000  }
0x88: {  	[tilespmem:s23], [sflag:$0x3] =	stream.indirect.gather [hbm4b:s10+s19], $0x40, s6, s19, $0xb8;
	[tilespmem:$0x1E280] =	vst v63  }
0x89: {  	_ =	swait.ge [sflag:s22], $0x2000  }
0x8a: {  	[sflag:s22] =	ssyncset.done $0x0  }
.Ltmp0:
0x8b: {  	s6 =	sadd.s32 $0x400, s5;
	[sflag:s22] =	ssyncadd.s32 $0xFFFFE000;
	(pc) =	sbr.rel @p0 .LBB2_2-.Ltmp0, $4  }
0x8c: {  	[tilespmem:s26], [sflag:$0x4] =	stream.indirect.gather [hbm4b:s10+s19], $0x40, s6, s19, $0xb8;
	[tilespmem:$0x1E280] =	vst v63  }
0x8d: {  	_ =	swait.ge [sflag:s25], $0x2000  }
0x8e: {  	[sflag:s25] =	ssyncset.done $0x0  }
0x8f: {  	s5 =	sadd.s32 $0x480, s5;
	[sflag:s25] =	ssyncadd.s32 $0xFFFFE000  }
0x90: {  	[tilespmem:s29], [sflag:$0x5] =	stream.indirect.gather [hbm4b:s10+s19], $0x40, s5, s19, $0xb8;
	[tilespmem:$0x1E280] =	vst v63  }
0x91: {  	_ =	swait.ge [sflag:s30], $0x2000  }
0x92: {  	[sflag:s30] =	ssyncset.done $0x0  }
0x93: {  	[sflag:s30] =	ssyncadd.s32 $0xFFFFE000  }
0x94: {  	_ =	swait.ge [sflag:s31], $0x2000  }
0x95: {  	[sflag:s31] =	ssyncset.done $0x0  }
0x96: {  	[sflag:s31] =	ssyncadd.s32 $0xFFFFE000  }
0x97: {  	_ =	swait.ge [sflag:s0], $0x2000  }
0x98: {  	[sflag:s0] =	ssyncset.done $0x0  }
0x99: {  	[sflag:s0] =	ssyncadd.s32 $0xFFFFE000  }
0x9a: {  	_ =	swait.ge [sflag:s3], $0x2000  }
0x9b: {  	[sflag:s3] =	ssyncset.done $0x0  }
0x9c: {  	[sflag:s3] =	ssyncadd.s32 $0xFFFFE000  }
0x9d: {  	_ =	swait.ge [sflag:s13], $0x2000  }
0x9e: {  	s28 =	sadd.s32 $0x1, s28;
	[sflag:s13] =	ssyncset.done $0x0  }
0x9f: {  	p0 =	sne.s32 s28, s11;
	[sflag:s13] =	ssyncadd.s32 $0xFFFFE000  }
.Ltmp1:
0xa0: {  	[bflag:$0x0] =	sbarrier.arrive $0xFFFF;
	(pc) =	sbr.rel @p0 .LBB2_1-.Ltmp1, $4  }
0xa1: {  	[hbm:s24], [sflag:s17] =	dma.local [spmem:s18], $0x1400  }
0xa2: {  	_ =	swait.ge [sflag:s12], $0x1400  }
0xa3: {  	[sflag:s12] =	ssyncset.done $0x0  }
0xa4: {  	[sflag:s12] =	ssyncadd.s32 $0xFFFFEC00  }
0xa5: {  	_ =	sfence.sel $0x180000  }
0xa6: {  	[bflag:$0x0] =	sbarrier.arrive $0xFFFF  }
0xa7: {  	_ =	strace $0x9000004A  }
0xa8: {  	s0 =	stileid.u32;
	[bflag:$0x2] =	sbarrier.arrive $0xFFFF  }
0xa9: {  	p0 =	sne.s32 s0, $0x0;
	s0 =	rddreg [dreg:$0x3]  }
0xaa: {  	s0 =	sadd.s32 @!p0 $0x100000, s0  }
0xab: {  	[sflag:s0] =	ssyncadd.tile.s32 @!p0 $0x1;
	_ =	shalt  }
.Lfunc_end2:
_tile_overlayer_lowered:
.L_overlay_start_2:
0xac: {  	(tag) =	ssettag $0x2  }
0xad: {  	s0 =	rddreg [dreg:$0x0];
	s2 =	stileid.u32  }
0xae: {  	s1 =	rddreg [dreg:$0x1];
	p0 =	sne.s32 s2, $0x0  }
0xaf: {  	s3 =	rddreg [dreg:$0x2];
	[bflag:$0x3] =	sbarrier.arrive $0xFFFF;
	s2 =	simm.s32 @!p0 $0x1C0B  }
0xb0: {  	[timem:s3], [sflag:s2] =	dma.local @!p0 [hbm:s0], s1  }
0xb1: {  	s0 =	simm.s32 @!p0 $0xB  }
0xb2: {  	_ =	swait.ge @!p0 [sflag:s0], s1  }
0xb3: {  	s1 =	ssub.s32 @!p0 $0x0, s1;
	[sflag:s0] =	ssyncset.done @!p0 $0x0  }
0xb4: {  	[sflag:s0] =	ssyncadd.s32 @!p0 s1  }
0xb5: {  	[bflag:$0x3] =	sbarrier.arrive $0xFFFF  }
0xb6: {  	_ =	shalt  }

// kernel: kernel.14.cloned.1.call-start
scs
__scs_entry_jumppad:
0x0: {  	(pc) =	sbr.rel $0x88, $3  }
0x1: {  	(tag) =	ssettag $0x0;
	lr =	simm.s32 $0x1  }
0x2: {  	[smem:$0x3F9B] =	sst lr;
	_ =	strace $0xD0000000  }
0x3: {  	_ = 	snop  }
0x4: {  	_ = 	snop  }
0x5: {  	_ = 	snop  }
0x6: {  	_ = 	snop  }
0x7: {  	_ = 	snop  }
__scs_overlays_trampoline_lowered:
0x8: {  	[smem:$0x3FAA] =	sst s0  }
0x9: {  	[smem:$0x3FAB] =	sst s1  }
0xa: {  	[smem:$0x3FAC] =	sst s2  }
0xb: {  	[smem:$0x3FAD] =	sst s3  }
0xc: {  	[smem:$0x3FAE] =	sst s4  }
0xd: {  	[smem:$0x3FAF] =	sst s5  }
0xe: {  	[smem:$0x3FB0] =	sst s6  }
0xf: {  	[smem:$0x3FB1] =	sst s7  }
0x10: {  	[smem:$0x3FB2] =	sst s8  }
0x11: {  	[smem:$0x3FB3] =	sst s9;
	s0 =	simm.s32 @!p0 $0x0  }
0x12: {  	s1 =	sld [smem:$0x3F99];
	s0 =	simm.s32 @p0 $0x1  }
0x13: {  	[smem:$0x3FB4] =	sst s0;
	s0 =	simm.s32 @!p1 $0x0  }
0x14: {  	s2 =	sld [smem:$0x3F98];
	s0 =	simm.s32 @p1 $0x1  }
0x15: {  	[smem:$0x3FB5] =	sst s0;
	s0 =	simm.s32 @!p2 $0x0  }
0x16: {  	s3 =	sld [smem:$0x3FDB];
	s0 =	simm.s32 @p2 $0x1  }
0x17: {  	s4 =	simm.s32 $0x1BF5;
	[smem:$0x3FB7] =	sst s0  }
0x18: {  	s0 =	sld [smem:$0x3F9A];
	_ =	swait.ge [sflag:s4], $0x0  }
0x19: {  	s7 =	sld [smem:$0x3F9B]  }
0x1a: {  	s8 =	sadd.s32 $0xFFFFE003, lr  }
0x1b: {  	s9 =	sadd.s32 $0xFFFFFEF7, lr;
	s5 =	simm.s32 $0xFFFFFFFF;
	p2 =	slt.u32 s8, $0xFFFFF086  }
0x1c: {  	p1 =	slt.u32 s9, $0xF7A;
	s5 =	simm.s32 @!p2 $0x0  }
0x1d: {  	s5 =	simm.s32 @p1 $0x1;
	p0 =	seq.s32 s7, s2  }
0x1e: {  	s7 =	smul.u32 @!p0 $0xF7A, s2;
	p2 =	seq.s32 @!p0 s5, $0x0  }
0x1f: {  	s9 =	smul.u32 $0xF7A, s1;
	s8 =	simm.s32 @!p0 $0x1BF5;
	p2 =	por !p2, p0  }
0x20: {  	[sflag:s8] =	ssyncset.s32 @!p0 $0xFFFFF086;
	s6 =	sadd.s32 @!p0 s3, s7;
	s7 =	simm.s32 @!p0 $0x108  }
0x21: {  	s3 =	sadd.s32 s3, s9;
	s6 =	sadd.s32 @!p0 $0x88, s6;
	s7 =	simm.s32 @p2 $0x1082  }
0x22: {  	[simem:s7], [sflag:s8] =	dma.local @!p0 [hbm:s6], $0xF7A  }
0x23: {  	s9 =	sor.u32 $0xD0000000, s2;
	s6 =	simm.s32 $0x108;
	_ =	swait.ge @!p0 [sflag:s8], $0x0  }
0x24: {  	s3 =	sadd.s32 $0x88, s3;
	s6 =	simm.s32 @!p1 $0x1082;
	[sflag:s4] =	ssyncset.s32 $0xFFFFF086  }
0x25: {  	[simem:s6], [sflag:s4] =	dma.local [hbm:s3], $0xF7A  }
0x26: {  	[smem:$0x3F9B] =	sst s1;
	(tag) =	ssettag s2;
	_ =	strace s9  }
0x27: {  	s1 =	sld [smem:$0x3FAB]  }
0x28: {  	s2 =	sld [smem:$0x3FAC]  }
0x29: {  	s4 =	sld [smem:$0x3FAE]  }
0x2a: {  	p0 =	seq.s32 s5, $0x0;
	s5 =	sld [smem:$0x3FAF]  }
0x2b: {  	s6 =	sld [smem:$0x3FB0]  }
0x2c: {  	s7 =	sld [smem:$0x3FB1]  }
0x2d: {  	s3 =	simm.s32 $0x108;
	s8 =	sld [smem:$0x3FB2]  }
0x2e: {  	s3 =	simm.s32 @!p0 $0x1082;
	s9 =	sld [smem:$0x3FB3]  }
0x2f: {  	lr =	sadd.s32 s0, s3;
	s0 =	sld [smem:$0x3FAA]  }
0x30: {  	s3 =	sld [smem:$0x3FAD]  }
0x31: {  	[smem:$0x3FB6] =	sst s10  }
0x32: {  	s10 =	sld [smem:$0x3FB4];
	_ =	sdelay $0x3  }
0x33: {  	p0 =	seq.s32 s10, $0x1;
	s10 =	sld [smem:$0x3FB6];
	_ =	sdelay $0x3  }
0x34: {  	[smem:$0x3FB6] =	sst s10  }
0x35: {  	s10 =	sld [smem:$0x3FB5];
	_ =	sdelay $0x3  }
0x36: {  	p1 =	seq.s32 s10, $0x1;
	s10 =	sld [smem:$0x3FB6];
	_ =	sdelay $0x3  }
0x37: {  	[smem:$0x3FB6] =	sst s10  }
0x38: {  	s10 =	sld [smem:$0x3FB7]  }
0x39: {  	_ = 	snop;
	(pc) =	sbr.ind lr, $3  }
0x3a: {  	_ = 	snop  }
0x3b: {  	_ = 	snop  }
0x3c: {  	p2 =	seq.s32 s10, $0x1;
	s10 =	sld [smem:$0x3FB6]  }
0x3d: {  	_ =	shalt  }
0x3e: {  	_ =	shalt  }
0x3f: {  	_ =	shalt  }
0x40: {  	_ =	shalt  }
0x41: {  	_ =	shalt  }
0x42: {  	_ =	shalt  }
0x43: {  	_ =	shalt  }
0x44: {  	_ =	shalt  }
0x45: {  	_ =	shalt  }
0x46: {  	_ =	shalt  }
0x47: {  	_ =	shalt  }
0x48: {  	_ =	shalt  }
0x49: {  	_ =	shalt  }
0x4a: {  	_ =	shalt  }
0x4b: {  	_ =	shalt  }
0x4c: {  	_ =	shalt  }
0x4d: {  	_ =	shalt  }
0x4e: {  	_ =	shalt  }
0x4f: {  	_ =	shalt  }
0x50: {  	_ =	shalt  }
0x51: {  	_ =	shalt  }
0x52: {  	_ =	shalt  }
0x53: {  	_ =	shalt  }
0x54: {  	_ =	shalt  }
0x55: {  	_ =	shalt  }
0x56: {  	_ =	shalt  }
0x57: {  	_ =	shalt  }
0x58: {  	_ =	shalt  }
0x59: {  	_ =	shalt  }
0x5a: {  	_ =	shalt  }
0x5b: {  	_ =	shalt  }
0x5c: {  	_ =	shalt  }
0x5d: {  	_ =	shalt  }
0x5e: {  	_ =	shalt  }
0x5f: {  	_ =	shalt  }
0x60: {  	_ =	shalt  }
0x61: {  	_ =	shalt  }
0x62: {  	_ =	shalt  }
0x63: {  	_ =	shalt  }
0x64: {  	_ =	shalt  }
0x65: {  	_ =	shalt  }
0x66: {  	_ =	shalt  }
0x67: {  	_ =	shalt  }
0x68: {  	_ =	shalt  }
0x69: {  	_ =	shalt  }
0x6a: {  	_ =	shalt  }
0x6b: {  	_ =	shalt  }
0x6c: {  	_ =	shalt  }
0x6d: {  	_ =	shalt  }
0x6e: {  	_ =	shalt  }
0x6f: {  	_ =	shalt  }
0x70: {  	_ =	shalt  }
0x71: {  	_ =	shalt  }
0x72: {  	_ =	shalt  }
0x73: {  	_ =	shalt  }
0x74: {  	_ =	shalt  }
0x75: {  	_ =	shalt  }
0x76: {  	_ =	shalt  }
0x77: {  	_ =	shalt  }
0x78: {  	_ =	shalt  }
0x79: {  	_ =	shalt  }
0x7a: {  	_ =	shalt  }
0x7b: {  	_ =	shalt  }
0x7c: {  	_ =	shalt  }
0x7d: {  	_ =	shalt  }
0x7e: {  	_ =	shalt  }
0x7f: {  	_ =	shalt  }
0x80: {  	_ =	shalt  }
0x81: {  	_ =	shalt  }
0x82: {  	_ =	shalt  }
0x83: {  	_ =	shalt  }
0x84: {  	_ =	shalt  }
0x85: {  	_ =	shalt  }
0x86: {  	_ =	shalt  }
0x87: {  	_ =	shalt  }
.Lfunc_end0:
.L_simem_size_0:
called_computation.2_lowered:
.L_overlay_start_0:
0x88: {  	s2 =	sld [smem:$0x3FD9]  }
0x89: {  	s3 =	sld [smem:$0x3FFE];
	_ =	sdelay $0x1  }
0x8a: {  	s1 =	srdreg.scid  }
0x8b: {  	s0 =	sand.u32 $0x1, s1  }
0x8c: {  	s17 =	sshll.u32 s0, $0xA;
	s2 =	sadd.s32 s3, s2  }
0x8d: {  	s2 =	sadd.s32 s2, s17  }
0x8e: {  	[smem:$0x3FC2] =	sst s2  }
0x8f: {  	_ = 	snop  }
0x90: {  	s2 =	sld [smem:$0x3FD0];
	(tm) =	ssettm $0x1  }
0x91: {  	s18 =	sld [smem:$0x3FFB];
	_ =	sdelay $0x3  }
0x92: {  	_ =	strace s18  }
0x93: {  	s3 =	sld [smem:$0x3FFC];
	_ =	sdelay $0x3  }
0x94: {  	_ =	strace s3  }
0x95: {  	s3 =	sld [smem:$0x3FFD];
	_ =	sdelay $0x3  }
0x96: {  	_ =	strace s3  }
0x97: {  	_ =	strace $0x8FFFFFFF  }
0x98: {  	s19 =	sld [smem:$0x3FDB];
	_ =	sdelay $0x1  }
0x99: {  	s4 =	simm.s32 $_scs_section_size  }
0x9a: {  	s5 =	simm.s32 $_size__tile_overlayer_lowered;
	s6 =	simm.s32 $_tile_overlayer_lowered  }
0x9b: {  	s22 =	simm.s32 $0x1BFF;
	s21 =	sshll.u32 s6, $0x1;
	s3 =	sadd.s32 s4, s19  }
0x9c: {  	s7 =	simm.s32 $0x0;
	s20 =	sshll.u32 s5, $0x1;
	s5 =	sadd.s32 s21, s3  }
0x9d: {  	[timem:s7], [sflag:s22] =	dma.local [hbm:s5], s20  }
0x9e: {  	_ =	swait.ge [sflag:s22], s20  }
0x9f: {  	s4 =	ssub.s32 $0x0, s20;
	[sflag:s22] =	ssyncset.done $0x0  }
0xa0: {  	[sflag:s22] =	ssyncadd.s32 s4;
	_ =	sdelay $0x1  }
0xa1: {  	s23 =	simm.s32 $0x1B8B  }
0xa2: {  	_ =	swait.ge [sflag:s23], $0x1  }
0xa3: {  	[sflag:s23] =	ssyncset.done $0x0  }
0xa4: {  	s25 =	simm.s32 $0x1B8E;
	s24 =	sld [smem:$0x3FFE];
	[sflag:s23] =	ssyncadd.s32 $0xFFFFFFFF  }
0xa5: {  	s26 =	simm.s32 $execute0_lowered;
	[smem:$0x3FD2] =	sst s25  }
0xa6: {  	s5 =	sshll.u32 s26, $0x1;
	_ =	strace $0x8000004C;
	[dreg:$0x1] =	wrdreg $0xFFFFFFFF  }
0xa7: {  	s28 =	simm.s32 $_size_execute0_lowered;
	s3 =	sadd.s32 s3, s5;
	[dreg:$0x0] =	wrdreg $0x0  }
0xa8: {  	s5 =	sshll.u32 s28, $0x1;
	[dreg:$0x2] =	wrdreg s3  }
0xa9: {  	[dreg:$0x3] =	wrdreg s5  }
0xaa: {  	[dreg:$0x4] =	wrdreg $0xC0  }
0xab: {  	_ =	task [dreg:s7], $0x5FFFF  }
0xac: {  	[dreg:$0x1] =	wrdreg $0xFFFFFFFF  }
0xad: {  	[dreg:$0x0] =	wrdreg $0x60  }
0xae: {  	[dreg:$0x2] =	wrdreg s24  }
0xaf: {  	[dreg:$0x3] =	wrdreg s2  }
0xb0: {  	[dreg:$0x4] =	wrdreg $0xCA800  }
0xb1: {  	[dreg:$0x5] =	wrdreg $0x9  }
0xb2: {  	_ =	task.clear_ibuf [dreg:s7], $0x6FFFF;
	_ =	strace $0x9000004C  }
0xb3: {  	s29 =	simm.s32 $0x9;
	_ =	strace $0x8000004E  }
0xb4: {  	_ =	swait.ge [sflag:s29], $0x1  }
0xb5: {  	[sflag:s29] =	ssyncadd.s32 $0xFFFFFFFF  }
0xb6: {  	_ =	strace $0x9000004E  }
0xb7: {  	_ =	sfence  }
0xb8: {  	s30 =	sld [smem:$0x0];
	_ =	sdelay $0x2  }
0xb9: {  	s31 =	sshll.u32 s1, $0xD;
	s1 =	sshrl.u32 s1, $0x2  }
0xba: {  	s3 =	sand.u32 $0x4000, s31;
	s1 =	sadd.s32 s1, s30  }
0xbb: {  	s0 =	sor.u32 s3, s0;
	s1 =	sshll.u32 s1, $0x11  }
0xbc: {  	s0 =	sor.u32 s1, s0  }
0xbd: {  	s0 =	sadd.s32 $0x8F2B, s0  }
0xbe: {  	[sflag:s0] =	ssyncadd.remote.s32 $0x1  }
0xbf: {  	_ =	sfence.sel $0xFFFF  }
0xc0: {  	[dreg:$0x0] =	wrdreg $0xFFFFFFFF;
	(pc) =	sbr.abs _section_cstart, $3  }
0xc1: {  	[dreg:$0x1] =	wrdreg $0xFFFFFFFF  }
0xc2: {  	_ =	task.clear_ibuf [dreg:s7], $0x2FFFF;
	_ =	strace $0x9FFFFFFF  }
0xc3: {  	(tm) =	ssettm $0x7FFFFFFF  }
tec
execute0_lowered:
.L_overlay_start_1:
0x0: {  	(tag) =	ssettag $0x1  }
0x1: {  	s1 =	rddreg [dreg:$0x0]  }
0x2: {  	s0 =	srdreg.scid;
	s8 =	rddreg [dreg:$0x1]  }
0x3: {  	s5 =	stileid.u32;
	s2 =	rddreg [dreg:$0x2];
	s15 =	simm.s32 $0x80  }
0x4: {  	s16 =	simm.s32 $0x5280;
	s17 =	simm.s32 $0x6A80;
	s19 =	simm.s32 $0x8280  }
0x5: {  	s21 =	simm.s32 $0x9A80;
	s23 =	simm.s32 $0xB280;
	s28 =	simm.s32 $0x3  }
0x6: {  	s29 =	simm.s32 $0x4;
	s30 =	simm.s32 $0x5;
	s31 =	simm.s32 $0x6  }
0x7: {  	s18 =	simm.s32 $0x0;
	s0 =	sand.u32 $0x1, s0;
	s6 =	sadd.s32 $0xB800, s1  }
0x8: {  	s12 =	smul.u32 $0x7800, s5;
	s26 =	sshll.u32 s5, $0x6;
	s3 =	sshll.u32 s0, $0x4  }
0x9: {  	s10 =	smul.u32 $0xF000, s0;
	s0 =	ssub.s32 $0x2, s0;
	s13 =	sor.u32 $0x1C0B, s26  }
0xa: {  	s26 =	simm.s32 $0x2;
	s4 =	sor.u32 s5, s3;
	s3 =	simm.s32 $0x0  }
0xb: {  	s11 =	sshrl.u32 s0, $0x1;
	s25 =	sadd.s32 s12, s2;
	s12 =	sshrl.u32 s12, $0x3  }
0xc: {  	s9 =	smul.u32 $0x500, s4;
	[smem:$0x7FF] =	sst s3;
	s4 =	sadd.s32 $0x16200, s1  }
0xd: {  	s0 =	ssub.s32 s0, s11;
	s14 =	sshrl.u32 s25, $0x3;
	s25 =	simm.s32 $0x1  }
0xe: {  	s11 =	simm.s32 $0x9;
	_ =	strace $0x8000004D;
	[dreg:$0x4] =	wrdreg s6  }
0xf: {  	s6 =	sadd.s32 $0x16000, s1;
	s7 =	sadd.s32 s9, s1;
	s1 =	sadd.s32 s10, s1  }
0x10: {  	s8 =	sadd.s32 s8, s9;
	s9 =	smax.u32 s0, $0x1;
	s10 =	simm.s32 $0xB  }
0x11: {  	s0 =	simm.s32 $0x8;
	s7 =	sadd.s32 $0x1800, s7;
	s1 =	sadd.s32 $0x25200, s1  }
0x12: {  	s24 =	sadd.s32 s12, s1;
	s1 =	simm.s32 $0x7;
	s12 =	simm.s32 $0xA  }
.LBB2_1:
0x13: {  	[tilespmem:s3], [sflag:$0xB] =	stream.linear.gather [hbm4b:s7+s3], $0x2800, $0x38;
	[tilespmem:$0x14280] =	vst v63  }
0x14: {  	_ =	swait.ge [sflag:s10], $0x2800  }
0x15: {  	[sflag:s10] =	ssyncset.done $0x0  }
0x16: {  	s5 =	simm.s32 $0x2800;
	[sflag:s10] =	ssyncadd.s32 $0xFFFFD800  }
0x17: {  	[tilespmem:s5], [sflag:$0xB] =	stream.linear.gather [hbm4b:s6+s3], $0x280, $0x38;
	[tilespmem:$0x14280] =	vst v63  }
0x18: {  	_ =	swait.ge [sflag:s10], $0x280  }
0x19: {  	[sflag:s10] =	ssyncset.done $0x0  }
0x1a: {  	s22 =	simm.s32 $0x2A80;
	[sflag:s10] =	ssyncadd.s32 $0xFFFFFD80  }
0x1b: {  	[tilespmem:s22], [sflag:$0xB] =	stream.linear.gather [hbm4b:s8+s3], $0x2800, $0x38;
	[tilespmem:$0x14280] =	vst v63  }
0x1c: {  	_ =	swait.ge [sflag:s10], $0x2800  }
0x1d: {  	[sflag:s10] =	ssyncset.done $0x0  }
0x1e: {  	s20 =	rddreg [dreg:$0x4];
	[sflag:s10] =	ssyncadd.s32 $0xFFFFD800  }
0x1f: {  	[spmem:s14], [sflag:s13] =	dma.local [hbm:s20], $0xF00  }
0x20: {  	_ =	swait.ge [sflag:s10], $0xF00  }
0x21: {  	[sflag:s10] =	ssyncset.done $0x0  }
0x22: {  	[sflag:s10] =	ssyncadd.s32 $0xFFFFF100  }
0x23: {  	[bflag:$0x0] =	sbarrier.arrive $0xFFFF  }
0x24: {  	[tilespmem:s16], [sflag:$0x1] =	stream.indirect.gather [hbm4b:s4+s15], $0x30, s3, s15, $0xb8;
	[tilespmem:$0x14280] =	vst v63  }
0x25: {  	_ = 	snop  }
0x26: {  	[tilespmem:s17], [sflag:$0x2] =	stream.indirect.gather [hbm4b:s4+s15], $0x30, s15, s15, $0xb8;
	[tilespmem:$0x14280] =	vst v63  }
0x27: {  	s22 =	simm.s32 $0x100  }
0x28: {  	[tilespmem:s19], [sflag:$0x3] =	stream.indirect.gather [hbm4b:s4+s15], $0x30, s22, s15, $0xb8;
	[tilespmem:$0x14280] =	vst v63  }
0x29: {  	s20 =	simm.s32 $0x180  }
0x2a: {  	[tilespmem:s21], [sflag:$0x4] =	stream.indirect.gather [hbm4b:s4+s15], $0x30, s20, s15, $0xb8;
	[tilespmem:$0x14280] =	vst v63  }
0x2b: {  	s22 =	simm.s32 $0x200  }
0x2c: {  	[tilespmem:s23], [sflag:$0x5] =	stream.indirect.gather [hbm4b:s4+s15], $0x30, s22, s15, $0xb8;
	[tilespmem:$0x14280] =	vst v63  }
0x2d: {  	_ =	swait.ge [sflag:s25], $0x1800  }
0x2e: {  	[sflag:s25] =	ssyncset.done $0x0  }
0x2f: {  	[sflag:s25] =	ssyncadd.s32 $0xFFFFE800  }
0x30: {  	_ =	swait.ge [sflag:s26], $0x1800  }
0x31: {  	[sflag:s26] =	ssyncset.done $0x0  }
0x32: {  	[sflag:s26] =	ssyncadd.s32 $0xFFFFE800  }
0x33: {  	_ =	swait.ge [sflag:s28], $0x1800  }
0x34: {  	[sflag:s28] =	ssyncset.done $0x0  }
0x35: {  	[sflag:s28] =	ssyncadd.s32 $0xFFFFE800  }
0x36: {  	_ =	swait.ge [sflag:s29], $0x1800  }
0x37: {  	[sflag:s29] =	ssyncset.done $0x0  }
0x38: {  	[sflag:s29] =	ssyncadd.s32 $0xFFFFE800  }
0x39: {  	_ =	swait.ge [sflag:s30], $0x1800  }
0x3a: {  	[sflag:s30] =	ssyncset.done $0x0  }
0x3b: {  	s20 =	simm.s32 $0x2A80;
	[sflag:s30] =	ssyncadd.s32 $0xFFFFE800  }
0x3c: {  	[spmem:s2] =	stream.indirect.scatter.add.f32 [tilespmem:s16], [sflag:$0x6], $0x30, s20, s15, $0xb8;
	[tilespmem:$0x14280] =	vst v63  }
0x3d: {  	s5 =	simm.s32 $0x2B00  }
0x3e: {  	[spmem:s2] =	stream.indirect.scatter.add.f32 [tilespmem:s17], [sflag:$0x7], $0x30, s5, s15, $0xb8;
	[tilespmem:$0x14280] =	vst v63  }
0x3f: {  	s22 =	simm.s32 $0x2B80  }
0x40: {  	[spmem:s2] =	stream.indirect.scatter.add.f32 [tilespmem:s19], [sflag:$0x8], $0x30, s22, s15, $0xb8;
	[tilespmem:$0x14280] =	vst v63  }
0x41: {  	s5 =	simm.s32 $0x2C00  }
0x42: {  	[spmem:s2] =	stream.indirect.scatter.add.f32 [tilespmem:s21], [sflag:$0x9], $0x30, s5, s15, $0xb8;
	[tilespmem:$0x14280] =	vst v63  }
0x43: {  	s22 =	simm.s32 $0x2C80  }
0x44: {  	[spmem:s2] =	stream.indirect.scatter.add.f32 [tilespmem:s23], [sflag:$0xA], $0x30, s22, s15, $0xb8;
	[tilespmem:$0x14280] =	vst v63  }
0x45: {  	_ =	swait.ge [sflag:s31], $0x1800  }
0x46: {  	[sflag:s31] =	ssyncset.done $0x0  }
0x47: {  	s5 =	simm.s32 $0x280;
	[sflag:s31] =	ssyncadd.s32 $0xFFFFE800  }
0x48: {  	[tilespmem:s16], [sflag:$0x1] =	stream.indirect.gather [hbm4b:s4+s15], $0x30, s5, s15, $0xb8;
	[tilespmem:$0x14280] =	vst v63  }
0x49: {  	_ =	swait.ge [sflag:s1], $0x1800  }
0x4a: {  	[sflag:s1] =	ssyncset.done $0x0  }
0x4b: {  	s22 =	simm.s32 $0x300;
	[sflag:s1] =	ssyncadd.s32 $0xFFFFE800  }
0x4c: {  	[tilespmem:s17], [sflag:$0x2] =	stream.indirect.gather [hbm4b:s4+s15], $0x30, s22, s15, $0xb8;
	[tilespmem:$0x14280] =	vst v63  }
0x4d: {  	_ =	swait.ge [sflag:s0], $0x1800  }
0x4e: {  	[sflag:s0] =	ssyncset.done $0x0  }
0x4f: {  	s5 =	simm.s32 $0x380;
	[sflag:s0] =	ssyncadd.s32 $0xFFFFE800  }
0x50: {  	[tilespmem:s19], [sflag:$0x3] =	stream.indirect.gather [hbm4b:s4+s15], $0x30, s5, s15, $0xb8;
	[tilespmem:$0x14280] =	vst v63  }
0x51: {  	_ =	swait.ge [sflag:s11], $0x1800  }
0x52: {  	[sflag:s11] =	ssyncset.done $0x0  }
0x53: {  	s22 =	simm.s32 $0x400;
	[sflag:s11] =	ssyncadd.s32 $0xFFFFE800  }
0x54: {  	[tilespmem:s21], [sflag:$0x4] =	stream.indirect.gather [hbm4b:s4+s15], $0x30, s22, s15, $0xb8;
	[tilespmem:$0x14280] =	vst v63  }
0x55: {  	_ =	swait.ge [sflag:s12], $0x1800  }
0x56: {  	[sflag:s12] =	ssyncset.done $0x0  }
0x57: {  	s20 =	simm.s32 $0xA00;
	s22 =	simm.s32 $0x480;
	[sflag:s12] =	ssyncadd.s32 $0xFFFFE800  }
.LBB2_2:
0x58: {  	[tilespmem:s23], [sflag:$0x5] =	stream.indirect.gather [hbm4b:s4+s15], $0x30, s22, s15, $0xb8;
	[tilespmem:$0x14280] =	vst v63  }
0x59: {  	s22 =	smov.u32 s20  }
0x5a: {  	p0 =	sne.s32 s20, $0x9600;
	s20 =	sadd.s32 $0xA00, s20;
	_ =	swait.ge [sflag:s25], $0x1800  }
0x5b: {  	[sflag:s25] =	ssyncset.done $0x0  }
0x5c: {  	[sflag:s25] =	ssyncadd.s32 $0xFFFFE800  }
0x5d: {  	_ =	swait.ge [sflag:s26], $0x1800  }
0x5e: {  	[sflag:s26] =	ssyncset.done $0x0  }
0x5f: {  	[sflag:s26] =	ssyncadd.s32 $0xFFFFE800  }
0x60: {  	_ =	swait.ge [sflag:s28], $0x1800  }
0x61: {  	[sflag:s28] =	ssyncset.done $0x0  }
0x62: {  	[sflag:s28] =	ssyncadd.s32 $0xFFFFE800  }
0x63: {  	_ =	swait.ge [sflag:s29], $0x1800  }
0x64: {  	[sflag:s29] =	ssyncset.done $0x0  }
0x65: {  	[sflag:s29] =	ssyncadd.s32 $0xFFFFE800  }
0x66: {  	_ =	swait.ge [sflag:s30], $0x1800  }
0x67: {  	s22 =	sshra.s32 s22, $0x2;
	[sflag:s30] =	ssyncset.done $0x0  }
0x68: {  	s5 =	sadd.s32 $0x2A80, s22;
	[sflag:s30] =	ssyncadd.s32 $0xFFFFE800  }
0x69: {  	[spmem:s2] =	stream.indirect.scatter.add.f32 [tilespmem:s16], [sflag:$0x6], $0x30, s5, s15, $0xb8;
	[tilespmem:$0x14280] =	vst v63  }
0x6a: {  	s5 =	sadd.s32 $0x2B00, s22  }
0x6b: {  	[spmem:s2] =	stream.indirect.scatter.add.f32 [tilespmem:s17], [sflag:$0x7], $0x30, s5, s15, $0xb8;
	[tilespmem:$0x14280] =	vst v63  }
0x6c: {  	s5 =	sadd.s32 $0x2B80, s22  }
0x6d: {  	[spmem:s2] =	stream.indirect.scatter.add.f32 [tilespmem:s19], [sflag:$0x8], $0x30, s5, s15, $0xb8;
	[tilespmem:$0x14280] =	vst v63  }
0x6e: {  	s5 =	sadd.s32 $0x2C00, s22  }
0x6f: {  	[spmem:s2] =	stream.indirect.scatter.add.f32 [tilespmem:s21], [sflag:$0x9], $0x30, s5, s15, $0xb8;
	[tilespmem:$0x14280] =	vst v63  }
0x70: {  	s5 =	sadd.s32 $0x2C80, s22  }
0x71: {  	[spmem:s2] =	stream.indirect.scatter.add.f32 [tilespmem:s23], [sflag:$0xA], $0x30, s5, s15, $0xb8;
	[tilespmem:$0x14280] =	vst v63  }
0x72: {  	_ =	swait.ge [sflag:s31], $0x1800  }
0x73: {  	[sflag:s31] =	ssyncset.done $0x0  }
0x74: {  	s5 =	sadd.s32 $0x280, s22;
	[sflag:s31] =	ssyncadd.s32 $0xFFFFE800  }
0x75: {  	[tilespmem:s16], [sflag:$0x1] =	stream.indirect.gather [hbm4b:s4+s15], $0x30, s5, s15, $0xb8;
	[tilespmem:$0x14280] =	vst v63  }
0x76: {  	_ =	swait.ge [sflag:s1], $0x1800  }
0x77: {  	[sflag:s1] =	ssyncset.done $0x0  }
0x78: {  	s5 =	sadd.s32 $0x300, s22;
	[sflag:s1] =	ssyncadd.s32 $0xFFFFE800  }
0x79: {  	[tilespmem:s17], [sflag:$0x2] =	stream.indirect.gather [hbm4b:s4+s15], $0x30, s5, s15, $0xb8;
	[tilespmem:$0x14280] =	vst v63  }
0x7a: {  	_ =	swait.ge [sflag:s0], $0x1800  }
0x7b: {  	[sflag:s0] =	ssyncset.done $0x0  }
0x7c: {  	s5 =	sadd.s32 $0x380, s22;
	[sflag:s0] =	ssyncadd.s32 $0xFFFFE800  }
0x7d: {  	[tilespmem:s19], [sflag:$0x3] =	stream.indirect.gather [hbm4b:s4+s15], $0x30, s5, s15, $0xb8;
	[tilespmem:$0x14280] =	vst v63  }
0x7e: {  	_ =	swait.ge [sflag:s11], $0x1800  }
0x7f: {  	[sflag:s11] =	ssyncset.done $0x0  }
.Ltmp0:
0x80: {  	s5 =	sadd.s32 $0x400, s22;
	[sflag:s11] =	ssyncadd.s32 $0xFFFFE800;
	(pc) =	sbr.rel @p0 .LBB2_2-.Ltmp0, $4  }
0x81: {  	[tilespmem:s21], [sflag:$0x4] =	stream.indirect.gather [hbm4b:s4+s15], $0x30, s5, s15, $0xb8;
	[tilespmem:$0x14280] =	vst v63  }
0x82: {  	_ =	swait.ge [sflag:s12], $0x1800  }
0x83: {  	[sflag:s12] =	ssyncset.done $0x0  }
0x84: {  	s22 =	sadd.s32 $0x480, s22;
	[sflag:s12] =	ssyncadd.s32 $0xFFFFE800  }
0x85: {  	[tilespmem:s23], [sflag:$0x5] =	stream.indirect.gather [hbm4b:s4+s15], $0x30, s22, s15, $0xb8;
	[tilespmem:$0x14280] =	vst v63  }
0x86: {  	_ =	swait.ge [sflag:s25], $0x1800  }
0x87: {  	[sflag:s25] =	ssyncset.done $0x0  }
0x88: {  	[sflag:s25] =	ssyncadd.s32 $0xFFFFE800  }
0x89: {  	_ =	swait.ge [sflag:s26], $0x1800  }
0x8a: {  	[sflag:s26] =	ssyncset.done $0x0  }
0x8b: {  	[sflag:s26] =	ssyncadd.s32 $0xFFFFE800  }
0x8c: {  	_ =	swait.ge [sflag:s28], $0x1800  }
0x8d: {  	[sflag:s28] =	ssyncset.done $0x0  }
0x8e: {  	[sflag:s28] =	ssyncadd.s32 $0xFFFFE800  }
0x8f: {  	_ =	swait.ge [sflag:s29], $0x1800  }
0x90: {  	[sflag:s29] =	ssyncset.done $0x0  }
0x91: {  	[sflag:s29] =	ssyncadd.s32 $0xFFFFE800  }
0x92: {  	_ =	swait.ge [sflag:s30], $0x1800  }
0x93: {  	s18 =	sadd.s32 $0x1, s18;
	[sflag:s30] =	ssyncset.done $0x0  }
0x94: {  	p0 =	sne.s32 s18, s9;
	[sflag:s30] =	ssyncadd.s32 $0xFFFFE800  }
.Ltmp1:
0x95: {  	[bflag:$0x0] =	sbarrier.arrive $0xFFFF;
	(pc) =	sbr.rel @p0 .LBB2_1-.Ltmp1, $4  }
0x96: {  	[hbm:s24], [sflag:s13] =	dma.local [spmem:s14], $0xF00  }
0x97: {  	_ =	swait.ge [sflag:s10], $0xF00  }
0x98: {  	[sflag:s10] =	ssyncset.done $0x0  }
0x99: {  	[sflag:s10] =	ssyncadd.s32 $0xFFFFF100  }
0x9a: {  	_ =	sfence.sel $0x180000  }
0x9b: {  	[bflag:$0x0] =	sbarrier.arrive $0xFFFF  }
0x9c: {  	_ =	strace $0x9000004D  }
0x9d: {  	s0 =	stileid.u32;
	[bflag:$0x2] =	sbarrier.arrive $0xFFFF  }
0x9e: {  	p0 =	sne.s32 s0, $0x0;
	s0 =	rddreg [dreg:$0x3]  }
0x9f: {  	s0 =	sadd.s32 @!p0 $0x100000, s0  }
0xa0: {  	[sflag:s0] =	ssyncadd.tile.s32 @!p0 $0x1;
	_ =	shalt  }
.Lfunc_end2:
_tile_overlayer_lowered:
.L_overlay_start_2:
0xa1: {  	(tag) =	ssettag $0x2  }
0xa2: {  	s0 =	rddreg [dreg:$0x0];
	s2 =	stileid.u32  }
0xa3: {  	s1 =	rddreg [dreg:$0x1];
	p0 =	sne.s32 s2, $0x0  }
0xa4: {  	s3 =	rddreg [dreg:$0x2];
	[bflag:$0x3] =	sbarrier.arrive $0xFFFF;
	s2 =	simm.s32 @!p0 $0x1C0B  }
0xa5: {  	[timem:s3], [sflag:s2] =	dma.local @!p0 [hbm:s0], s1  }
0xa6: {  	s0 =	simm.s32 @!p0 $0xB  }
0xa7: {  	_ =	swait.ge @!p0 [sflag:s0], s1  }
0xa8: {  	s1 =	ssub.s32 @!p0 $0x0, s1;
	[sflag:s0] =	ssyncset.done @!p0 $0x0  }
0xa9: {  	[sflag:s0] =	ssyncadd.s32 @!p0 s1  }
0xaa: {  	[bflag:$0x3] =	sbarrier.arrive $0xFFFF  }
0xab: {  	_ =	shalt  }

// kernel: kernel.8.cloned.1.call-start
scs
__scs_entry_jumppad:
0x0: {  	(pc) =	sbr.rel $0x88, $3  }
0x1: {  	(tag) =	ssettag $0x0;
	lr =	simm.s32 $0x1  }
0x2: {  	[smem:$0x3F9B] =	sst lr;
	_ =	strace $0xD0000000  }
0x3: {  	_ = 	snop  }
0x4: {  	_ = 	snop  }
0x5: {  	_ = 	snop  }
0x6: {  	_ = 	snop  }
0x7: {  	_ = 	snop  }
__scs_overlays_trampoline_lowered:
0x8: {  	[smem:$0x3FAA] =	sst s0  }
0x9: {  	[smem:$0x3FAB] =	sst s1  }
0xa: {  	[smem:$0x3FAC] =	sst s2  }
0xb: {  	[smem:$0x3FAD] =	sst s3  }
0xc: {  	[smem:$0x3FAE] =	sst s4  }
0xd: {  	[smem:$0x3FAF] =	sst s5  }
0xe: {  	[smem:$0x3FB0] =	sst s6  }
0xf: {  	[smem:$0x3FB1] =	sst s7  }
0x10: {  	[smem:$0x3FB2] =	sst s8  }
0x11: {  	[smem:$0x3FB3] =	sst s9;
	s0 =	simm.s32 @!p0 $0x0  }
0x12: {  	s1 =	sld [smem:$0x3F99];
	s0 =	simm.s32 @p0 $0x1  }
0x13: {  	[smem:$0x3FB4] =	sst s0;
	s0 =	simm.s32 @!p1 $0x0  }
0x14: {  	s2 =	sld [smem:$0x3F98];
	s0 =	simm.s32 @p1 $0x1  }
0x15: {  	[smem:$0x3FB5] =	sst s0;
	s0 =	simm.s32 @!p2 $0x0  }
0x16: {  	s3 =	sld [smem:$0x3FDB];
	s0 =	simm.s32 @p2 $0x1  }
0x17: {  	s4 =	simm.s32 $0x1BF5;
	[smem:$0x3FB7] =	sst s0  }
0x18: {  	s0 =	sld [smem:$0x3F9A];
	_ =	swait.ge [sflag:s4], $0x0  }
0x19: {  	s7 =	sld [smem:$0x3F9B]  }
0x1a: {  	s8 =	sadd.s32 $0xFFFFE003, lr  }
0x1b: {  	s9 =	sadd.s32 $0xFFFFFEF7, lr;
	s5 =	simm.s32 $0xFFFFFFFF;
	p2 =	slt.u32 s8, $0xFFFFF086  }
0x1c: {  	p1 =	slt.u32 s9, $0xF7A;
	s5 =	simm.s32 @!p2 $0x0  }
0x1d: {  	s5 =	simm.s32 @p1 $0x1;
	p0 =	seq.s32 s7, s2  }
0x1e: {  	s7 =	smul.u32 @!p0 $0xF7A, s2;
	p2 =	seq.s32 @!p0 s5, $0x0  }
0x1f: {  	s9 =	smul.u32 $0xF7A, s1;
	s8 =	simm.s32 @!p0 $0x1BF5;
	p2 =	por !p2, p0  }
0x20: {  	[sflag:s8] =	ssyncset.s32 @!p0 $0xFFFFF086;
	s6 =	sadd.s32 @!p0 s3, s7;
	s7 =	simm.s32 @!p0 $0x108  }
0x21: {  	s3 =	sadd.s32 s3, s9;
	s6 =	sadd.s32 @!p0 $0x88, s6;
	s7 =	simm.s32 @p2 $0x1082  }
0x22: {  	[simem:s7], [sflag:s8] =	dma.local @!p0 [hbm:s6], $0xF7A  }
0x23: {  	s9 =	sor.u32 $0xD0000000, s2;
	s6 =	simm.s32 $0x108;
	_ =	swait.ge @!p0 [sflag:s8], $0x0  }
0x24: {  	s3 =	sadd.s32 $0x88, s3;
	s6 =	simm.s32 @!p1 $0x1082;
	[sflag:s4] =	ssyncset.s32 $0xFFFFF086  }
0x25: {  	[simem:s6], [sflag:s4] =	dma.local [hbm:s3], $0xF7A  }
0x26: {  	[smem:$0x3F9B] =	sst s1;
	(tag) =	ssettag s2;
	_ =	strace s9  }
0x27: {  	s1 =	sld [smem:$0x3FAB]  }
0x28: {  	s2 =	sld [smem:$0x3FAC]  }
0x29: {  	s4 =	sld [smem:$0x3FAE]  }
0x2a: {  	p0 =	seq.s32 s5, $0x0;
	s5 =	sld [smem:$0x3FAF]  }
0x2b: {  	s6 =	sld [smem:$0x3FB0]  }
0x2c: {  	s7 =	sld [smem:$0x3FB1]  }
0x2d: {  	s3 =	simm.s32 $0x108;
	s8 =	sld [smem:$0x3FB2]  }
0x2e: {  	s3 =	simm.s32 @!p0 $0x1082;
	s9 =	sld [smem:$0x3FB3]  }
0x2f: {  	lr =	sadd.s32 s0, s3;
	s0 =	sld [smem:$0x3FAA]  }
0x30: {  	s3 =	sld [smem:$0x3FAD]  }
0x31: {  	[smem:$0x3FB6] =	sst s10  }
0x32: {  	s10 =	sld [smem:$0x3FB4];
	_ =	sdelay $0x3  }
0x33: {  	p0 =	seq.s32 s10, $0x1;
	s10 =	sld [smem:$0x3FB6];
	_ =	sdelay $0x3  }
0x34: {  	[smem:$0x3FB6] =	sst s10  }
0x35: {  	s10 =	sld [smem:$0x3FB5];
	_ =	sdelay $0x3  }
0x36: {  	p1 =	seq.s32 s10, $0x1;
	s10 =	sld [smem:$0x3FB6];
	_ =	sdelay $0x3  }
0x37: {  	[smem:$0x3FB6] =	sst s10  }
0x38: {  	s10 =	sld [smem:$0x3FB7]  }
0x39: {  	_ = 	snop;
	(pc) =	sbr.ind lr, $3  }
0x3a: {  	_ = 	snop  }
0x3b: {  	_ = 	snop  }
0x3c: {  	p2 =	seq.s32 s10, $0x1;
	s10 =	sld [smem:$0x3FB6]  }
0x3d: {  	_ =	shalt  }
0x3e: {  	_ =	shalt  }
0x3f: {  	_ =	shalt  }
0x40: {  	_ =	shalt  }
0x41: {  	_ =	shalt  }
0x42: {  	_ =	shalt  }
0x43: {  	_ =	shalt  }
0x44: {  	_ =	shalt  }
0x45: {  	_ =	shalt  }
0x46: {  	_ =	shalt  }
0x47: {  	_ =	shalt  }
0x48: {  	_ =	shalt  }
0x49: {  	_ =	shalt  }
0x4a: {  	_ =	shalt  }
0x4b: {  	_ =	shalt  }
0x4c: {  	_ =	shalt  }
0x4d: {  	_ =	shalt  }
0x4e: {  	_ =	shalt  }
0x4f: {  	_ =	shalt  }
0x50: {  	_ =	shalt  }
0x51: {  	_ =	shalt  }
0x52: {  	_ =	shalt  }
0x53: {  	_ =	shalt  }
0x54: {  	_ =	shalt  }
0x55: {  	_ =	shalt  }
0x56: {  	_ =	shalt  }
0x57: {  	_ =	shalt  }
0x58: {  	_ =	shalt  }
0x59: {  	_ =	shalt  }
0x5a: {  	_ =	shalt  }
0x5b: {  	_ =	shalt  }
0x5c: {  	_ =	shalt  }
0x5d: {  	_ =	shalt  }
0x5e: {  	_ =	shalt  }
0x5f: {  	_ =	shalt  }
0x60: {  	_ =	shalt  }
0x61: {  	_ =	shalt  }
0x62: {  	_ =	shalt  }
0x63: {  	_ =	shalt  }
0x64: {  	_ =	shalt  }
0x65: {  	_ =	shalt  }
0x66: {  	_ =	shalt  }
0x67: {  	_ =	shalt  }
0x68: {  	_ =	shalt  }
0x69: {  	_ =	shalt  }
0x6a: {  	_ =	shalt  }
0x6b: {  	_ =	shalt  }
0x6c: {  	_ =	shalt  }
0x6d: {  	_ =	shalt  }
0x6e: {  	_ =	shalt  }
0x6f: {  	_ =	shalt  }
0x70: {  	_ =	shalt  }
0x71: {  	_ =	shalt  }
0x72: {  	_ =	shalt  }
0x73: {  	_ =	shalt  }
0x74: {  	_ =	shalt  }
0x75: {  	_ =	shalt  }
0x76: {  	_ =	shalt  }
0x77: {  	_ =	shalt  }
0x78: {  	_ =	shalt  }
0x79: {  	_ =	shalt  }
0x7a: {  	_ =	shalt  }
0x7b: {  	_ =	shalt  }
0x7c: {  	_ =	shalt  }
0x7d: {  	_ =	shalt  }
0x7e: {  	_ =	shalt  }
0x7f: {  	_ =	shalt  }
0x80: {  	_ =	shalt  }
0x81: {  	_ =	shalt  }
0x82: {  	_ =	shalt  }
0x83: {  	_ =	shalt  }
0x84: {  	_ =	shalt  }
0x85: {  	_ =	shalt  }
0x86: {  	_ =	shalt  }
0x87: {  	_ =	shalt  }
.Lfunc_end0:
.L_simem_size_0:
called_computation_lowered:
.L_overlay_start_0:
0x88: {  	s2 =	sld [smem:$0x3FD9]  }
0x89: {  	s3 =	sld [smem:$0x3FFE];
	_ =	sdelay $0x1  }
0x8a: {  	s1 =	srdreg.scid  }
0x8b: {  	s0 =	sand.u32 $0x1, s1  }
0x8c: {  	s17 =	sshll.u32 s0, $0xA;
	s2 =	sadd.s32 s3, s2  }
0x8d: {  	s2 =	sadd.s32 s2, s17  }
0x8e: {  	[smem:$0x3FC2] =	sst s2  }
0x8f: {  	_ = 	snop  }
0x90: {  	s2 =	sld [smem:$0x3FD0];
	(tm) =	ssettm $0x1  }
0x91: {  	s18 =	sld [smem:$0x3FFB];
	_ =	sdelay $0x3  }
0x92: {  	_ =	strace s18  }
0x93: {  	s3 =	sld [smem:$0x3FFC];
	_ =	sdelay $0x3  }
0x94: {  	_ =	strace s3  }
0x95: {  	s3 =	sld [smem:$0x3FFD];
	_ =	sdelay $0x3  }
0x96: {  	_ =	strace s3  }
0x97: {  	_ =	strace $0x8FFFFFFF  }
0x98: {  	s19 =	sld [smem:$0x3FDB];
	_ =	sdelay $0x1  }
0x99: {  	s4 =	simm.s32 $_scs_section_size  }
0x9a: {  	s5 =	simm.s32 $_size__tile_overlayer_lowered;
	s6 =	simm.s32 $_tile_overlayer_lowered  }
0x9b: {  	s22 =	simm.s32 $0x1BFF;
	s21 =	sshll.u32 s6, $0x1;
	s3 =	sadd.s32 s4, s19  }
0x9c: {  	s7 =	simm.s32 $0x0;
	s20 =	sshll.u32 s5, $0x1;
	s5 =	sadd.s32 s21, s3  }
0x9d: {  	[timem:s7], [sflag:s22] =	dma.local [hbm:s5], s20  }
0x9e: {  	_ =	swait.ge [sflag:s22], s20  }
0x9f: {  	s4 =	ssub.s32 $0x0, s20;
	[sflag:s22] =	ssyncset.done $0x0  }
0xa0: {  	[sflag:s22] =	ssyncadd.s32 s4;
	_ =	sdelay $0x1  }
0xa1: {  	s23 =	simm.s32 $0x1B8B  }
0xa2: {  	_ =	swait.ge [sflag:s23], $0x1  }
0xa3: {  	[sflag:s23] =	ssyncset.done $0x0  }
0xa4: {  	s25 =	simm.s32 $0x1B8E;
	s24 =	sld [smem:$0x3FFE];
	[sflag:s23] =	ssyncadd.s32 $0xFFFFFFFF  }
0xa5: {  	s26 =	simm.s32 $execute0_lowered;
	[smem:$0x3FD2] =	sst s25  }
0xa6: {  	s5 =	sshll.u32 s26, $0x1;
	_ =	strace $0x80000046;
	[dreg:$0x1] =	wrdreg $0xFFFFFFFF  }
0xa7: {  	s28 =	simm.s32 $_size_execute0_lowered;
	s3 =	sadd.s32 s3, s5;
	[dreg:$0x0] =	wrdreg $0x0  }
0xa8: {  	s5 =	sshll.u32 s28, $0x1;
	[dreg:$0x2] =	wrdreg s3  }
0xa9: {  	[dreg:$0x3] =	wrdreg s5  }
0xaa: {  	[dreg:$0x4] =	wrdreg $0xC0  }
0xab: {  	_ =	task [dreg:s7], $0x5FFFF  }
0xac: {  	[dreg:$0x1] =	wrdreg $0xFFFFFFFF  }
0xad: {  	[dreg:$0x0] =	wrdreg $0x60  }
0xae: {  	[dreg:$0x2] =	wrdreg s2  }
0xaf: {  	[dreg:$0x3] =	wrdreg s24  }
0xb0: {  	[dreg:$0x4] =	wrdreg $0x30000  }
0xb1: {  	[dreg:$0x5] =	wrdreg $0x9  }
0xb2: {  	_ =	task.clear_ibuf [dreg:s7], $0x6FFFF;
	_ =	strace $0x90000046  }
0xb3: {  	s29 =	simm.s32 $0x9;
	_ =	strace $0x80000048  }
0xb4: {  	_ =	swait.ge [sflag:s29], $0x1  }
0xb5: {  	[sflag:s29] =	ssyncadd.s32 $0xFFFFFFFF  }
0xb6: {  	_ =	strace $0x90000048  }
0xb7: {  	_ =	sfence  }
0xb8: {  	s30 =	sld [smem:$0x0];
	_ =	sdelay $0x2  }
0xb9: {  	s31 =	sshll.u32 s1, $0xD;
	s1 =	sshrl.u32 s1, $0x2  }
0xba: {  	s3 =	sand.u32 $0x4000, s31;
	s1 =	sadd.s32 s1, s30  }
0xbb: {  	s0 =	sor.u32 s3, s0;
	s1 =	sshll.u32 s1, $0x11  }
0xbc: {  	s0 =	sor.u32 s1, s0  }
0xbd: {  	s0 =	sadd.s32 $0x8F2B, s0  }
0xbe: {  	[sflag:s0] =	ssyncadd.remote.s32 $0x1  }
0xbf: {  	_ =	sfence.sel $0xFFFF  }
0xc0: {  	[dreg:$0x0] =	wrdreg $0xFFFFFFFF;
	(pc) =	sbr.abs _section_cstart, $3  }
0xc1: {  	[dreg:$0x1] =	wrdreg $0xFFFFFFFF  }
0xc2: {  	_ =	task.clear_ibuf [dreg:s7], $0x2FFFF;
	_ =	strace $0x9FFFFFFF  }
0xc3: {  	(tm) =	ssettm $0x7FFFFFFF  }
tec
execute0_lowered:
.L_overlay_start_1:
0x0: {  	(tag) =	ssettag $0x1  }
0x1: {  	s6 =	rddreg [dreg:$0x0]  }
0x2: {  	s7 =	rddreg [dreg:$0x1]  }
0x3: {  	s1 =	rddreg [dreg:$0x2]  }
0x4: {  	s2 =	srdreg.scid;
	s0 =	rddreg [dreg:$0x3]  }
0x5: {  	s3 =	simm.s32 $0x0;
	s13 =	simm.s32 $0x1;
	s5 =	sand.u32 $0x1, s2  }
0x6: {  	s2 =	stileid.u32;
	[smem:$0x7FF] =	sst s3;
	s4 =	sshll.u32 s5, $0x4  }
0x7: {  	s8 =	smul.u32 $0x5000, s5;
	_ =	strace $0x80000047;
	s10 =	ssub.s32 $0x2, s5  }
0x8: {  	s11 =	smul.u32 $0x2800, s2;
	s5 =	sadd.s32 $0xB800, s7;
	s4 =	sor.u32 s2, s4  }
0x9: {  	s31 =	sshll.u32 s2, $0x6;
	s30 =	sshrl.u32 s10, $0x1;
	s9 =	smul.u32 $0x500, s4  }
0xa: {  	s4 =	sadd.s32 $0xBE00, s7;
	s7 =	sadd.s32 s8, s7;
	s8 =	ssub.s32 s10, s30  }
0xb: {  	s12 =	sadd.s32 s11, s1;
	s15 =	sshrl.u32 s11, $0x3;
	s10 =	sor.u32 $0x1C02, s31  }
0xc: {  	s14 =	sadd.s32 $0xC000, s7;
	s7 =	smax.u32 s8, $0x1;
	s8 =	simm.s32 $0x2  }
0xd: {  	s11 =	sshrl.u32 s12, $0x3;
	s12 =	simm.s32 $0x80;
	s6 =	sadd.s32 s6, s9  }
0xe: {  	s9 =	simm.s32 $0x2800;
	s14 =	sadd.s32 s15, s14;
	s15 =	simm.s32 $0x0  }
.LBB2_1:
0xf: {  	[tilespmem:s3], [sflag:$0x2] =	stream.linear.gather [hbm4b:s6+s3], $0x2800, $0x38;
	[tilespmem:$0x5800] =	vst v63  }
0x10: {  	_ =	swait.ge [sflag:s8], $0x2800  }
0x11: {  	[sflag:s8] =	ssyncset.done $0x0  }
0x12: {  	[sflag:s8] =	ssyncadd.s32 $0xFFFFD800  }
0x13: {  	[tilespmem:s9], [sflag:$0x2] =	stream.linear.gather [hbm4b:s4+s3], $0x800, $0x38;
	[tilespmem:$0x5800] =	vst v63  }
0x14: {  	_ =	swait.ge [sflag:s8], $0x800  }
0x15: {  	[sflag:s8] =	ssyncset.done $0x0  }
0x16: {  	[sflag:s8] =	ssyncadd.s32 $0xFFFFF800  }
0x17: {  	[spmem:s11], [sflag:s10] =	dma.local [hbm:s5], $0x500  }
0x18: {  	_ =	swait.ge [sflag:s8], $0x500  }
0x19: {  	[sflag:s8] =	ssyncset.done $0x0  }
0x1a: {  	[sflag:s8] =	ssyncadd.s32 $0xFFFFFB00  }
0x1b: {  	s16 =	simm.s32 $0x0;
	[bflag:$0x0] =	sbarrier.arrive $0xFFFF  }
.LBB2_2:
0x1c: {  	p0 =	sne.s32 s16, $0x9E00  }
.Ltmp0:
0x1d: {  	_ = 	snop;
	(pc) =	sbr.rel @p0 .LBB2_2-.Ltmp0, $3  }
0x1e: {  	_ =	sdelay $0x1  }
0x1f: {  	s17 =	sshra.s32 s16, $0x2;
	s16 =	sadd.s32 $0x200, s16  }
0x20: {  	[spmem:s1] =	stream.indirect.scatter.add.f32 [tilespmem:s9], [sflag:$0x1], $0x10, s17, s12, $0xb8;
	[tilespmem:$0x5800] =	vst v63  }
0x21: {  	_ =	swait.ge [sflag:s13], $0x800  }
0x22: {  	s16 =	simm.s32 $0x4F;
	[sflag:s13] =	ssyncset.done $0x0  }
.LBB2_4:
0x23: {  	p0 =	sne.s32 s16, $0x1;
	s16 =	sadd.s32 $0xFFFFFFFF, s16;
	[sflag:s13] =	ssyncadd.s32 $0xFFFFF800  }
.Ltmp1:
0x24: {  	(pc) =	sbr.rel @p0 .LBB2_4-.Ltmp1, $3  }
0x25: {  	_ =	sdelay $0x1  }
0x26: {  	_ =	swait.ge [sflag:s13], $0x800  }
0x27: {  	[sflag:s13] =	ssyncset.done $0x0  }
0x28: {  	s15 =	sadd.s32 $0x1, s15  }
0x29: {  	[sflag:s13] =	ssyncadd.s32 $0xFFFFF800;
	p0 =	sne.s32 s15, s7  }
.Ltmp2:
0x2a: {  	[bflag:$0x0] =	sbarrier.arrive $0xFFFF;
	(pc) =	sbr.rel @p0 .LBB2_1-.Ltmp2, $4  }
0x2b: {  	[hbm:s14], [sflag:s10] =	dma.local [spmem:s11], $0x500  }
0x2c: {  	_ =	swait.ge [sflag:s8], $0x500  }
0x2d: {  	[sflag:s8] =	ssyncset.done $0x0  }
0x2e: {  	[sflag:s8] =	ssyncadd.s32 $0xFFFFFB00  }
0x2f: {  	_ =	sfence.sel $0x180000  }
0x30: {  	[bflag:$0x0] =	sbarrier.arrive $0xFFFF  }
0x31: {  	p0 =	sne.s32 s2, $0x0;
	_ =	strace $0x90000047  }
0x32: {  	s0 =	sadd.s32 @!p0 $0x100000, s0;
	[bflag:$0x2] =	sbarrier.arrive $0xFFFF  }
0x33: {  	[sflag:s0] =	ssyncadd.tile.s32 @!p0 $0x1;
	_ =	shalt  }
.Lfunc_end2:
_tile_overlayer_lowered:
.L_overlay_start_2:
0x34: {  	(tag) =	ssettag $0x2  }
0x35: {  	s0 =	rddreg [dreg:$0x0];
	s2 =	stileid.u32  }
0x36: {  	s1 =	rddreg [dreg:$0x1];
	p0 =	sne.s32 s2, $0x0  }
0x37: {  	s3 =	rddreg [dreg:$0x2];
	[bflag:$0x3] =	sbarrier.arrive $0xFFFF;
	s2 =	simm.s32 @!p0 $0x1C02  }
0x38: {  	[timem:s3], [sflag:s2] =	dma.local @!p0 [hbm:s0], s1  }
0x39: {  	s0 =	simm.s32 @!p0 $0x2  }
0x3a: {  	_ =	swait.ge @!p0 [sflag:s0], s1  }
0x3b: {  	s1 =	ssub.s32 @!p0 $0x0, s1;
	[sflag:s0] =	ssyncset.done @!p0 $0x0  }
0x3c: {  	[sflag:s0] =	ssyncadd.s32 @!p0 s1  }
0x3d: {  	[bflag:$0x3] =	sbarrier.arrive $0xFFFF  }
0x3e: {  	_ =	shalt  }

</sc_bundles>
